<compile_context>
chip_gen: v7x
topology: tpu7x:2x2x1
jax: 0.10.2.dev20260603
libtpu: 0.0.44.dev20260713+nightly
codegen_flags: <defaults>
</compile_context>

<pallas_src>
import jax
import jax.numpy as jnp
from jax import lax
from jax.experimental import pallas as pl
from jax.experimental.pallas import tpu as pltpu
from jax.experimental.pallas import tpu_sc as plsc

HBLK = 2
NT = 32
NH = 48
NSC = NH - NT
NC = 2
NS = 16
HPC = NSC // NC
TF = 2048
TT = 512
ROWS_PER_TILE = TF // NS
CHUNK = 64
CPH = ROWS_PER_TILE // CHUNK


def _tc_scores_body(x_ref, sc_ref):
    b = pl.program_id(0)
    x = x_ref[...]
    m = jnp.max(x, axis=2)
    for i in range(HBLK):
        sc_ref[b * HBLK + i] = jnp.sum(m[i])


def _sc_scores_body(flat_ref, part_ref, buf0, buf1, accv, sem0, sem1):
    c = lax.axis_index("c")
    s = lax.axis_index("s")
    K = HPC * CPH

    def chunk_src(k):
        h = NT + c * HPC + k // CPH
        r0 = s * ROWS_PER_TILE + (k % CPH) * CHUNK
        return flat_ref.at[h, pl.ds(r0, CHUNK), :]

    pltpu.async_copy(chunk_src(0), buf0, sem0)
    pltpu.async_copy(chunk_src(1), buf1, sem1)

    def outer(i, acc):
        for b, (buf, sem) in enumerate(((buf0, sem0), (buf1, sem1))):
            k = i * 2 + b
            pltpu.make_async_copy(chunk_src(k), buf, sem).wait()

            def row4(g, cs):
                ms = []
                for rr in range(4):
                    r = g * 4 + rr
                    mx = buf[r, pl.ds(0, 16)]
                    for t in range(1, TT // 16):
                        mx = jnp.maximum(mx, buf[r, pl.ds(t * 16, 16)])
                    ms.append(jnp.max(mx))
                return cs + ((ms[0] + ms[1]) + (ms[2] + ms[3]))

            cs = lax.fori_loop(0, CHUNK // 4, row4, jnp.float32(0.0))

            @pl.when(k + 2 < K)
            def _():
                pltpu.async_copy(chunk_src(k + 2), buf, sem)

            lane = k // CPH
            mask = lax.iota(jnp.int32, 16) == lane
            acc = jnp.where(mask, acc + cs, acc)
        return acc

    acc = lax.fori_loop(0, K // 2, outer, jnp.zeros((16,), jnp.float32))
    accv[...] = acc
    pltpu.sync_copy(accv, part_ref.at[c, s])


def _merge_body(tcs_ref, scp_ref, widx_ref, focus_ref, scs_ref):
    def sum_tiles(j, _):
        c = j // HPC
        lane = j % HPC

        def add_tile(s, tot):
            return tot + scp_ref[c, s, lane]

        scs_ref[j] = lax.fori_loop(0, NS, add_tile, jnp.float32(0.0))
        return 0

    lax.fori_loop(0, NSC, sum_tiles, 0)

    def step(h, carry):
        best, idx = carry
        tc_v = tcs_ref[jnp.minimum(h, NT - 1)]
        sc_v = scs_ref[jnp.maximum(h - NT, 0)]
        v = jnp.where(h < NT, tc_v, sc_v)
        take = v > best
        return jnp.where(take, v, best), jnp.where(take, h, idx)

    best, idx = lax.fori_loop(0, NH, step,
                              (jnp.float32(-1.0), jnp.int32(0)))
    for i in range(16):
        widx_ref[i] = idx
    focus_ref[0] = best / TF


def _winner_body(widx_ref, x_ref, dur_ref):
    x = x_ref[0]
    Tf, Tt = x.shape
    rowmax = jnp.max(x, axis=1, keepdims=True)
    ids = lax.broadcasted_iota(jnp.int32, (Tf, Tt), 1)
    am = jnp.min(jnp.where(x == rowmax, ids, Tt), axis=1, keepdims=True)
    onehot = (am == ids).astype(jnp.int32)
    dur_ref[...] = jnp.sum(onehot, axis=0, keepdims=True)


def _sc_scores(flat):
    mesh = plsc.VectorSubcoreMesh(core_axis_name="c", subcore_axis_name="s")
    f = pl.kernel(
        _sc_scores_body,
        out_type=jax.ShapeDtypeStruct((NC, NS, 16), jnp.float32),
        mesh=mesh,
        compiler_params=pltpu.CompilerParams(needs_layout_passes=False),
        scratch_types=[
            pltpu.VMEM((CHUNK, TT), jnp.float32),
            pltpu.VMEM((CHUNK, TT), jnp.float32),
            pltpu.VMEM((16,), jnp.float32),
            pltpu.SemaphoreType.DMA,
            pltpu.SemaphoreType.DMA,
        ],
    )
    return f(flat)


def kernel(att_ws):
    L, H, Tf, Tt = att_ws.shape
    flat = att_ws.reshape(L * H, Tf, Tt)
    tc_scores = pl.pallas_call(
        _tc_scores_body,
        grid=(NT // HBLK,),
        in_specs=[pl.BlockSpec((HBLK, Tf, Tt), lambda b: (b, 0, 0))],
        out_specs=pl.BlockSpec(memory_space=pltpu.SMEM),
        out_shape=jax.ShapeDtypeStruct((NT,), jnp.float32),
    )(flat)
    sc_part = _sc_scores(flat)
    widx, focus = pl.pallas_call(
        _merge_body,
        in_specs=[
            pl.BlockSpec(memory_space=pltpu.SMEM),
            pl.BlockSpec(memory_space=pltpu.SMEM),
        ],
        out_specs=[
            pl.BlockSpec(memory_space=pltpu.SMEM),
            pl.BlockSpec(memory_space=pltpu.SMEM),
        ],
        out_shape=[
            jax.ShapeDtypeStruct((16,), jnp.int32),
            jax.ShapeDtypeStruct((1,), jnp.float32),
        ],
        scratch_shapes=[pltpu.SMEM((NSC,), jnp.float32)],
    )(tc_scores, sc_part)
    dur = pl.pallas_call(
        _winner_body,
        grid_spec=pltpu.PrefetchScalarGridSpec(
            num_scalar_prefetch=1,
            grid=(1,),
            in_specs=[pl.BlockSpec((1, Tf, Tt), lambda g, w: (w[0], 0, 0))],
            out_specs=pl.BlockSpec((1, Tt), lambda g, w: (0, 0)),
        ),
        out_shape=jax.ShapeDtypeStruct((1, Tt), jnp.int32),
    )(widx, flat)
    durations = dur[0].astype(jnp.int64)
    focus_rate = focus[0]
    return durations, focus_rate

# --- scband reference (transcript-rebuilt; emitter-appended) ---
"""Pipeline reference for scband-duration-calculator-2662879724396 (READ-ONLY COPY).

The authoritative reference and input builder live on the scoring server;
editing this copy changes nothing except your own understanding.
"""

import jax, jax.numpy as jnp
import numpy as np


def setup_inputs(seed: int = 0) -> dict:
    key = jax.random.key(seed)
    att_ws = jax.random.uniform(key, (6, 8, 2048, 512), dtype=jnp.float32)
    return {"att_ws": att_ws}


def reference(att_ws):
    # att_ws: (L, H, T_feats, T_text)
    L, H, Tf, Tt = att_ws.shape
    # _calculate_duration (4D branch): cat over layers -> (L*H, T_feats, T_text)
    flat = att_ws.reshape(L * H, Tf, Tt)
    diagonal_scores = flat.max(axis=-1).mean(axis=-1)  # (L*H,)
    diagonal_head_idx = jnp.argmax(diagonal_scores)
    att = flat[diagonal_head_idx]  # (T_feats, T_text)
    am = jnp.argmax(att, axis=-1)  # (T_feats,)
    # durations[i] = count of frames whose argmax text index == i
    durations = jnp.bincount(am, length=Tt).astype(jnp.int64)  # (T_text,)
    # _calculate_focus_rete (4D branch)
    focus_rate = att_ws.max(axis=-1).mean(axis=-1).max()
    return durations, focus_rate

if __name__ == "__main__":
    import jax
    _d = setup_inputs()
    print(jax.jit(kernel)(*tuple(_d.values())))

</pallas_src>

<mosaic_0001>
#map = affine_map<(d0, d1) -> (0, 0, 0)>
module attributes {stable_mosaic.version = 14 : i64} {
  func.func @_sc_scores_body(%arg0: i32, %arg1: i32, %arg2: memref<48x2048x512xf32, #tpu.memory_space<hbm>>, %arg3: memref<2x16x16xf32, #tpu.memory_space<hbm>>, %arg4: memref<64x512xf32, #tpu.memory_space<vmem>>, %arg5: memref<64x512xf32, #tpu.memory_space<vmem>>, %arg6: memref<16xf32, #tpu.memory_space<vmem>>, %arg7: memref<!tpu.dma_semaphore, #tpu.memory_space<semaphore_mem>>, %arg8: memref<!tpu.dma_semaphore, #tpu.memory_space<semaphore_mem>>) attributes {dimension_semantics = [#tpu.dimension_semantics<core_parallel>, #tpu.dimension_semantics<subcore_parallel>], iteration_bounds = array<i64: 2, 16>, scalar_prefetch = 0 : i64, scratch_operands = 5 : i64, tpu.core_type = #tpu.core_type<sc_vector_subcore>, window_params = [{transform_indices = #map}, {transform_indices = #map}]} {
    %mul3A = arith.constant 8 : i32
    %mul3A_0 = arith.muli %arg0, %mul3A : i32
    %add3A = arith.constant 32 : i32
    %add3A_1 = arith.addi %add3A, %mul3A_0 : i32
    %add3A_2 = arith.constant 0 : i32
    %add3A_3 = arith.addi %add3A_1, %add3A_2 : i32
    %mul3A_4 = arith.constant 128 : i32
    %mul3A_5 = arith.muli %arg1, %mul3A_4 : i32
    %add3A_6 = arith.constant 0 : i32
    %add3A_7 = arith.addi %mul3A_5, %add3A_6 : i32
    %dma_start3A = arith.constant 0 : i32
    %dma_start3A_8 = tpu.memref_slice %arg2[%add3A_3, %add3A_7, %dma_start3A] : memref<48x2048x512xf32, #tpu.memory_space<hbm>> -> memref<1x64x512xf32, #tpu.memory_space<hbm>>
    %dma_start3A_9 = tpu.memref_squeeze %dma_start3A_8 : memref<1x64x512xf32, #tpu.memory_space<hbm>> -> memref<64x512xf32, #tpu.memory_space<hbm>>
    %dma_start3A_10 = arith.constant 0 : i32
    %dma_start3A_11 = tpu.memref_slice %arg2[%add3A_3, %add3A_7, %dma_start3A_10] : memref<48x2048x512xf32, #tpu.memory_space<hbm>> -> memref<1x64x512xf32, #tpu.memory_space<hbm>>
    %dma_start3A_12 = tpu.memref_squeeze %dma_start3A_11 : memref<1x64x512xf32, #tpu.memory_space<hbm>> -> memref<64x512xf32, #tpu.memory_space<hbm>>
    tpu.enqueue_dma source(%dma_start3A_12 : memref<64x512xf32, #tpu.memory_space<hbm>>) target(%arg4 : memref<64x512xf32, #tpu.memory_space<vmem>>) target_semaphore(%arg7 : memref<!tpu.dma_semaphore, #tpu.memory_space<semaphore_mem>>)
    %mul3A_13 = arith.constant 8 : i32
    %mul3A_14 = arith.muli %arg0, %mul3A_13 : i32
    %add3A_15 = arith.constant 32 : i32
    %add3A_16 = arith.addi %add3A_15, %mul3A_14 : i32
    %add3A_17 = arith.constant 0 : i32
    %add3A_18 = arith.addi %add3A_16, %add3A_17 : i32
    %mul3A_19 = arith.constant 128 : i32
    %mul3A_20 = arith.muli %arg1, %mul3A_19 : i32
    %add3A_21 = arith.constant 64 : i32
    %add3A_22 = arith.addi %mul3A_20, %add3A_21 : i32
    %dma_start3A_23 = arith.constant 0 : i32
    %dma_start3A_24 = tpu.memref_slice %arg2[%add3A_18, %add3A_22, %dma_start3A_23] : memref<48x2048x512xf32, #tpu.memory_space<hbm>> -> memref<1x64x512xf32, #tpu.memory_space<hbm>>
    %dma_start3A_25 = tpu.memref_squeeze %dma_start3A_24 : memref<1x64x512xf32, #tpu.memory_space<hbm>> -> memref<64x512xf32, #tpu.memory_space<hbm>>
    %dma_start3A_26 = arith.constant 0 : i32
    %dma_start3A_27 = tpu.memref_slice %arg2[%add3A_18, %add3A_22, %dma_start3A_26] : memref<48x2048x512xf32, #tpu.memory_space<hbm>> -> memref<1x64x512xf32, #tpu.memory_space<hbm>>
    %dma_start3A_28 = tpu.memref_squeeze %dma_start3A_27 : memref<1x64x512xf32, #tpu.memory_space<hbm>> -> memref<64x512xf32, #tpu.memory_space<hbm>>
    tpu.enqueue_dma source(%dma_start3A_28 : memref<64x512xf32, #tpu.memory_space<hbm>>) target(%arg5 : memref<64x512xf32, #tpu.memory_space<vmem>>) target_semaphore(%arg8 : memref<!tpu.dma_semaphore, #tpu.memory_space<semaphore_mem>>)
    %broadcast_in_dim3A = arith.constant 0.000000e+00 : f32
    %broadcast_in_dim3A_29 = vector.broadcast %broadcast_in_dim3A : f32 to vector<16xf32>
    %scan3A = arith.constant 0 : i32
    %scan3A_30 = arith.constant 8 : i32
    %scan3A_31 = arith.addi %scan3A, %scan3A_30 : i32
    %scan3A_32 = arith.constant 1 : i32
    %scan3A_33 = scf.for %scan3A_36 = %scan3A to %scan3A_31 step %scan3A_32 iter_args(%scan3A_37 = %broadcast_in_dim3A_29) -> (vector<16xf32>)  : i32 {
      %mul3A_38 = arith.constant 2 : i32
      %mul3A_39 = arith.muli %scan3A_36, %mul3A_38 : i32
      %add3A_40 = arith.constant 0 : i32
      %add3A_41 = arith.addi %mul3A_39, %add3A_40 : i32
      %mul3A_42 = arith.constant 8 : i32
      %mul3A_43 = arith.muli %arg0, %mul3A_42 : i32
      %add3A_44 = arith.constant 32 : i32
      %add3A_45 = arith.addi %add3A_44, %mul3A_43 : i32
      %jit3A = arith.constant 2 : i32
      %div3A = arith.divsi %add3A_41, %jit3A : i32
      %sign3A = arith.constant 0 : i32
      %sign3A_46 = arith.cmpi sgt, %add3A_41, %sign3A : i32
      %sign3A_47 = arith.extui %sign3A_46 : i1 to i32
      %sign3A_48 = arith.constant 0 : i32
      %sign3A_49 = arith.cmpi slt, %add3A_41, %sign3A_48 : i32
      %sign3A_50 = arith.extui %sign3A_49 : i1 to i32
      %sign3A_51 = arith.subi %sign3A_47, %sign3A_50 : i32
      %sign3A_52 = arith.constant 0 : i32
      %sign3A_53 = arith.cmpi sgt, %jit3A, %sign3A_52 : i32
      %sign3A_54 = arith.extui %sign3A_53 : i1 to i32
      %sign3A_55 = arith.constant 0 : i32
      %sign3A_56 = arith.cmpi slt, %jit3A, %sign3A_55 : i32
      %sign3A_57 = arith.extui %sign3A_56 : i1 to i32
      %sign3A_58 = arith.subi %sign3A_54, %sign3A_57 : i32
      %ne3A = arith.cmpi ne, %sign3A_51, %sign3A_58 : i32
      %rem3A = arith.remsi %add3A_41, %jit3A : i32
      %ne3A_59 = arith.constant 0 : i32
      %ne3A_60 = arith.cmpi ne, %rem3A, %ne3A_59 : i32
      %and3A = arith.andi %ne3A, %ne3A_60 : i1
      %sub3A = arith.constant 1 : i32
      %sub3A_61 = arith.subi %div3A, %sub3A : i32
      %select_n3A = arith.select %and3A, %sub3A_61, %div3A : i32
      %add3A_62 = arith.addi %add3A_45, %select_n3A : i32
      %mul3A_63 = arith.constant 128 : i32
      %mul3A_64 = arith.muli %arg1, %mul3A_63 : i32
      %jit3A_65 = arith.constant 2 : i32
      %eq3A = arith.constant 0 : i32
      %eq3A_66 = arith.cmpi eq, %jit3A_65, %eq3A : i32
      %jit3A_67 = arith.constant 1 : i32
      %select_n3A_68 = arith.select %eq3A_66, %jit3A_67, %jit3A_65 : i32
      %rem3A_69 = arith.remsi %add3A_41, %select_n3A_68 : i32
      %ne3A_70 = arith.constant 0 : i32
      %ne3A_71 = arith.cmpi ne, %rem3A_69, %ne3A_70 : i32
      %lt3A = arith.constant 0 : i32
      %lt3A_72 = arith.cmpi slt, %rem3A_69, %lt3A : i32
      %lt3A_73 = arith.constant 0 : i32
      %lt3A_74 = arith.cmpi slt, %select_n3A_68, %lt3A_73 : i32
      %ne3A_75 = arith.xori %lt3A_72, %lt3A_74 : i1
      %and3A_76 = arith.andi %ne3A_75, %ne3A_71 : i1
      %add3A_77 = arith.addi %rem3A_69, %select_n3A_68 : i32
      %select_n3A_78 = arith.select %and3A_76, %add3A_77, %rem3A_69 : i32
      %mul3A_79 = arith.constant 64 : i32
      %mul3A_80 = arith.muli %select_n3A_78, %mul3A_79 : i32
      %add3A_81 = arith.addi %mul3A_64, %mul3A_80 : i32
      %dma_wait3A = arith.constant 0 : i32
      %dma_wait3A_82 = tpu.memref_slice %arg2[%add3A_62, %add3A_81, %dma_wait3A] : memref<48x2048x512xf32, #tpu.memory_space<hbm>> -> memref<1x64x512xf32, #tpu.memory_space<hbm>>
      %dma_wait3A_83 = tpu.memref_squeeze %dma_wait3A_82 : memref<1x64x512xf32, #tpu.memory_space<hbm>> -> memref<64x512xf32, #tpu.memory_space<hbm>>
      %dma_wait3A_84 = arith.constant 0 : i32
      %dma_wait3A_85 = tpu.memref_slice %arg2[%add3A_62, %add3A_81, %dma_wait3A_84] : memref<48x2048x512xf32, #tpu.memory_space<hbm>> -> memref<1x64x512xf32, #tpu.memory_space<hbm>>
      %dma_wait3A_86 = tpu.memref_squeeze %dma_wait3A_85 : memref<1x64x512xf32, #tpu.memory_space<hbm>> -> memref<64x512xf32, #tpu.memory_space<hbm>>
      tpu.wait_dma2 semaphore(%arg7 : memref<!tpu.dma_semaphore, #tpu.memory_space<semaphore_mem>>) src(%dma_wait3A_86 : memref<64x512xf32, #tpu.memory_space<hbm>>) dst(%arg4 : memref<64x512xf32, #tpu.memory_space<vmem>>)
      %scan3A_87 = arith.constant 0.000000e+00 : f32
      %scan3A_88 = arith.constant 0 : i32
      %scan3A_89 = arith.constant 16 : i32
      %scan3A_90 = arith.addi %scan3A_88, %scan3A_89 : i32
      %scan3A_91 = arith.constant 1 : i32
      %scan3A_92 = scf.for %scan3A_232 = %scan3A_88 to %scan3A_90 step %scan3A_91 iter_args(%scan3A_233 = %scan3A_87) -> (f32)  : i32 {
        %mul3A_234 = arith.constant 4 : i32
        %mul3A_235 = arith.muli %scan3A_232, %mul3A_234 : i32
        %add3A_236 = arith.constant 0 : i32
        %add3A_237 = arith.addi %mul3A_235, %add3A_236 : i32
        %get3A = arith.index_cast %add3A_237 : i32 to index
        %get3A_238 = arith.constant 0 : index
        %get3A_239 = tpu.vector_load %arg4[%get3A, %get3A_238] {strides = array<i32>} : memref<64x512xf32, #tpu.memory_space<vmem>>, vector<16xf32>,
        %get3A_240 = arith.index_cast %add3A_237 : i32 to index
        %get3A_241 = arith.constant 16 : index
        %get3A_242 = tpu.vector_load %arg4[%get3A_240, %get3A_241] {strides = array<i32>} : memref<64x512xf32, #tpu.memory_space<vmem>>, vector<16xf32>,
        %max3A = arith.maximumf %get3A_239, %get3A_242 : vector<16xf32>
        %get3A_243 = arith.index_cast %add3A_237 : i32 to index
        %get3A_244 = arith.constant 32 : index
        %get3A_245 = tpu.vector_load %arg4[%get3A_243, %get3A_244] {strides = array<i32>} : memref<64x512xf32, #tpu.memory_space<vmem>>, vector<16xf32>,
        %max3A_246 = arith.maximumf %max3A, %get3A_245 : vector<16xf32>
        %get3A_247 = arith.index_cast %add3A_237 : i32 to index
        %get3A_248 = arith.constant 48 : index
        %get3A_249 = tpu.vector_load %arg4[%get3A_247, %get3A_248] {strides = array<i32>} : memref<64x512xf32, #tpu.memory_space<vmem>>, vector<16xf32>,
        %max3A_250 = arith.maximumf %max3A_246, %get3A_249 : vector<16xf32>
        %get3A_251 = arith.index_cast %add3A_237 : i32 to index
        %get3A_252 = arith.constant 64 : index
        %get3A_253 = tpu.vector_load %arg4[%get3A_251, %get3A_252] {strides = array<i32>} : memref<64x512xf32, #tpu.memory_space<vmem>>, vector<16xf32>,
        %max3A_254 = arith.maximumf %max3A_250, %get3A_253 : vector<16xf32>
        %get3A_255 = arith.index_cast %add3A_237 : i32 to index
        %get3A_256 = arith.constant 80 : index
        %get3A_257 = tpu.vector_load %arg4[%get3A_255, %get3A_256] {strides = array<i32>} : memref<64x512xf32, #tpu.memory_space<vmem>>, vector<16xf32>,
        %max3A_258 = arith.maximumf %max3A_254, %get3A_257 : vector<16xf32>
        %get3A_259 = arith.index_cast %add3A_237 : i32 to index
        %get3A_260 = arith.constant 96 : index
        %get3A_261 = tpu.vector_load %arg4[%get3A_259, %get3A_260] {strides = array<i32>} : memref<64x512xf32, #tpu.memory_space<vmem>>, vector<16xf32>,
        %max3A_262 = arith.maximumf %max3A_258, %get3A_261 : vector<16xf32>
        %get3A_263 = arith.index_cast %add3A_237 : i32 to index
        %get3A_264 = arith.constant 112 : index
        %get3A_265 = tpu.vector_load %arg4[%get3A_263, %get3A_264] {strides = array<i32>} : memref<64x512xf32, #tpu.memory_space<vmem>>, vector<16xf32>,
        %max3A_266 = arith.maximumf %max3A_262, %get3A_265 : vector<16xf32>
        %get3A_267 = arith.index_cast %add3A_237 : i32 to index
        %get3A_268 = arith.constant 128 : index
        %get3A_269 = tpu.vector_load %arg4[%get3A_267, %get3A_268] {strides = array<i32>} : memref<64x512xf32, #tpu.memory_space<vmem>>, vector<16xf32>,
        %max3A_270 = arith.maximumf %max3A_266, %get3A_269 : vector<16xf32>
        %get3A_271 = arith.index_cast %add3A_237 : i32 to index
        %get3A_272 = arith.constant 144 : index
        %get3A_273 = tpu.vector_load %arg4[%get3A_271, %get3A_272] {strides = array<i32>} : memref<64x512xf32, #tpu.memory_space<vmem>>, vector<16xf32>,
        %max3A_274 = arith.maximumf %max3A_270, %get3A_273 : vector<16xf32>
        %get3A_275 = arith.index_cast %add3A_237 : i32 to index
        %get3A_276 = arith.constant 160 : index
        %get3A_277 = tpu.vector_load %arg4[%get3A_275, %get3A_276] {strides = array<i32>} : memref<64x512xf32, #tpu.memory_space<vmem>>, vector<16xf32>,
        %max3A_278 = arith.maximumf %max3A_274, %get3A_277 : vector<16xf32>
        %get3A_279 = arith.index_cast %add3A_237 : i32 to index
        %get3A_280 = arith.constant 176 : index
        %get3A_281 = tpu.vector_load %arg4[%get3A_279, %get3A_280] {strides = array<i32>} : memref<64x512xf32, #tpu.memory_space<vmem>>, vector<16xf32>,
        %max3A_282 = arith.maximumf %max3A_278, %get3A_281 : vector<16xf32>
        %get3A_283 = arith.index_cast %add3A_237 : i32 to index
        %get3A_284 = arith.constant 192 : index
        %get3A_285 = tpu.vector_load %arg4[%get3A_283, %get3A_284] {strides = array<i32>} : memref<64x512xf32, #tpu.memory_space<vmem>>, vector<16xf32>,
        %max3A_286 = arith.maximumf %max3A_282, %get3A_285 : vector<16xf32>
        %get3A_287 = arith.index_cast %add3A_237 : i32 to index
        %get3A_288 = arith.constant 208 : index
        %get3A_289 = tpu.vector_load %arg4[%get3A_287, %get3A_288] {strides = array<i32>} : memref<64x512xf32, #tpu.memory_space<vmem>>, vector<16xf32>,
        %max3A_290 = arith.maximumf %max3A_286, %get3A_289 : vector<16xf32>
        %get3A_291 = arith.index_cast %add3A_237 : i32 to index
        %get3A_292 = arith.constant 224 : index
        %get3A_293 = tpu.vector_load %arg4[%get3A_291, %get3A_292] {strides = array<i32>} : memref<64x512xf32, #tpu.memory_space<vmem>>, vector<16xf32>,
        %max3A_294 = arith.maximumf %max3A_290, %get3A_293 : vector<16xf32>
        %get3A_295 = arith.index_cast %add3A_237 : i32 to index
        %get3A_296 = arith.constant 240 : index
        %get3A_297 = tpu.vector_load %arg4[%get3A_295, %get3A_296] {strides = array<i32>} : memref<64x512xf32, #tpu.memory_space<vmem>>, vector<16xf32>,
        %max3A_298 = arith.maximumf %max3A_294, %get3A_297 : vector<16xf32>
        %get3A_299 = arith.index_cast %add3A_237 : i32 to index
        %get3A_300 = arith.constant 256 : index
        %get3A_301 = tpu.vector_load %arg4[%get3A_299, %get3A_300] {strides = array<i32>} : memref<64x512xf32, #tpu.memory_space<vmem>>, vector<16xf32>,
        %max3A_302 = arith.maximumf %max3A_298, %get3A_301 : vector<16xf32>
        %get3A_303 = arith.index_cast %add3A_237 : i32 to index
        %get3A_304 = arith.constant 272 : index
        %get3A_305 = tpu.vector_load %arg4[%get3A_303, %get3A_304] {strides = array<i32>} : memref<64x512xf32, #tpu.memory_space<vmem>>, vector<16xf32>,
        %max3A_306 = arith.maximumf %max3A_302, %get3A_305 : vector<16xf32>
        %get3A_307 = arith.index_cast %add3A_237 : i32 to index
        %get3A_308 = arith.constant 288 : index
        %get3A_309 = tpu.vector_load %arg4[%get3A_307, %get3A_308] {strides = array<i32>} : memref<64x512xf32, #tpu.memory_space<vmem>>, vector<16xf32>,
        %max3A_310 = arith.maximumf %max3A_306, %get3A_309 : vector<16xf32>
        %get3A_311 = arith.index_cast %add3A_237 : i32 to index
        %get3A_312 = arith.constant 304 : index
        %get3A_313 = tpu.vector_load %arg4[%get3A_311, %get3A_312] {strides = array<i32>} : memref<64x512xf32, #tpu.memory_space<vmem>>, vector<16xf32>,
        %max3A_314 = arith.maximumf %max3A_310, %get3A_313 : vector<16xf32>
        %get3A_315 = arith.index_cast %add3A_237 : i32 to index
        %get3A_316 = arith.constant 320 : index
        %get3A_317 = tpu.vector_load %arg4[%get3A_315, %get3A_316] {strides = array<i32>} : memref<64x512xf32, #tpu.memory_space<vmem>>, vector<16xf32>,
        %max3A_318 = arith.maximumf %max3A_314, %get3A_317 : vector<16xf32>
        %get3A_319 = arith.index_cast %add3A_237 : i32 to index
        %get3A_320 = arith.constant 336 : index
        %get3A_321 = tpu.vector_load %arg4[%get3A_319, %get3A_320] {strides = array<i32>} : memref<64x512xf32, #tpu.memory_space<vmem>>, vector<16xf32>,
        %max3A_322 = arith.maximumf %max3A_318, %get3A_321 : vector<16xf32>
        %get3A_323 = arith.index_cast %add3A_237 : i32 to index
        %get3A_324 = arith.constant 352 : index
        %get3A_325 = tpu.vector_load %arg4[%get3A_323, %get3A_324] {strides = array<i32>} : memref<64x512xf32, #tpu.memory_space<vmem>>, vector<16xf32>,
        %max3A_326 = arith.maximumf %max3A_322, %get3A_325 : vector<16xf32>
        %get3A_327 = arith.index_cast %add3A_237 : i32 to index
        %get3A_328 = arith.constant 368 : index
        %get3A_329 = tpu.vector_load %arg4[%get3A_327, %get3A_328] {strides = array<i32>} : memref<64x512xf32, #tpu.memory_space<vmem>>, vector<16xf32>,
        %max3A_330 = arith.maximumf %max3A_326, %get3A_329 : vector<16xf32>
        %get3A_331 = arith.index_cast %add3A_237 : i32 to index
        %get3A_332 = arith.constant 384 : index
        %get3A_333 = tpu.vector_load %arg4[%get3A_331, %get3A_332] {strides = array<i32>} : memref<64x512xf32, #tpu.memory_space<vmem>>, vector<16xf32>,
        %max3A_334 = arith.maximumf %max3A_330, %get3A_333 : vector<16xf32>
        %get3A_335 = arith.index_cast %add3A_237 : i32 to index
        %get3A_336 = arith.constant 400 : index
        %get3A_337 = tpu.vector_load %arg4[%get3A_335, %get3A_336] {strides = array<i32>} : memref<64x512xf32, #tpu.memory_space<vmem>>, vector<16xf32>,
        %max3A_338 = arith.maximumf %max3A_334, %get3A_337 : vector<16xf32>
        %get3A_339 = arith.index_cast %add3A_237 : i32 to index
        %get3A_340 = arith.constant 416 : index
        %get3A_341 = tpu.vector_load %arg4[%get3A_339, %get3A_340] {strides = array<i32>} : memref<64x512xf32, #tpu.memory_space<vmem>>, vector<16xf32>,
        %max3A_342 = arith.maximumf %max3A_338, %get3A_341 : vector<16xf32>
        %get3A_343 = arith.index_cast %add3A_237 : i32 to index
        %get3A_344 = arith.constant 432 : index
        %get3A_345 = tpu.vector_load %arg4[%get3A_343, %get3A_344] {strides = array<i32>} : memref<64x512xf32, #tpu.memory_space<vmem>>, vector<16xf32>,
        %max3A_346 = arith.maximumf %max3A_342, %get3A_345 : vector<16xf32>
        %get3A_347 = arith.index_cast %add3A_237 : i32 to index
        %get3A_348 = arith.constant 448 : index
        %get3A_349 = tpu.vector_load %arg4[%get3A_347, %get3A_348] {strides = array<i32>} : memref<64x512xf32, #tpu.memory_space<vmem>>, vector<16xf32>,
        %max3A_350 = arith.maximumf %max3A_346, %get3A_349 : vector<16xf32>
        %get3A_351 = arith.index_cast %add3A_237 : i32 to index
        %get3A_352 = arith.constant 464 : index
        %get3A_353 = tpu.vector_load %arg4[%get3A_351, %get3A_352] {strides = array<i32>} : memref<64x512xf32, #tpu.memory_space<vmem>>, vector<16xf32>,
        %max3A_354 = arith.maximumf %max3A_350, %get3A_353 : vector<16xf32>
        %get3A_355 = arith.index_cast %add3A_237 : i32 to index
        %get3A_356 = arith.constant 480 : index
        %get3A_357 = tpu.vector_load %arg4[%get3A_355, %get3A_356] {strides = array<i32>} : memref<64x512xf32, #tpu.memory_space<vmem>>, vector<16xf32>,
        %max3A_358 = arith.maximumf %max3A_354, %get3A_357 : vector<16xf32>
        %get3A_359 = arith.index_cast %add3A_237 : i32 to index
        %get3A_360 = arith.constant 496 : index
        %get3A_361 = tpu.vector_load %arg4[%get3A_359, %get3A_360] {strides = array<i32>} : memref<64x512xf32, #tpu.memory_space<vmem>>, vector<16xf32>,
        %max3A_362 = arith.maximumf %max3A_358, %get3A_361 : vector<16xf32>
        %reduce_max3A = arith.constant true
        %reduce_max3A_363 = vector.broadcast %reduce_max3A : i1 to vector<16xi1>
        %reduce_max3A_364 = tpu.scan <max>, %max3A_362 masked %reduce_max3A_363 : vector<16xf32>, vector<16xi1> -> vector<16xf32>
        %reduce_max3A_365 = vector.extract %reduce_max3A_364[15] : f32 from vector<16xf32>
        %mul3A_366 = arith.constant 4 : i32
        %mul3A_367 = arith.muli %scan3A_232, %mul3A_366 : i32
        %add3A_368 = arith.constant 1 : i32
        %add3A_369 = arith.addi %mul3A_367, %add3A_368 : i32
        %get3A_370 = arith.index_cast %add3A_369 : i32 to index
        %get3A_371 = arith.constant 0 : index
        %get3A_372 = tpu.vector_load %arg4[%get3A_370, %get3A_371] {strides = array<i32>} : memref<64x512xf32, #tpu.memory_space<vmem>>, vector<16xf32>,
        %get3A_373 = arith.index_cast %add3A_369 : i32 to index
        %get3A_374 = arith.constant 16 : index
        %get3A_375 = tpu.vector_load %arg4[%get3A_373, %get3A_374] {strides = array<i32>} : memref<64x512xf32, #tpu.memory_space<vmem>>, vector<16xf32>,
        %max3A_376 = arith.maximumf %get3A_372, %get3A_375 : vector<16xf32>
        %get3A_377 = arith.index_cast %add3A_369 : i32 to index
        %get3A_378 = arith.constant 32 : index
        %get3A_379 = tpu.vector_load %arg4[%get3A_377, %get3A_378] {strides = array<i32>} : memref<64x512xf32, #tpu.memory_space<vmem>>, vector<16xf32>,
        %max3A_380 = arith.maximumf %max3A_376, %get3A_379 : vector<16xf32>
        %get3A_381 = arith.index_cast %add3A_369 : i32 to index
        %get3A_382 = arith.constant 48 : index
        %get3A_383 = tpu.vector_load %arg4[%get3A_381, %get3A_382] {strides = array<i32>} : memref<64x512xf32, #tpu.memory_space<vmem>>, vector<16xf32>,
        %max3A_384 = arith.maximumf %max3A_380, %get3A_383 : vector<16xf32>
        %get3A_385 = arith.index_cast %add3A_369 : i32 to index
        %get3A_386 = arith.constant 64 : index
        %get3A_387 = tpu.vector_load %arg4[%get3A_385, %get3A_386] {strides = array<i32>} : memref<64x512xf32, #tpu.memory_space<vmem>>, vector<16xf32>,
        %max3A_388 = arith.maximumf %max3A_384, %get3A_387 : vector<16xf32>
        %get3A_389 = arith.index_cast %add3A_369 : i32 to index
        %get3A_390 = arith.constant 80 : index
        %get3A_391 = tpu.vector_load %arg4[%get3A_389, %get3A_390] {strides = array<i32>} : memref<64x512xf32, #tpu.memory_space<vmem>>, vector<16xf32>,
        %max3A_392 = arith.maximumf %max3A_388, %get3A_391 : vector<16xf32>
        %get3A_393 = arith.index_cast %add3A_369 : i32 to index
        %get3A_394 = arith.constant 96 : index
        %get3A_395 = tpu.vector_load %arg4[%get3A_393, %get3A_394] {strides = array<i32>} : memref<64x512xf32, #tpu.memory_space<vmem>>, vector<16xf32>,
        %max3A_396 = arith.maximumf %max3A_392, %get3A_395 : vector<16xf32>
        %get3A_397 = arith.index_cast %add3A_369 : i32 to index
        %get3A_398 = arith.constant 112 : index
        %get3A_399 = tpu.vector_load %arg4[%get3A_397, %get3A_398] {strides = array<i32>} : memref<64x512xf32, #tpu.memory_space<vmem>>, vector<16xf32>,
        %max3A_400 = arith.maximumf %max3A_396, %get3A_399 : vector<16xf32>
        %get3A_401 = arith.index_cast %add3A_369 : i32 to index
        %get3A_402 = arith.constant 128 : index
        %get3A_403 = tpu.vector_load %arg4[%get3A_401, %get3A_402] {strides = array<i32>} : memref<64x512xf32, #tpu.memory_space<vmem>>, vector<16xf32>,
        %max3A_404 = arith.maximumf %max3A_400, %get3A_403 : vector<16xf32>
        %get3A_405 = arith.index_cast %add3A_369 : i32 to index
        %get3A_406 = arith.constant 144 : index
        %get3A_407 = tpu.vector_load %arg4[%get3A_405, %get3A_406] {strides = array<i32>} : memref<64x512xf32, #tpu.memory_space<vmem>>, vector<16xf32>,
        %max3A_408 = arith.maximumf %max3A_404, %get3A_407 : vector<16xf32>
        %get3A_409 = arith.index_cast %add3A_369 : i32 to index
        %get3A_410 = arith.constant 160 : index
        %get3A_411 = tpu.vector_load %arg4[%get3A_409, %get3A_410] {strides = array<i32>} : memref<64x512xf32, #tpu.memory_space<vmem>>, vector<16xf32>,
        %max3A_412 = arith.maximumf %max3A_408, %get3A_411 : vector<16xf32>
        %get3A_413 = arith.index_cast %add3A_369 : i32 to index
        %get3A_414 = arith.constant 176 : index
        %get3A_415 = tpu.vector_load %arg4[%get3A_413, %get3A_414] {strides = array<i32>} : memref<64x512xf32, #tpu.memory_space<vmem>>, vector<16xf32>,
        %max3A_416 = arith.maximumf %max3A_412, %get3A_415 : vector<16xf32>
        %get3A_417 = arith.index_cast %add3A_369 : i32 to index
        %get3A_418 = arith.constant 192 : index
        %get3A_419 = tpu.vector_load %arg4[%get3A_417, %get3A_418] {strides = array<i32>} : memref<64x512xf32, #tpu.memory_space<vmem>>, vector<16xf32>,
        %max3A_420 = arith.maximumf %max3A_416, %get3A_419 : vector<16xf32>
        %get3A_421 = arith.index_cast %add3A_369 : i32 to index
        %get3A_422 = arith.constant 208 : index
        %get3A_423 = tpu.vector_load %arg4[%get3A_421, %get3A_422] {strides = array<i32>} : memref<64x512xf32, #tpu.memory_space<vmem>>, vector<16xf32>,
        %max3A_424 = arith.maximumf %max3A_420, %get3A_423 : vector<16xf32>
        %get3A_425 = arith.index_cast %add3A_369 : i32 to index
        %get3A_426 = arith.constant 224 : index
        %get3A_427 = tpu.vector_load %arg4[%get3A_425, %get3A_426] {strides = array<i32>} : memref<64x512xf32, #tpu.memory_space<vmem>>, vector<16xf32>,
        %max3A_428 = arith.maximumf %max3A_424, %get3A_427 : vector<16xf32>
        %get3A_429 = arith.index_cast %add3A_369 : i32 to index
        %get3A_430 = arith.constant 240 : index
        %get3A_431 = tpu.vector_load %arg4[%get3A_429, %get3A_430] {strides = array<i32>} : memref<64x512xf32, #tpu.memory_space<vmem>>, vector<16xf32>,
        %max3A_432 = arith.maximumf %max3A_428, %get3A_431 : vector<16xf32>
        %get3A_433 = arith.index_cast %add3A_369 : i32 to index
        %get3A_434 = arith.constant 256 : index
        %get3A_435 = tpu.vector_load %arg4[%get3A_433, %get3A_434] {strides = array<i32>} : memref<64x512xf32, #tpu.memory_space<vmem>>, vector<16xf32>,
        %max3A_436 = arith.maximumf %max3A_432, %get3A_435 : vector<16xf32>
        %get3A_437 = arith.index_cast %add3A_369 : i32 to index
        %get3A_438 = arith.constant 272 : index
        %get3A_439 = tpu.vector_load %arg4[%get3A_437, %get3A_438] {strides = array<i32>} : memref<64x512xf32, #tpu.memory_space<vmem>>, vector<16xf32>,
        %max3A_440 = arith.maximumf %max3A_436, %get3A_439 : vector<16xf32>
        %get3A_441 = arith.index_cast %add3A_369 : i32 to index
        %get3A_442 = arith.constant 288 : index
        %get3A_443 = tpu.vector_load %arg4[%get3A_441, %get3A_442] {strides = array<i32>} : memref<64x512xf32, #tpu.memory_space<vmem>>, vector<16xf32>,
        %max3A_444 = arith.maximumf %max3A_440, %get3A_443 : vector<16xf32>
        %get3A_445 = arith.index_cast %add3A_369 : i32 to index
        %get3A_446 = arith.constant 304 : index
        %get3A_447 = tpu.vector_load %arg4[%get3A_445, %get3A_446] {strides = array<i32>} : memref<64x512xf32, #tpu.memory_space<vmem>>, vector<16xf32>,
        %max3A_448 = arith.maximumf %max3A_444, %get3A_447 : vector<16xf32>
        %get3A_449 = arith.index_cast %add3A_369 : i32 to index
        %get3A_450 = arith.constant 320 : index
        %get3A_451 = tpu.vector_load %arg4[%get3A_449, %get3A_450] {strides = array<i32>} : memref<64x512xf32, #tpu.memory_space<vmem>>, vector<16xf32>,
        %max3A_452 = arith.maximumf %max3A_448, %get3A_451 : vector<16xf32>
        %get3A_453 = arith.index_cast %add3A_369 : i32 to index
        %get3A_454 = arith.constant 336 : index
        %get3A_455 = tpu.vector_load %arg4[%get3A_453, %get3A_454] {strides = array<i32>} : memref<64x512xf32, #tpu.memory_space<vmem>>, vector<16xf32>,
        %max3A_456 = arith.maximumf %max3A_452, %get3A_455 : vector<16xf32>
        %get3A_457 = arith.index_cast %add3A_369 : i32 to index
        %get3A_458 = arith.constant 352 : index
        %get3A_459 = tpu.vector_load %arg4[%get3A_457, %get3A_458] {strides = array<i32>} : memref<64x512xf32, #tpu.memory_space<vmem>>, vector<16xf32>,
        %max3A_460 = arith.maximumf %max3A_456, %get3A_459 : vector<16xf32>
        %get3A_461 = arith.index_cast %add3A_369 : i32 to index
        %get3A_462 = arith.constant 368 : index
        %get3A_463 = tpu.vector_load %arg4[%get3A_461, %get3A_462] {strides = array<i32>} : memref<64x512xf32, #tpu.memory_space<vmem>>, vector<16xf32>,
        %max3A_464 = arith.maximumf %max3A_460, %get3A_463 : vector<16xf32>
        %get3A_465 = arith.index_cast %add3A_369 : i32 to index
        %get3A_466 = arith.constant 384 : index
        %get3A_467 = tpu.vector_load %arg4[%get3A_465, %get3A_466] {strides = array<i32>} : memref<64x512xf32, #tpu.memory_space<vmem>>, vector<16xf32>,
        %max3A_468 = arith.maximumf %max3A_464, %get3A_467 : vector<16xf32>
        %get3A_469 = arith.index_cast %add3A_369 : i32 to index
        %get3A_470 = arith.constant 400 : index
        %get3A_471 = tpu.vector_load %arg4[%get3A_469, %get3A_470] {strides = array<i32>} : memref<64x512xf32, #tpu.memory_space<vmem>>, vector<16xf32>,
        %max3A_472 = arith.maximumf %max3A_468, %get3A_471 : vector<16xf32>
        %get3A_473 = arith.index_cast %add3A_369 : i32 to index
        %get3A_474 = arith.constant 416 : index
        %get3A_475 = tpu.vector_load %arg4[%get3A_473, %get3A_474] {strides = array<i32>} : memref<64x512xf32, #tpu.memory_space<vmem>>, vector<16xf32>,
        %max3A_476 = arith.maximumf %max3A_472, %get3A_475 : vector<16xf32>
        %get3A_477 = arith.index_cast %add3A_369 : i32 to index
        %get3A_478 = arith.constant 432 : index
        %get3A_479 = tpu.vector_load %arg4[%get3A_477, %get3A_478] {strides = array<i32>} : memref<64x512xf32, #tpu.memory_space<vmem>>, vector<16xf32>,
        %max3A_480 = arith.maximumf %max3A_476, %get3A_479 : vector<16xf32>
        %get3A_481 = arith.index_cast %add3A_369 : i32 to index
        %get3A_482 = arith.constant 448 : index
        %get3A_483 = tpu.vector_load %arg4[%get3A_481, %get3A_482] {strides = array<i32>} : memref<64x512xf32, #tpu.memory_space<vmem>>, vector<16xf32>,
        %max3A_484 = arith.maximumf %max3A_480, %get3A_483 : vector<16xf32>
        %get3A_485 = arith.index_cast %add3A_369 : i32 to index
        %get3A_486 = arith.constant 464 : index
        %get3A_487 = tpu.vector_load %arg4[%get3A_485, %get3A_486] {strides = array<i32>} : memref<64x512xf32, #tpu.memory_space<vmem>>, vector<16xf32>,
        %max3A_488 = arith.maximumf %max3A_484, %get3A_487 : vector<16xf32>
        %get3A_489 = arith.index_cast %add3A_369 : i32 to index
        %get3A_490 = arith.constant 480 : index
        %get3A_491 = tpu.vector_load %arg4[%get3A_489, %get3A_490] {strides = array<i32>} : memref<64x512xf32, #tpu.memory_space<vmem>>, vector<16xf32>,
        %max3A_492 = arith.maximumf %max3A_488, %get3A_491 : vector<16xf32>
        %get3A_493 = arith.index_cast %add3A_369 : i32 to index
        %get3A_494 = arith.constant 496 : index
        %get3A_495 = tpu.vector_load %arg4[%get3A_493, %get3A_494] {strides = array<i32>} : memref<64x512xf32, #tpu.memory_space<vmem>>, vector<16xf32>,
        %max3A_496 = arith.maximumf %max3A_492, %get3A_495 : vector<16xf32>
        %reduce_max3A_497 = arith.constant true
        %reduce_max3A_498 = vector.broadcast %reduce_max3A_497 : i1 to vector<16xi1>
        %reduce_max3A_499 = tpu.scan <max>, %max3A_496 masked %reduce_max3A_498 : vector<16xf32>, vector<16xi1> -> vector<16xf32>
        %reduce_max3A_500 = vector.extract %reduce_max3A_499[15] : f32 from vector<16xf32>
        %mul3A_501 = arith.constant 4 : i32
        %mul3A_502 = arith.muli %scan3A_232, %mul3A_501 : i32
        %add3A_503 = arith.constant 2 : i32
        %add3A_504 = arith.addi %mul3A_502, %add3A_503 : i32
        %get3A_505 = arith.index_cast %add3A_504 : i32 to index
        %get3A_506 = arith.constant 0 : index
        %get3A_507 = tpu.vector_load %arg4[%get3A_505, %get3A_506] {strides = array<i32>} : memref<64x512xf32, #tpu.memory_space<vmem>>, vector<16xf32>,
        %get3A_508 = arith.index_cast %add3A_504 : i32 to index
        %get3A_509 = arith.constant 16 : index
        %get3A_510 = tpu.vector_load %arg4[%get3A_508, %get3A_509] {strides = array<i32>} : memref<64x512xf32, #tpu.memory_space<vmem>>, vector<16xf32>,
        %max3A_511 = arith.maximumf %get3A_507, %get3A_510 : vector<16xf32>
        %get3A_512 = arith.index_cast %add3A_504 : i32 to index
        %get3A_513 = arith.constant 32 : index
        %get3A_514 = tpu.vector_load %arg4[%get3A_512, %get3A_513] {strides = array<i32>} : memref<64x512xf32, #tpu.memory_space<vmem>>, vector<16xf32>,
        %max3A_515 = arith.maximumf %max3A_511, %get3A_514 : vector<16xf32>
        %get3A_516 = arith.index_cast %add3A_504 : i32 to index
        %get3A_517 = arith.constant 48 : index
        %get3A_518 = tpu.vector_load %arg4[%get3A_516, %get3A_517] {strides = array<i32>} : memref<64x512xf32, #tpu.memory_space<vmem>>, vector<16xf32>,
        %max3A_519 = arith.maximumf %max3A_515, %get3A_518 : vector<16xf32>
        %get3A_520 = arith.index_cast %add3A_504 : i32 to index
        %get3A_521 = arith.constant 64 : index
        %get3A_522 = tpu.vector_load %arg4[%get3A_520, %get3A_521] {strides = array<i32>} : memref<64x512xf32, #tpu.memory_space<vmem>>, vector<16xf32>,
        %max3A_523 = arith.maximumf %max3A_519, %get3A_522 : vector<16xf32>
        %get3A_524 = arith.index_cast %add3A_504 : i32 to index
        %get3A_525 = arith.constant 80 : index
        %get3A_526 = tpu.vector_load %arg4[%get3A_524, %get3A_525] {strides = array<i32>} : memref<64x512xf32, #tpu.memory_space<vmem>>, vector<16xf32>,
        %max3A_527 = arith.maximumf %max3A_523, %get3A_526 : vector<16xf32>
        %get3A_528 = arith.index_cast %add3A_504 : i32 to index
        %get3A_529 = arith.constant 96 : index
        %get3A_530 = tpu.vector_load %arg4[%get3A_528, %get3A_529] {strides = array<i32>} : memref<64x512xf32, #tpu.memory_space<vmem>>, vector<16xf32>,
        %max3A_531 = arith.maximumf %max3A_527, %get3A_530 : vector<16xf32>
        %get3A_532 = arith.index_cast %add3A_504 : i32 to index
        %get3A_533 = arith.constant 112 : index
        %get3A_534 = tpu.vector_load %arg4[%get3A_532, %get3A_533] {strides = array<i32>} : memref<64x512xf32, #tpu.memory_space<vmem>>, vector<16xf32>,
        %max3A_535 = arith.maximumf %max3A_531, %get3A_534 : vector<16xf32>
        %get3A_536 = arith.index_cast %add3A_504 : i32 to index
        %get3A_537 = arith.constant 128 : index
        %get3A_538 = tpu.vector_load %arg4[%get3A_536, %get3A_537] {strides = array<i32>} : memref<64x512xf32, #tpu.memory_space<vmem>>, vector<16xf32>,
        %max3A_539 = arith.maximumf %max3A_535, %get3A_538 : vector<16xf32>
        %get3A_540 = arith.index_cast %add3A_504 : i32 to index
        %get3A_541 = arith.constant 144 : index
        %get3A_542 = tpu.vector_load %arg4[%get3A_540, %get3A_541] {strides = array<i32>} : memref<64x512xf32, #tpu.memory_space<vmem>>, vector<16xf32>,
        %max3A_543 = arith.maximumf %max3A_539, %get3A_542 : vector<16xf32>
        %get3A_544 = arith.index_cast %add3A_504 : i32 to index
        %get3A_545 = arith.constant 160 : index
        %get3A_546 = tpu.vector_load %arg4[%get3A_544, %get3A_545] {strides = array<i32>} : memref<64x512xf32, #tpu.memory_space<vmem>>, vector<16xf32>,
        %max3A_547 = arith.maximumf %max3A_543, %get3A_546 : vector<16xf32>
        %get3A_548 = arith.index_cast %add3A_504 : i32 to index
        %get3A_549 = arith.constant 176 : index
        %get3A_550 = tpu.vector_load %arg4[%get3A_548, %get3A_549] {strides = array<i32>} : memref<64x512xf32, #tpu.memory_space<vmem>>, vector<16xf32>,
        %max3A_551 = arith.maximumf %max3A_547, %get3A_550 : vector<16xf32>
        %get3A_552 = arith.index_cast %add3A_504 : i32 to index
        %get3A_553 = arith.constant 192 : index
        %get3A_554 = tpu.vector_load %arg4[%get3A_552, %get3A_553] {strides = array<i32>} : memref<64x512xf32, #tpu.memory_space<vmem>>, vector<16xf32>,
        %max3A_555 = arith.maximumf %max3A_551, %get3A_554 : vector<16xf32>
        %get3A_556 = arith.index_cast %add3A_504 : i32 to index
        %get3A_557 = arith.constant 208 : index
        %get3A_558 = tpu.vector_load %arg4[%get3A_556, %get3A_557] {strides = array<i32>} : memref<64x512xf32, #tpu.memory_space<vmem>>, vector<16xf32>,
        %max3A_559 = arith.maximumf %max3A_555, %get3A_558 : vector<16xf32>
        %get3A_560 = arith.index_cast %add3A_504 : i32 to index
        %get3A_561 = arith.constant 224 : index
        %get3A_562 = tpu.vector_load %arg4[%get3A_560, %get3A_561] {strides = array<i32>} : memref<64x512xf32, #tpu.memory_space<vmem>>, vector<16xf32>,
        %max3A_563 = arith.maximumf %max3A_559, %get3A_562 : vector<16xf32>
        %get3A_564 = arith.index_cast %add3A_504 : i32 to index
        %get3A_565 = arith.constant 240 : index
        %get3A_566 = tpu.vector_load %arg4[%get3A_564, %get3A_565] {strides = array<i32>} : memref<64x512xf32, #tpu.memory_space<vmem>>, vector<16xf32>,
        %max3A_567 = arith.maximumf %max3A_563, %get3A_566 : vector<16xf32>
        %get3A_568 = arith.index_cast %add3A_504 : i32 to index
        %get3A_569 = arith.constant 256 : index
        %get3A_570 = tpu.vector_load %arg4[%get3A_568, %get3A_569] {strides = array<i32>} : memref<64x512xf32, #tpu.memory_space<vmem>>, vector<16xf32>,
        %max3A_571 = arith.maximumf %max3A_567, %get3A_570 : vector<16xf32>
        %get3A_572 = arith.index_cast %add3A_504 : i32 to index
        %get3A_573 = arith.constant 272 : index
        %get3A_574 = tpu.vector_load %arg4[%get3A_572, %get3A_573] {strides = array<i32>} : memref<64x512xf32, #tpu.memory_space<vmem>>, vector<16xf32>,
        %max3A_575 = arith.maximumf %max3A_571, %get3A_574 : vector<16xf32>
        %get3A_576 = arith.index_cast %add3A_504 : i32 to index
        %get3A_577 = arith.constant 288 : index
        %get3A_578 = tpu.vector_load %arg4[%get3A_576, %get3A_577] {strides = array<i32>} : memref<64x512xf32, #tpu.memory_space<vmem>>, vector<16xf32>,
        %max3A_579 = arith.maximumf %max3A_575, %get3A_578 : vector<16xf32>
        %get3A_580 = arith.index_cast %add3A_504 : i32 to index
        %get3A_581 = arith.constant 304 : index
        %get3A_582 = tpu.vector_load %arg4[%get3A_580, %get3A_581] {strides = array<i32>} : memref<64x512xf32, #tpu.memory_space<vmem>>, vector<16xf32>,
        %max3A_583 = arith.maximumf %max3A_579, %get3A_582 : vector<16xf32>
        %get3A_584 = arith.index_cast %add3A_504 : i32 to index
        %get3A_585 = arith.constant 320 : index
        %get3A_586 = tpu.vector_load %arg4[%get3A_584, %get3A_585] {strides = array<i32>} : memref<64x512xf32, #tpu.memory_space<vmem>>, vector<16xf32>,
        %max3A_587 = arith.maximumf %max3A_583, %get3A_586 : vector<16xf32>
        %get3A_588 = arith.index_cast %add3A_504 : i32 to index
        %get3A_589 = arith.constant 336 : index
        %get3A_590 = tpu.vector_load %arg4[%get3A_588, %get3A_589] {strides = array<i32>} : memref<64x512xf32, #tpu.memory_space<vmem>>, vector<16xf32>,
        %max3A_591 = arith.maximumf %max3A_587, %get3A_590 : vector<16xf32>
        %get3A_592 = arith.index_cast %add3A_504 : i32 to index
        %get3A_593 = arith.constant 352 : index
        %get3A_594 = tpu.vector_load %arg4[%get3A_592, %get3A_593] {strides = array<i32>} : memref<64x512xf32, #tpu.memory_space<vmem>>, vector<16xf32>,
        %max3A_595 = arith.maximumf %max3A_591, %get3A_594 : vector<16xf32>
        %get3A_596 = arith.index_cast %add3A_504 : i32 to index
        %get3A_597 = arith.constant 368 : index
        %get3A_598 = tpu.vector_load %arg4[%get3A_596, %get3A_597] {strides = array<i32>} : memref<64x512xf32, #tpu.memory_space<vmem>>, vector<16xf32>,
        %max3A_599 = arith.maximumf %max3A_595, %get3A_598 : vector<16xf32>
        %get3A_600 = arith.index_cast %add3A_504 : i32 to index
        %get3A_601 = arith.constant 384 : index
        %get3A_602 = tpu.vector_load %arg4[%get3A_600, %get3A_601] {strides = array<i32>} : memref<64x512xf32, #tpu.memory_space<vmem>>, vector<16xf32>,
        %max3A_603 = arith.maximumf %max3A_599, %get3A_602 : vector<16xf32>
        %get3A_604 = arith.index_cast %add3A_504 : i32 to index
        %get3A_605 = arith.constant 400 : index
        %get3A_606 = tpu.vector_load %arg4[%get3A_604, %get3A_605] {strides = array<i32>} : memref<64x512xf32, #tpu.memory_space<vmem>>, vector<16xf32>,
        %max3A_607 = arith.maximumf %max3A_603, %get3A_606 : vector<16xf32>
        %get3A_608 = arith.index_cast %add3A_504 : i32 to index
        %get3A_609 = arith.constant 416 : index
        %get3A_610 = tpu.vector_load %arg4[%get3A_608, %get3A_609] {strides = array<i32>} : memref<64x512xf32, #tpu.memory_space<vmem>>, vector<16xf32>,
        %max3A_611 = arith.maximumf %max3A_607, %get3A_610 : vector<16xf32>
        %get3A_612 = arith.index_cast %add3A_504 : i32 to index
        %get3A_613 = arith.constant 432 : index
        %get3A_614 = tpu.vector_load %arg4[%get3A_612, %get3A_613] {strides = array<i32>} : memref<64x512xf32, #tpu.memory_space<vmem>>, vector<16xf32>,
        %max3A_615 = arith.maximumf %max3A_611, %get3A_614 : vector<16xf32>
        %get3A_616 = arith.index_cast %add3A_504 : i32 to index
        %get3A_617 = arith.constant 448 : index
        %get3A_618 = tpu.vector_load %arg4[%get3A_616, %get3A_617] {strides = array<i32>} : memref<64x512xf32, #tpu.memory_space<vmem>>, vector<16xf32>,
        %max3A_619 = arith.maximumf %max3A_615, %get3A_618 : vector<16xf32>
        %get3A_620 = arith.index_cast %add3A_504 : i32 to index
        %get3A_621 = arith.constant 464 : index
        %get3A_622 = tpu.vector_load %arg4[%get3A_620, %get3A_621] {strides = array<i32>} : memref<64x512xf32, #tpu.memory_space<vmem>>, vector<16xf32>,
        %max3A_623 = arith.maximumf %max3A_619, %get3A_622 : vector<16xf32>
        %get3A_624 = arith.index_cast %add3A_504 : i32 to index
        %get3A_625 = arith.constant 480 : index
        %get3A_626 = tpu.vector_load %arg4[%get3A_624, %get3A_625] {strides = array<i32>} : memref<64x512xf32, #tpu.memory_space<vmem>>, vector<16xf32>,
        %max3A_627 = arith.maximumf %max3A_623, %get3A_626 : vector<16xf32>
        %get3A_628 = arith.index_cast %add3A_504 : i32 to index
        %get3A_629 = arith.constant 496 : index
        %get3A_630 = tpu.vector_load %arg4[%get3A_628, %get3A_629] {strides = array<i32>} : memref<64x512xf32, #tpu.memory_space<vmem>>, vector<16xf32>,
        %max3A_631 = arith.maximumf %max3A_627, %get3A_630 : vector<16xf32>
        %reduce_max3A_632 = arith.constant true
        %reduce_max3A_633 = vector.broadcast %reduce_max3A_632 : i1 to vector<16xi1>
        %reduce_max3A_634 = tpu.scan <max>, %max3A_631 masked %reduce_max3A_633 : vector<16xf32>, vector<16xi1> -> vector<16xf32>
        %reduce_max3A_635 = vector.extract %reduce_max3A_634[15] : f32 from vector<16xf32>
        %mul3A_636 = arith.constant 4 : i32
        %mul3A_637 = arith.muli %scan3A_232, %mul3A_636 : i32
        %add3A_638 = arith.constant 3 : i32
        %add3A_639 = arith.addi %mul3A_637, %add3A_638 : i32
        %get3A_640 = arith.index_cast %add3A_639 : i32 to index
        %get3A_641 = arith.constant 0 : index
        %get3A_642 = tpu.vector_load %arg4[%get3A_640, %get3A_641] {strides = array<i32>} : memref<64x512xf32, #tpu.memory_space<vmem>>, vector<16xf32>,
        %get3A_643 = arith.index_cast %add3A_639 : i32 to index
        %get3A_644 = arith.constant 16 : index
        %get3A_645 = tpu.vector_load %arg4[%get3A_643, %get3A_644] {strides = array<i32>} : memref<64x512xf32, #tpu.memory_space<vmem>>, vector<16xf32>,
        %max3A_646 = arith.maximumf %get3A_642, %get3A_645 : vector<16xf32>
        %get3A_647 = arith.index_cast %add3A_639 : i32 to index
        %get3A_648 = arith.constant 32 : index
        %get3A_649 = tpu.vector_load %arg4[%get3A_647, %get3A_648] {strides = array<i32>} : memref<64x512xf32, #tpu.memory_space<vmem>>, vector<16xf32>,
        %max3A_650 = arith.maximumf %max3A_646, %get3A_649 : vector<16xf32>
        %get3A_651 = arith.index_cast %add3A_639 : i32 to index
        %get3A_652 = arith.constant 48 : index
        %get3A_653 = tpu.vector_load %arg4[%get3A_651, %get3A_652] {strides = array<i32>} : memref<64x512xf32, #tpu.memory_space<vmem>>, vector<16xf32>,
        %max3A_654 = arith.maximumf %max3A_650, %get3A_653 : vector<16xf32>
        %get3A_655 = arith.index_cast %add3A_639 : i32 to index
        %get3A_656 = arith.constant 64 : index
        %get3A_657 = tpu.vector_load %arg4[%get3A_655, %get3A_656] {strides = array<i32>} : memref<64x512xf32, #tpu.memory_space<vmem>>, vector<16xf32>,
        %max3A_658 = arith.maximumf %max3A_654, %get3A_657 : vector<16xf32>
        %get3A_659 = arith.index_cast %add3A_639 : i32 to index
        %get3A_660 = arith.constant 80 : index
        %get3A_661 = tpu.vector_load %arg4[%get3A_659, %get3A_660] {strides = array<i32>} : memref<64x512xf32, #tpu.memory_space<vmem>>, vector<16xf32>,
        %max3A_662 = arith.maximumf %max3A_658, %get3A_661 : vector<16xf32>
        %get3A_663 = arith.index_cast %add3A_639 : i32 to index
        %get3A_664 = arith.constant 96 : index
        %get3A_665 = tpu.vector_load %arg4[%get3A_663, %get3A_664] {strides = array<i32>} : memref<64x512xf32, #tpu.memory_space<vmem>>, vector<16xf32>,
        %max3A_666 = arith.maximumf %max3A_662, %get3A_665 : vector<16xf32>
        %get3A_667 = arith.index_cast %add3A_639 : i32 to index
        %get3A_668 = arith.constant 112 : index
        %get3A_669 = tpu.vector_load %arg4[%get3A_667, %get3A_668] {strides = array<i32>} : memref<64x512xf32, #tpu.memory_space<vmem>>, vector<16xf32>,
        %max3A_670 = arith.maximumf %max3A_666, %get3A_669 : vector<16xf32>
        %get3A_671 = arith.index_cast %add3A_639 : i32 to index
        %get3A_672 = arith.constant 128 : index
        %get3A_673 = tpu.vector_load %arg4[%get3A_671, %get3A_672] {strides = array<i32>} : memref<64x512xf32, #tpu.memory_space<vmem>>, vector<16xf32>,
        %max3A_674 = arith.maximumf %max3A_670, %get3A_673 : vector<16xf32>
        %get3A_675 = arith.index_cast %add3A_639 : i32 to index
        %get3A_676 = arith.constant 144 : index
        %get3A_677 = tpu.vector_load %arg4[%get3A_675, %get3A_676] {strides = array<i32>} : memref<64x512xf32, #tpu.memory_space<vmem>>, vector<16xf32>,
        %max3A_678 = arith.maximumf %max3A_674, %get3A_677 : vector<16xf32>
        %get3A_679 = arith.index_cast %add3A_639 : i32 to index
        %get3A_680 = arith.constant 160 : index
        %get3A_681 = tpu.vector_load %arg4[%get3A_679, %get3A_680] {strides = array<i32>} : memref<64x512xf32, #tpu.memory_space<vmem>>, vector<16xf32>,
        %max3A_682 = arith.maximumf %max3A_678, %get3A_681 : vector<16xf32>
        %get3A_683 = arith.index_cast %add3A_639 : i32 to index
        %get3A_684 = arith.constant 176 : index
        %get3A_685 = tpu.vector_load %arg4[%get3A_683, %get3A_684] {strides = array<i32>} : memref<64x512xf32, #tpu.memory_space<vmem>>, vector<16xf32>,
        %max3A_686 = arith.maximumf %max3A_682, %get3A_685 : vector<16xf32>
        %get3A_687 = arith.index_cast %add3A_639 : i32 to index
        %get3A_688 = arith.constant 192 : index
        %get3A_689 = tpu.vector_load %arg4[%get3A_687, %get3A_688] {strides = array<i32>} : memref<64x512xf32, #tpu.memory_space<vmem>>, vector<16xf32>,
        %max3A_690 = arith.maximumf %max3A_686, %get3A_689 : vector<16xf32>
        %get3A_691 = arith.index_cast %add3A_639 : i32 to index
        %get3A_692 = arith.constant 208 : index
        %get3A_693 = tpu.vector_load %arg4[%get3A_691, %get3A_692] {strides = array<i32>} : memref<64x512xf32, #tpu.memory_space<vmem>>, vector<16xf32>,
        %max3A_694 = arith.maximumf %max3A_690, %get3A_693 : vector<16xf32>
        %get3A_695 = arith.index_cast %add3A_639 : i32 to index
        %get3A_696 = arith.constant 224 : index
        %get3A_697 = tpu.vector_load %arg4[%get3A_695, %get3A_696] {strides = array<i32>} : memref<64x512xf32, #tpu.memory_space<vmem>>, vector<16xf32>,
        %max3A_698 = arith.maximumf %max3A_694, %get3A_697 : vector<16xf32>
        %get3A_699 = arith.index_cast %add3A_639 : i32 to index
        %get3A_700 = arith.constant 240 : index
        %get3A_701 = tpu.vector_load %arg4[%get3A_699, %get3A_700] {strides = array<i32>} : memref<64x512xf32, #tpu.memory_space<vmem>>, vector<16xf32>,
        %max3A_702 = arith.maximumf %max3A_698, %get3A_701 : vector<16xf32>
        %get3A_703 = arith.index_cast %add3A_639 : i32 to index
        %get3A_704 = arith.constant 256 : index
        %get3A_705 = tpu.vector_load %arg4[%get3A_703, %get3A_704] {strides = array<i32>} : memref<64x512xf32, #tpu.memory_space<vmem>>, vector<16xf32>,
        %max3A_706 = arith.maximumf %max3A_702, %get3A_705 : vector<16xf32>
        %get3A_707 = arith.index_cast %add3A_639 : i32 to index
        %get3A_708 = arith.constant 272 : index
        %get3A_709 = tpu.vector_load %arg4[%get3A_707, %get3A_708] {strides = array<i32>} : memref<64x512xf32, #tpu.memory_space<vmem>>, vector<16xf32>,
        %max3A_710 = arith.maximumf %max3A_706, %get3A_709 : vector<16xf32>
        %get3A_711 = arith.index_cast %add3A_639 : i32 to index
        %get3A_712 = arith.constant 288 : index
        %get3A_713 = tpu.vector_load %arg4[%get3A_711, %get3A_712] {strides = array<i32>} : memref<64x512xf32, #tpu.memory_space<vmem>>, vector<16xf32>,
        %max3A_714 = arith.maximumf %max3A_710, %get3A_713 : vector<16xf32>
        %get3A_715 = arith.index_cast %add3A_639 : i32 to index
        %get3A_716 = arith.constant 304 : index
        %get3A_717 = tpu.vector_load %arg4[%get3A_715, %get3A_716] {strides = array<i32>} : memref<64x512xf32, #tpu.memory_space<vmem>>, vector<16xf32>,
        %max3A_718 = arith.maximumf %max3A_714, %get3A_717 : vector<16xf32>
        %get3A_719 = arith.index_cast %add3A_639 : i32 to index
        %get3A_720 = arith.constant 320 : index
        %get3A_721 = tpu.vector_load %arg4[%get3A_719, %get3A_720] {strides = array<i32>} : memref<64x512xf32, #tpu.memory_space<vmem>>, vector<16xf32>,
        %max3A_722 = arith.maximumf %max3A_718, %get3A_721 : vector<16xf32>
        %get3A_723 = arith.index_cast %add3A_639 : i32 to index
        %get3A_724 = arith.constant 336 : index
        %get3A_725 = tpu.vector_load %arg4[%get3A_723, %get3A_724] {strides = array<i32>} : memref<64x512xf32, #tpu.memory_space<vmem>>, vector<16xf32>,
        %max3A_726 = arith.maximumf %max3A_722, %get3A_725 : vector<16xf32>
        %get3A_727 = arith.index_cast %add3A_639 : i32 to index
        %get3A_728 = arith.constant 352 : index
        %get3A_729 = tpu.vector_load %arg4[%get3A_727, %get3A_728] {strides = array<i32>} : memref<64x512xf32, #tpu.memory_space<vmem>>, vector<16xf32>,
        %max3A_730 = arith.maximumf %max3A_726, %get3A_729 : vector<16xf32>
        %get3A_731 = arith.index_cast %add3A_639 : i32 to index
        %get3A_732 = arith.constant 368 : index
        %get3A_733 = tpu.vector_load %arg4[%get3A_731, %get3A_732] {strides = array<i32>} : memref<64x512xf32, #tpu.memory_space<vmem>>, vector<16xf32>,
        %max3A_734 = arith.maximumf %max3A_730, %get3A_733 : vector<16xf32>
        %get3A_735 = arith.index_cast %add3A_639 : i32 to index
        %get3A_736 = arith.constant 384 : index
        %get3A_737 = tpu.vector_load %arg4[%get3A_735, %get3A_736] {strides = array<i32>} : memref<64x512xf32, #tpu.memory_space<vmem>>, vector<16xf32>,
        %max3A_738 = arith.maximumf %max3A_734, %get3A_737 : vector<16xf32>
        %get3A_739 = arith.index_cast %add3A_639 : i32 to index
        %get3A_740 = arith.constant 400 : index
        %get3A_741 = tpu.vector_load %arg4[%get3A_739, %get3A_740] {strides = array<i32>} : memref<64x512xf32, #tpu.memory_space<vmem>>, vector<16xf32>,
        %max3A_742 = arith.maximumf %max3A_738, %get3A_741 : vector<16xf32>
        %get3A_743 = arith.index_cast %add3A_639 : i32 to index
        %get3A_744 = arith.constant 416 : index
        %get3A_745 = tpu.vector_load %arg4[%get3A_743, %get3A_744] {strides = array<i32>} : memref<64x512xf32, #tpu.memory_space<vmem>>, vector<16xf32>,
        %max3A_746 = arith.maximumf %max3A_742, %get3A_745 : vector<16xf32>
        %get3A_747 = arith.index_cast %add3A_639 : i32 to index
        %get3A_748 = arith.constant 432 : index
        %get3A_749 = tpu.vector_load %arg4[%get3A_747, %get3A_748] {strides = array<i32>} : memref<64x512xf32, #tpu.memory_space<vmem>>, vector<16xf32>,
        %max3A_750 = arith.maximumf %max3A_746, %get3A_749 : vector<16xf32>
        %get3A_751 = arith.index_cast %add3A_639 : i32 to index
        %get3A_752 = arith.constant 448 : index
        %get3A_753 = tpu.vector_load %arg4[%get3A_751, %get3A_752] {strides = array<i32>} : memref<64x512xf32, #tpu.memory_space<vmem>>, vector<16xf32>,
        %max3A_754 = arith.maximumf %max3A_750, %get3A_753 : vector<16xf32>
        %get3A_755 = arith.index_cast %add3A_639 : i32 to index
        %get3A_756 = arith.constant 464 : index
        %get3A_757 = tpu.vector_load %arg4[%get3A_755, %get3A_756] {strides = array<i32>} : memref<64x512xf32, #tpu.memory_space<vmem>>, vector<16xf32>,
        %max3A_758 = arith.maximumf %max3A_754, %get3A_757 : vector<16xf32>
        %get3A_759 = arith.index_cast %add3A_639 : i32 to index
        %get3A_760 = arith.constant 480 : index
        %get3A_761 = tpu.vector_load %arg4[%get3A_759, %get3A_760] {strides = array<i32>} : memref<64x512xf32, #tpu.memory_space<vmem>>, vector<16xf32>,
        %max3A_762 = arith.maximumf %max3A_758, %get3A_761 : vector<16xf32>
        %get3A_763 = arith.index_cast %add3A_639 : i32 to index
        %get3A_764 = arith.constant 496 : index
        %get3A_765 = tpu.vector_load %arg4[%get3A_763, %get3A_764] {strides = array<i32>} : memref<64x512xf32, #tpu.memory_space<vmem>>, vector<16xf32>,
        %max3A_766 = arith.maximumf %max3A_762, %get3A_765 : vector<16xf32>
        %reduce_max3A_767 = arith.constant true
        %reduce_max3A_768 = vector.broadcast %reduce_max3A_767 : i1 to vector<16xi1>
        %reduce_max3A_769 = tpu.scan <max>, %max3A_766 masked %reduce_max3A_768 : vector<16xf32>, vector<16xi1> -> vector<16xf32>
        %reduce_max3A_770 = vector.extract %reduce_max3A_769[15] : f32 from vector<16xf32>
        %add3A_771 = arith.addf %reduce_max3A_365, %reduce_max3A_500 : f32
        %add3A_772 = arith.addf %reduce_max3A_635, %reduce_max3A_770 : f32
        %add3A_773 = arith.addf %add3A_771, %add3A_772 : f32
        %add3A_774 = arith.addf %scan3A_233, %add3A_773 : f32
        scf.yield %add3A_774 : f32
      }
      %scan3A_93 = arith.constant 16 : i32
      %add3A_94 = arith.constant 2 : i32
      %add3A_95 = arith.addi %add3A_41, %add3A_94 : i32
      %lt3A_96 = arith.constant 16 : i32
      %lt3A_97 = arith.cmpi slt, %add3A_95, %lt3A_96 : i32
      %convert_element_type3A = arith.extui %lt3A_97 : i1 to i32
      %cond3A = arith.constant 0 : i32
      %cond3A_98 = arith.cmpi ne, %convert_element_type3A, %cond3A : i32
      scf.if %cond3A_98 {
        %add3A_232 = arith.constant 2 : i32
        %add3A_233 = arith.addi %add3A_41, %add3A_232 : i32
        %mul3A_234 = arith.constant 8 : i32
        %mul3A_235 = arith.muli %arg0, %mul3A_234 : i32
        %add3A_236 = arith.constant 32 : i32
        %add3A_237 = arith.addi %add3A_236, %mul3A_235 : i32
        %jit3A_238 = arith.constant 2 : i32
        %div3A_239 = arith.divsi %add3A_233, %jit3A_238 : i32
        %sign3A_240 = arith.constant 0 : i32
        %sign3A_241 = arith.cmpi sgt, %add3A_233, %sign3A_240 : i32
        %sign3A_242 = arith.extui %sign3A_241 : i1 to i32
        %sign3A_243 = arith.constant 0 : i32
        %sign3A_244 = arith.cmpi slt, %add3A_233, %sign3A_243 : i32
        %sign3A_245 = arith.extui %sign3A_244 : i1 to i32
        %sign3A_246 = arith.subi %sign3A_242, %sign3A_245 : i32
        %sign3A_247 = arith.constant 0 : i32
        %sign3A_248 = arith.cmpi sgt, %jit3A_238, %sign3A_247 : i32
        %sign3A_249 = arith.extui %sign3A_248 : i1 to i32
        %sign3A_250 = arith.constant 0 : i32
        %sign3A_251 = arith.cmpi slt, %jit3A_238, %sign3A_250 : i32
        %sign3A_252 = arith.extui %sign3A_251 : i1 to i32
        %sign3A_253 = arith.subi %sign3A_249, %sign3A_252 : i32
        %ne3A_254 = arith.cmpi ne, %sign3A_246, %sign3A_253 : i32
        %rem3A_255 = arith.remsi %add3A_233, %jit3A_238 : i32
        %ne3A_256 = arith.constant 0 : i32
        %ne3A_257 = arith.cmpi ne, %rem3A_255, %ne3A_256 : i32
        %and3A_258 = arith.andi %ne3A_254, %ne3A_257 : i1
        %sub3A_259 = arith.constant 1 : i32
        %sub3A_260 = arith.subi %div3A_239, %sub3A_259 : i32
        %select_n3A_261 = arith.select %and3A_258, %sub3A_260, %div3A_239 : i32
        %add3A_262 = arith.addi %add3A_237, %select_n3A_261 : i32
        %mul3A_263 = arith.constant 128 : i32
        %mul3A_264 = arith.muli %arg1, %mul3A_263 : i32
        %jit3A_265 = arith.constant 2 : i32
        %eq3A_266 = arith.constant 0 : i32
        %eq3A_267 = arith.cmpi eq, %jit3A_265, %eq3A_266 : i32
        %jit3A_268 = arith.constant 1 : i32
        %select_n3A_269 = arith.select %eq3A_267, %jit3A_268, %jit3A_265 : i32
        %rem3A_270 = arith.remsi %add3A_233, %select_n3A_269 : i32
        %ne3A_271 = arith.constant 0 : i32
        %ne3A_272 = arith.cmpi ne, %rem3A_270, %ne3A_271 : i32
        %lt3A_273 = arith.constant 0 : i32
        %lt3A_274 = arith.cmpi slt, %rem3A_270, %lt3A_273 : i32
        %lt3A_275 = arith.constant 0 : i32
        %lt3A_276 = arith.cmpi slt, %select_n3A_269, %lt3A_275 : i32
        %ne3A_277 = arith.xori %lt3A_274, %lt3A_276 : i1
        %and3A_278 = arith.andi %ne3A_277, %ne3A_272 : i1
        %add3A_279 = arith.addi %rem3A_270, %select_n3A_269 : i32
        %select_n3A_280 = arith.select %and3A_278, %add3A_279, %rem3A_270 : i32
        %mul3A_281 = arith.constant 64 : i32
        %mul3A_282 = arith.muli %select_n3A_280, %mul3A_281 : i32
        %add3A_283 = arith.addi %mul3A_264, %mul3A_282 : i32
        %dma_start3A_284 = arith.constant 0 : i32
        %dma_start3A_285 = tpu.memref_slice %arg2[%add3A_262, %add3A_283, %dma_start3A_284] : memref<48x2048x512xf32, #tpu.memory_space<hbm>> -> memref<1x64x512xf32, #tpu.memory_space<hbm>>
        %dma_start3A_286 = tpu.memref_squeeze %dma_start3A_285 : memref<1x64x512xf32, #tpu.memory_space<hbm>> -> memref<64x512xf32, #tpu.memory_space<hbm>>
        %dma_start3A_287 = arith.constant 0 : i32
        %dma_start3A_288 = tpu.memref_slice %arg2[%add3A_262, %add3A_283, %dma_start3A_287] : memref<48x2048x512xf32, #tpu.memory_space<hbm>> -> memref<1x64x512xf32, #tpu.memory_space<hbm>>
        %dma_start3A_289 = tpu.memref_squeeze %dma_start3A_288 : memref<1x64x512xf32, #tpu.memory_space<hbm>> -> memref<64x512xf32, #tpu.memory_space<hbm>>
        tpu.enqueue_dma source(%dma_start3A_289 : memref<64x512xf32, #tpu.memory_space<hbm>>) target(%arg4 : memref<64x512xf32, #tpu.memory_space<vmem>>) target_semaphore(%arg7 : memref<!tpu.dma_semaphore, #tpu.memory_space<semaphore_mem>>)
      } else {
      }
      %jit3A_99 = arith.constant 2 : i32
      %div3A_100 = arith.divsi %add3A_41, %jit3A_99 : i32
      %sign3A_101 = arith.constant 0 : i32
      %sign3A_102 = arith.cmpi sgt, %add3A_41, %sign3A_101 : i32
      %sign3A_103 = arith.extui %sign3A_102 : i1 to i32
      %sign3A_104 = arith.constant 0 : i32
      %sign3A_105 = arith.cmpi slt, %add3A_41, %sign3A_104 : i32
      %sign3A_106 = arith.extui %sign3A_105 : i1 to i32
      %sign3A_107 = arith.subi %sign3A_103, %sign3A_106 : i32
      %sign3A_108 = arith.constant 0 : i32
      %sign3A_109 = arith.cmpi sgt, %jit3A_99, %sign3A_108 : i32
      %sign3A_110 = arith.extui %sign3A_109 : i1 to i32
      %sign3A_111 = arith.constant 0 : i32
      %sign3A_112 = arith.cmpi slt, %jit3A_99, %sign3A_111 : i32
      %sign3A_113 = arith.extui %sign3A_112 : i1 to i32
      %sign3A_114 = arith.subi %sign3A_110, %sign3A_113 : i32
      %ne3A_115 = arith.cmpi ne, %sign3A_107, %sign3A_114 : i32
      %rem3A_116 = arith.remsi %add3A_41, %jit3A_99 : i32
      %ne3A_117 = arith.constant 0 : i32
      %ne3A_118 = arith.cmpi ne, %rem3A_116, %ne3A_117 : i32
      %and3A_119 = arith.andi %ne3A_115, %ne3A_118 : i1
      %sub3A_120 = arith.constant 1 : i32
      %sub3A_121 = arith.subi %div3A_100, %sub3A_120 : i32
      %select_n3A_122 = arith.select %and3A_119, %sub3A_121, %div3A_100 : i32
      %iota3A = tpu.iota {dimensions = array<i32: 0>} : vector<16xi32>
      %eq3A_123 = vector.broadcast %select_n3A_122 : i32 to vector<16xi32>
      %eq3A_124 = arith.cmpi eq, %iota3A, %eq3A_123 : vector<16xi32>
      %add3A_125 = vector.broadcast %scan3A_92 : f32 to vector<16xf32>
      %add3A_126 = arith.addf %scan3A_37, %add3A_125 : vector<16xf32>
      %select_n3A_127 = arith.select %eq3A_124, %add3A_126, %scan3A_37 : vector<16xi1>, vector<16xf32>
      %mul3A_128 = arith.constant 2 : i32
      %mul3A_129 = arith.muli %scan3A_36, %mul3A_128 : i32
      %add3A_130 = arith.constant 1 : i32
      %add3A_131 = arith.addi %mul3A_129, %add3A_130 : i32
      %mul3A_132 = arith.constant 8 : i32
      %mul3A_133 = arith.muli %arg0, %mul3A_132 : i32
      %add3A_134 = arith.constant 32 : i32
      %add3A_135 = arith.addi %add3A_134, %mul3A_133 : i32
      %jit3A_136 = arith.constant 2 : i32
      %div3A_137 = arith.divsi %add3A_131, %jit3A_136 : i32
      %sign3A_138 = arith.constant 0 : i32
      %sign3A_139 = arith.cmpi sgt, %add3A_131, %sign3A_138 : i32
      %sign3A_140 = arith.extui %sign3A_139 : i1 to i32
      %sign3A_141 = arith.constant 0 : i32
      %sign3A_142 = arith.cmpi slt, %add3A_131, %sign3A_141 : i32
      %sign3A_143 = arith.extui %sign3A_142 : i1 to i32
      %sign3A_144 = arith.subi %sign3A_140, %sign3A_143 : i32
      %sign3A_145 = arith.constant 0 : i32
      %sign3A_146 = arith.cmpi sgt, %jit3A_136, %sign3A_145 : i32
      %sign3A_147 = arith.extui %sign3A_146 : i1 to i32
      %sign3A_148 = arith.constant 0 : i32
      %sign3A_149 = arith.cmpi slt, %jit3A_136, %sign3A_148 : i32
      %sign3A_150 = arith.extui %sign3A_149 : i1 to i32
      %sign3A_151 = arith.subi %sign3A_147, %sign3A_150 : i32
      %ne3A_152 = arith.cmpi ne, %sign3A_144, %sign3A_151 : i32
      %rem3A_153 = arith.remsi %add3A_131, %jit3A_136 : i32
      %ne3A_154 = arith.constant 0 : i32
      %ne3A_155 = arith.cmpi ne, %rem3A_153, %ne3A_154 : i32
      %and3A_156 = arith.andi %ne3A_152, %ne3A_155 : i1
      %sub3A_157 = arith.constant 1 : i32
      %sub3A_158 = arith.subi %div3A_137, %sub3A_157 : i32
      %select_n3A_159 = arith.select %and3A_156, %sub3A_158, %div3A_137 : i32
      %add3A_160 = arith.addi %add3A_135, %select_n3A_159 : i32
      %mul3A_161 = arith.constant 128 : i32
      %mul3A_162 = arith.muli %arg1, %mul3A_161 : i32
      %jit3A_163 = arith.constant 2 : i32
      %eq3A_164 = arith.constant 0 : i32
      %eq3A_165 = arith.cmpi eq, %jit3A_163, %eq3A_164 : i32
      %jit3A_166 = arith.constant 1 : i32
      %select_n3A_167 = arith.select %eq3A_165, %jit3A_166, %jit3A_163 : i32
      %rem3A_168 = arith.remsi %add3A_131, %select_n3A_167 : i32
      %ne3A_169 = arith.constant 0 : i32
      %ne3A_170 = arith.cmpi ne, %rem3A_168, %ne3A_169 : i32
      %lt3A_171 = arith.constant 0 : i32
      %lt3A_172 = arith.cmpi slt, %rem3A_168, %lt3A_171 : i32
      %lt3A_173 = arith.constant 0 : i32
      %lt3A_174 = arith.cmpi slt, %select_n3A_167, %lt3A_173 : i32
      %ne3A_175 = arith.xori %lt3A_172, %lt3A_174 : i1
      %and3A_176 = arith.andi %ne3A_175, %ne3A_170 : i1
      %add3A_177 = arith.addi %rem3A_168, %select_n3A_167 : i32
      %select_n3A_178 = arith.select %and3A_176, %add3A_177, %rem3A_168 : i32
      %mul3A_179 = arith.constant 64 : i32
      %mul3A_180 = arith.muli %select_n3A_178, %mul3A_179 : i32
      %add3A_181 = arith.addi %mul3A_162, %mul3A_180 : i32
      %dma_wait3A_182 = arith.constant 0 : i32
      %dma_wait3A_183 = tpu.memref_slice %arg2[%add3A_160, %add3A_181, %dma_wait3A_182] : memref<48x2048x512xf32, #tpu.memory_space<hbm>> -> memref<1x64x512xf32, #tpu.memory_space<hbm>>
      %dma_wait3A_184 = tpu.memref_squeeze %dma_wait3A_183 : memref<1x64x512xf32, #tpu.memory_space<hbm>> -> memref<64x512xf32, #tpu.memory_space<hbm>>
      %dma_wait3A_185 = arith.constant 0 : i32
      %dma_wait3A_186 = tpu.memref_slice %arg2[%add3A_160, %add3A_181, %dma_wait3A_185] : memref<48x2048x512xf32, #tpu.memory_space<hbm>> -> memref<1x64x512xf32, #tpu.memory_space<hbm>>
      %dma_wait3A_187 = tpu.memref_squeeze %dma_wait3A_186 : memref<1x64x512xf32, #tpu.memory_space<hbm>> -> memref<64x512xf32, #tpu.memory_space<hbm>>
      tpu.wait_dma2 semaphore(%arg8 : memref<!tpu.dma_semaphore, #tpu.memory_space<semaphore_mem>>) src(%dma_wait3A_187 : memref<64x512xf32, #tpu.memory_space<hbm>>) dst(%arg5 : memref<64x512xf32, #tpu.memory_space<vmem>>)
      %scan3A_188 = arith.constant 0.000000e+00 : f32
      %scan3A_189 = arith.constant 0 : i32
      %scan3A_190 = arith.constant 16 : i32
      %scan3A_191 = arith.addi %scan3A_189, %scan3A_190 : i32
      %scan3A_192 = arith.constant 1 : i32
      %scan3A_193 = scf.for %scan3A_232 = %scan3A_189 to %scan3A_191 step %scan3A_192 iter_args(%scan3A_233 = %scan3A_188) -> (f32)  : i32 {
        %mul3A_234 = arith.constant 4 : i32
        %mul3A_235 = arith.muli %scan3A_232, %mul3A_234 : i32
        %add3A_236 = arith.constant 0 : i32
        %add3A_237 = arith.addi %mul3A_235, %add3A_236 : i32
        %get3A = arith.index_cast %add3A_237 : i32 to index
        %get3A_238 = arith.constant 0 : index
        %get3A_239 = tpu.vector_load %arg5[%get3A, %get3A_238] {strides = array<i32>} : memref<64x512xf32, #tpu.memory_space<vmem>>, vector<16xf32>,
        %get3A_240 = arith.index_cast %add3A_237 : i32 to index
        %get3A_241 = arith.constant 16 : index
        %get3A_242 = tpu.vector_load %arg5[%get3A_240, %get3A_241] {strides = array<i32>} : memref<64x512xf32, #tpu.memory_space<vmem>>, vector<16xf32>,
        %max3A = arith.maximumf %get3A_239, %get3A_242 : vector<16xf32>
        %get3A_243 = arith.index_cast %add3A_237 : i32 to index
        %get3A_244 = arith.constant 32 : index
        %get3A_245 = tpu.vector_load %arg5[%get3A_243, %get3A_244] {strides = array<i32>} : memref<64x512xf32, #tpu.memory_space<vmem>>, vector<16xf32>,
        %max3A_246 = arith.maximumf %max3A, %get3A_245 : vector<16xf32>
        %get3A_247 = arith.index_cast %add3A_237 : i32 to index
        %get3A_248 = arith.constant 48 : index
        %get3A_249 = tpu.vector_load %arg5[%get3A_247, %get3A_248] {strides = array<i32>} : memref<64x512xf32, #tpu.memory_space<vmem>>, vector<16xf32>,
        %max3A_250 = arith.maximumf %max3A_246, %get3A_249 : vector<16xf32>
        %get3A_251 = arith.index_cast %add3A_237 : i32 to index
        %get3A_252 = arith.constant 64 : index
        %get3A_253 = tpu.vector_load %arg5[%get3A_251, %get3A_252] {strides = array<i32>} : memref<64x512xf32, #tpu.memory_space<vmem>>, vector<16xf32>,
        %max3A_254 = arith.maximumf %max3A_250, %get3A_253 : vector<16xf32>
        %get3A_255 = arith.index_cast %add3A_237 : i32 to index
        %get3A_256 = arith.constant 80 : index
        %get3A_257 = tpu.vector_load %arg5[%get3A_255, %get3A_256] {strides = array<i32>} : memref<64x512xf32, #tpu.memory_space<vmem>>, vector<16xf32>,
        %max3A_258 = arith.maximumf %max3A_254, %get3A_257 : vector<16xf32>
        %get3A_259 = arith.index_cast %add3A_237 : i32 to index
        %get3A_260 = arith.constant 96 : index
        %get3A_261 = tpu.vector_load %arg5[%get3A_259, %get3A_260] {strides = array<i32>} : memref<64x512xf32, #tpu.memory_space<vmem>>, vector<16xf32>,
        %max3A_262 = arith.maximumf %max3A_258, %get3A_261 : vector<16xf32>
        %get3A_263 = arith.index_cast %add3A_237 : i32 to index
        %get3A_264 = arith.constant 112 : index
        %get3A_265 = tpu.vector_load %arg5[%get3A_263, %get3A_264] {strides = array<i32>} : memref<64x512xf32, #tpu.memory_space<vmem>>, vector<16xf32>,
        %max3A_266 = arith.maximumf %max3A_262, %get3A_265 : vector<16xf32>
        %get3A_267 = arith.index_cast %add3A_237 : i32 to index
        %get3A_268 = arith.constant 128 : index
        %get3A_269 = tpu.vector_load %arg5[%get3A_267, %get3A_268] {strides = array<i32>} : memref<64x512xf32, #tpu.memory_space<vmem>>, vector<16xf32>,
        %max3A_270 = arith.maximumf %max3A_266, %get3A_269 : vector<16xf32>
        %get3A_271 = arith.index_cast %add3A_237 : i32 to index
        %get3A_272 = arith.constant 144 : index
        %get3A_273 = tpu.vector_load %arg5[%get3A_271, %get3A_272] {strides = array<i32>} : memref<64x512xf32, #tpu.memory_space<vmem>>, vector<16xf32>,
        %max3A_274 = arith.maximumf %max3A_270, %get3A_273 : vector<16xf32>
        %get3A_275 = arith.index_cast %add3A_237 : i32 to index
        %get3A_276 = arith.constant 160 : index
        %get3A_277 = tpu.vector_load %arg5[%get3A_275, %get3A_276] {strides = array<i32>} : memref<64x512xf32, #tpu.memory_space<vmem>>, vector<16xf32>,
        %max3A_278 = arith.maximumf %max3A_274, %get3A_277 : vector<16xf32>
        %get3A_279 = arith.index_cast %add3A_237 : i32 to index
        %get3A_280 = arith.constant 176 : index
        %get3A_281 = tpu.vector_load %arg5[%get3A_279, %get3A_280] {strides = array<i32>} : memref<64x512xf32, #tpu.memory_space<vmem>>, vector<16xf32>,
        %max3A_282 = arith.maximumf %max3A_278, %get3A_281 : vector<16xf32>
        %get3A_283 = arith.index_cast %add3A_237 : i32 to index
        %get3A_284 = arith.constant 192 : index
        %get3A_285 = tpu.vector_load %arg5[%get3A_283, %get3A_284] {strides = array<i32>} : memref<64x512xf32, #tpu.memory_space<vmem>>, vector<16xf32>,
        %max3A_286 = arith.maximumf %max3A_282, %get3A_285 : vector<16xf32>
        %get3A_287 = arith.index_cast %add3A_237 : i32 to index
        %get3A_288 = arith.constant 208 : index
        %get3A_289 = tpu.vector_load %arg5[%get3A_287, %get3A_288] {strides = array<i32>} : memref<64x512xf32, #tpu.memory_space<vmem>>, vector<16xf32>,
        %max3A_290 = arith.maximumf %max3A_286, %get3A_289 : vector<16xf32>
        %get3A_291 = arith.index_cast %add3A_237 : i32 to index
        %get3A_292 = arith.constant 224 : index
        %get3A_293 = tpu.vector_load %arg5[%get3A_291, %get3A_292] {strides = array<i32>} : memref<64x512xf32, #tpu.memory_space<vmem>>, vector<16xf32>,
        %max3A_294 = arith.maximumf %max3A_290, %get3A_293 : vector<16xf32>
        %get3A_295 = arith.index_cast %add3A_237 : i32 to index
        %get3A_296 = arith.constant 240 : index
        %get3A_297 = tpu.vector_load %arg5[%get3A_295, %get3A_296] {strides = array<i32>} : memref<64x512xf32, #tpu.memory_space<vmem>>, vector<16xf32>,
        %max3A_298 = arith.maximumf %max3A_294, %get3A_297 : vector<16xf32>
        %get3A_299 = arith.index_cast %add3A_237 : i32 to index
        %get3A_300 = arith.constant 256 : index
        %get3A_301 = tpu.vector_load %arg5[%get3A_299, %get3A_300] {strides = array<i32>} : memref<64x512xf32, #tpu.memory_space<vmem>>, vector<16xf32>,
        %max3A_302 = arith.maximumf %max3A_298, %get3A_301 : vector<16xf32>
        %get3A_303 = arith.index_cast %add3A_237 : i32 to index
        %get3A_304 = arith.constant 272 : index
        %get3A_305 = tpu.vector_load %arg5[%get3A_303, %get3A_304] {strides = array<i32>} : memref<64x512xf32, #tpu.memory_space<vmem>>, vector<16xf32>,
        %max3A_306 = arith.maximumf %max3A_302, %get3A_305 : vector<16xf32>
        %get3A_307 = arith.index_cast %add3A_237 : i32 to index
        %get3A_308 = arith.constant 288 : index
        %get3A_309 = tpu.vector_load %arg5[%get3A_307, %get3A_308] {strides = array<i32>} : memref<64x512xf32, #tpu.memory_space<vmem>>, vector<16xf32>,
        %max3A_310 = arith.maximumf %max3A_306, %get3A_309 : vector<16xf32>
        %get3A_311 = arith.index_cast %add3A_237 : i32 to index
        %get3A_312 = arith.constant 304 : index
        %get3A_313 = tpu.vector_load %arg5[%get3A_311, %get3A_312] {strides = array<i32>} : memref<64x512xf32, #tpu.memory_space<vmem>>, vector<16xf32>,
        %max3A_314 = arith.maximumf %max3A_310, %get3A_313 : vector<16xf32>
        %get3A_315 = arith.index_cast %add3A_237 : i32 to index
        %get3A_316 = arith.constant 320 : index
        %get3A_317 = tpu.vector_load %arg5[%get3A_315, %get3A_316] {strides = array<i32>} : memref<64x512xf32, #tpu.memory_space<vmem>>, vector<16xf32>,
        %max3A_318 = arith.maximumf %max3A_314, %get3A_317 : vector<16xf32>
        %get3A_319 = arith.index_cast %add3A_237 : i32 to index
        %get3A_320 = arith.constant 336 : index
        %get3A_321 = tpu.vector_load %arg5[%get3A_319, %get3A_320] {strides = array<i32>} : memref<64x512xf32, #tpu.memory_space<vmem>>, vector<16xf32>,
        %max3A_322 = arith.maximumf %max3A_318, %get3A_321 : vector<16xf32>
        %get3A_323 = arith.index_cast %add3A_237 : i32 to index
        %get3A_324 = arith.constant 352 : index
        %get3A_325 = tpu.vector_load %arg5[%get3A_323, %get3A_324] {strides = array<i32>} : memref<64x512xf32, #tpu.memory_space<vmem>>, vector<16xf32>,
        %max3A_326 = arith.maximumf %max3A_322, %get3A_325 : vector<16xf32>
        %get3A_327 = arith.index_cast %add3A_237 : i32 to index
        %get3A_328 = arith.constant 368 : index
        %get3A_329 = tpu.vector_load %arg5[%get3A_327, %get3A_328] {strides = array<i32>} : memref<64x512xf32, #tpu.memory_space<vmem>>, vector<16xf32>,
        %max3A_330 = arith.maximumf %max3A_326, %get3A_329 : vector<16xf32>
        %get3A_331 = arith.index_cast %add3A_237 : i32 to index
        %get3A_332 = arith.constant 384 : index
        %get3A_333 = tpu.vector_load %arg5[%get3A_331, %get3A_332] {strides = array<i32>} : memref<64x512xf32, #tpu.memory_space<vmem>>, vector<16xf32>,
        %max3A_334 = arith.maximumf %max3A_330, %get3A_333 : vector<16xf32>
        %get3A_335 = arith.index_cast %add3A_237 : i32 to index
        %get3A_336 = arith.constant 400 : index
        %get3A_337 = tpu.vector_load %arg5[%get3A_335, %get3A_336] {strides = array<i32>} : memref<64x512xf32, #tpu.memory_space<vmem>>, vector<16xf32>,
        %max3A_338 = arith.maximumf %max3A_334, %get3A_337 : vector<16xf32>
        %get3A_339 = arith.index_cast %add3A_237 : i32 to index
        %get3A_340 = arith.constant 416 : index
        %get3A_341 = tpu.vector_load %arg5[%get3A_339, %get3A_340] {strides = array<i32>} : memref<64x512xf32, #tpu.memory_space<vmem>>, vector<16xf32>,
        %max3A_342 = arith.maximumf %max3A_338, %get3A_341 : vector<16xf32>
        %get3A_343 = arith.index_cast %add3A_237 : i32 to index
        %get3A_344 = arith.constant 432 : index
        %get3A_345 = tpu.vector_load %arg5[%get3A_343, %get3A_344] {strides = array<i32>} : memref<64x512xf32, #tpu.memory_space<vmem>>, vector<16xf32>,
        %max3A_346 = arith.maximumf %max3A_342, %get3A_345 : vector<16xf32>
        %get3A_347 = arith.index_cast %add3A_237 : i32 to index
        %get3A_348 = arith.constant 448 : index
        %get3A_349 = tpu.vector_load %arg5[%get3A_347, %get3A_348] {strides = array<i32>} : memref<64x512xf32, #tpu.memory_space<vmem>>, vector<16xf32>,
        %max3A_350 = arith.maximumf %max3A_346, %get3A_349 : vector<16xf32>
        %get3A_351 = arith.index_cast %add3A_237 : i32 to index
        %get3A_352 = arith.constant 464 : index
        %get3A_353 = tpu.vector_load %arg5[%get3A_351, %get3A_352] {strides = array<i32>} : memref<64x512xf32, #tpu.memory_space<vmem>>, vector<16xf32>,
        %max3A_354 = arith.maximumf %max3A_350, %get3A_353 : vector<16xf32>
        %get3A_355 = arith.index_cast %add3A_237 : i32 to index
        %get3A_356 = arith.constant 480 : index
        %get3A_357 = tpu.vector_load %arg5[%get3A_355, %get3A_356] {strides = array<i32>} : memref<64x512xf32, #tpu.memory_space<vmem>>, vector<16xf32>,
        %max3A_358 = arith.maximumf %max3A_354, %get3A_357 : vector<16xf32>
        %get3A_359 = arith.index_cast %add3A_237 : i32 to index
        %get3A_360 = arith.constant 496 : index
        %get3A_361 = tpu.vector_load %arg5[%get3A_359, %get3A_360] {strides = array<i32>} : memref<64x512xf32, #tpu.memory_space<vmem>>, vector<16xf32>,
        %max3A_362 = arith.maximumf %max3A_358, %get3A_361 : vector<16xf32>
        %reduce_max3A = arith.constant true
        %reduce_max3A_363 = vector.broadcast %reduce_max3A : i1 to vector<16xi1>
        %reduce_max3A_364 = tpu.scan <max>, %max3A_362 masked %reduce_max3A_363 : vector<16xf32>, vector<16xi1> -> vector<16xf32>
        %reduce_max3A_365 = vector.extract %reduce_max3A_364[15] : f32 from vector<16xf32>
        %mul3A_366 = arith.constant 4 : i32
        %mul3A_367 = arith.muli %scan3A_232, %mul3A_366 : i32
        %add3A_368 = arith.constant 1 : i32
        %add3A_369 = arith.addi %mul3A_367, %add3A_368 : i32
        %get3A_370 = arith.index_cast %add3A_369 : i32 to index
        %get3A_371 = arith.constant 0 : index
        %get3A_372 = tpu.vector_load %arg5[%get3A_370, %get3A_371] {strides = array<i32>} : memref<64x512xf32, #tpu.memory_space<vmem>>, vector<16xf32>,
        %get3A_373 = arith.index_cast %add3A_369 : i32 to index
        %get3A_374 = arith.constant 16 : index
        %get3A_375 = tpu.vector_load %arg5[%get3A_373, %get3A_374] {strides = array<i32>} : memref<64x512xf32, #tpu.memory_space<vmem>>, vector<16xf32>,
        %max3A_376 = arith.maximumf %get3A_372, %get3A_375 : vector<16xf32>
        %get3A_377 = arith.index_cast %add3A_369 : i32 to index
        %get3A_378 = arith.constant 32 : index
        %get3A_379 = tpu.vector_load %arg5[%get3A_377, %get3A_378] {strides = array<i32>} : memref<64x512xf32, #tpu.memory_space<vmem>>, vector<16xf32>,
        %max3A_380 = arith.maximumf %max3A_376, %get3A_379 : vector<16xf32>
        %get3A_381 = arith.index_cast %add3A_369 : i32 to index
        %get3A_382 = arith.constant 48 : index
        %get3A_383 = tpu.vector_load %arg5[%get3A_381, %get3A_382] {strides = array<i32>} : memref<64x512xf32, #tpu.memory_space<vmem>>, vector<16xf32>,
        %max3A_384 = arith.maximumf %max3A_380, %get3A_383 : vector<16xf32>
        %get3A_385 = arith.index_cast %add3A_369 : i32 to index
        %get3A_386 = arith.constant 64 : index
        %get3A_387 = tpu.vector_load %arg5[%get3A_385, %get3A_386] {strides = array<i32>} : memref<64x512xf32, #tpu.memory_space<vmem>>, vector<16xf32>,
        %max3A_388 = arith.maximumf %max3A_384, %get3A_387 : vector<16xf32>
        %get3A_389 = arith.index_cast %add3A_369 : i32 to index
        %get3A_390 = arith.constant 80 : index
        %get3A_391 = tpu.vector_load %arg5[%get3A_389, %get3A_390] {strides = array<i32>} : memref<64x512xf32, #tpu.memory_space<vmem>>, vector<16xf32>,
        %max3A_392 = arith.maximumf %max3A_388, %get3A_391 : vector<16xf32>
        %get3A_393 = arith.index_cast %add3A_369 : i32 to index
        %get3A_394 = arith.constant 96 : index
        %get3A_395 = tpu.vector_load %arg5[%get3A_393, %get3A_394] {strides = array<i32>} : memref<64x512xf32, #tpu.memory_space<vmem>>, vector<16xf32>,
        %max3A_396 = arith.maximumf %max3A_392, %get3A_395 : vector<16xf32>
        %get3A_397 = arith.index_cast %add3A_369 : i32 to index
        %get3A_398 = arith.constant 112 : index
        %get3A_399 = tpu.vector_load %arg5[%get3A_397, %get3A_398] {strides = array<i32>} : memref<64x512xf32, #tpu.memory_space<vmem>>, vector<16xf32>,
        %max3A_400 = arith.maximumf %max3A_396, %get3A_399 : vector<16xf32>
        %get3A_401 = arith.index_cast %add3A_369 : i32 to index
        %get3A_402 = arith.constant 128 : index
        %get3A_403 = tpu.vector_load %arg5[%get3A_401, %get3A_402] {strides = array<i32>} : memref<64x512xf32, #tpu.memory_space<vmem>>, vector<16xf32>,
        %max3A_404 = arith.maximumf %max3A_400, %get3A_403 : vector<16xf32>
        %get3A_405 = arith.index_cast %add3A_369 : i32 to index
        %get3A_406 = arith.constant 144 : index
        %get3A_407 = tpu.vector_load %arg5[%get3A_405, %get3A_406] {strides = array<i32>} : memref<64x512xf32, #tpu.memory_space<vmem>>, vector<16xf32>,
        %max3A_408 = arith.maximumf %max3A_404, %get3A_407 : vector<16xf32>
        %get3A_409 = arith.index_cast %add3A_369 : i32 to index
        %get3A_410 = arith.constant 160 : index
        %get3A_411 = tpu.vector_load %arg5[%get3A_409, %get3A_410] {strides = array<i32>} : memref<64x512xf32, #tpu.memory_space<vmem>>, vector<16xf32>,
        %max3A_412 = arith.maximumf %max3A_408, %get3A_411 : vector<16xf32>
        %get3A_413 = arith.index_cast %add3A_369 : i32 to index
        %get3A_414 = arith.constant 176 : index
        %get3A_415 = tpu.vector_load %arg5[%get3A_413, %get3A_414] {strides = array<i32>} : memref<64x512xf32, #tpu.memory_space<vmem>>, vector<16xf32>,
        %max3A_416 = arith.maximumf %max3A_412, %get3A_415 : vector<16xf32>
        %get3A_417 = arith.index_cast %add3A_369 : i32 to index
        %get3A_418 = arith.constant 192 : index
        %get3A_419 = tpu.vector_load %arg5[%get3A_417, %get3A_418] {strides = array<i32>} : memref<64x512xf32, #tpu.memory_space<vmem>>, vector<16xf32>,
        %max3A_420 = arith.maximumf %max3A_416, %get3A_419 : vector<16xf32>
        %get3A_421 = arith.index_cast %add3A_369 : i32 to index
        %get3A_422 = arith.constant 208 : index
        %get3A_423 = tpu.vector_load %arg5[%get3A_421, %get3A_422] {strides = array<i32>} : memref<64x512xf32, #tpu.memory_space<vmem>>, vector<16xf32>,
        %max3A_424 = arith.maximumf %max3A_420, %get3A_423 : vector<16xf32>
        %get3A_425 = arith.index_cast %add3A_369 : i32 to index
        %get3A_426 = arith.constant 224 : index
        %get3A_427 = tpu.vector_load %arg5[%get3A_425, %get3A_426] {strides = array<i32>} : memref<64x512xf32, #tpu.memory_space<vmem>>, vector<16xf32>,
        %max3A_428 = arith.maximumf %max3A_424, %get3A_427 : vector<16xf32>
        %get3A_429 = arith.index_cast %add3A_369 : i32 to index
        %get3A_430 = arith.constant 240 : index
        %get3A_431 = tpu.vector_load %arg5[%get3A_429, %get3A_430] {strides = array<i32>} : memref<64x512xf32, #tpu.memory_space<vmem>>, vector<16xf32>,
        %max3A_432 = arith.maximumf %max3A_428, %get3A_431 : vector<16xf32>
        %get3A_433 = arith.index_cast %add3A_369 : i32 to index
        %get3A_434 = arith.constant 256 : index
        %get3A_435 = tpu.vector_load %arg5[%get3A_433, %get3A_434] {strides = array<i32>} : memref<64x512xf32, #tpu.memory_space<vmem>>, vector<16xf32>,
        %max3A_436 = arith.maximumf %max3A_432, %get3A_435 : vector<16xf32>
        %get3A_437 = arith.index_cast %add3A_369 : i32 to index
        %get3A_438 = arith.constant 272 : index
        %get3A_439 = tpu.vector_load %arg5[%get3A_437, %get3A_438] {strides = array<i32>} : memref<64x512xf32, #tpu.memory_space<vmem>>, vector<16xf32>,
        %max3A_440 = arith.maximumf %max3A_436, %get3A_439 : vector<16xf32>
        %get3A_441 = arith.index_cast %add3A_369 : i32 to index
        %get3A_442 = arith.constant 288 : index
        %get3A_443 = tpu.vector_load %arg5[%get3A_441, %get3A_442] {strides = array<i32>} : memref<64x512xf32, #tpu.memory_space<vmem>>, vector<16xf32>,
        %max3A_444 = arith.maximumf %max3A_440, %get3A_443 : vector<16xf32>
        %get3A_445 = arith.index_cast %add3A_369 : i32 to index
        %get3A_446 = arith.constant 304 : index
        %get3A_447 = tpu.vector_load %arg5[%get3A_445, %get3A_446] {strides = array<i32>} : memref<64x512xf32, #tpu.memory_space<vmem>>, vector<16xf32>,
        %max3A_448 = arith.maximumf %max3A_444, %get3A_447 : vector<16xf32>
        %get3A_449 = arith.index_cast %add3A_369 : i32 to index
        %get3A_450 = arith.constant 320 : index
        %get3A_451 = tpu.vector_load %arg5[%get3A_449, %get3A_450] {strides = array<i32>} : memref<64x512xf32, #tpu.memory_space<vmem>>, vector<16xf32>,
        %max3A_452 = arith.maximumf %max3A_448, %get3A_451 : vector<16xf32>
        %get3A_453 = arith.index_cast %add3A_369 : i32 to index
        %get3A_454 = arith.constant 336 : index
        %get3A_455 = tpu.vector_load %arg5[%get3A_453, %get3A_454] {strides = array<i32>} : memref<64x512xf32, #tpu.memory_space<vmem>>, vector<16xf32>,
        %max3A_456 = arith.maximumf %max3A_452, %get3A_455 : vector<16xf32>
        %get3A_457 = arith.index_cast %add3A_369 : i32 to index
        %get3A_458 = arith.constant 352 : index
        %get3A_459 = tpu.vector_load %arg5[%get3A_457, %get3A_458] {strides = array<i32>} : memref<64x512xf32, #tpu.memory_space<vmem>>, vector<16xf32>,
        %max3A_460 = arith.maximumf %max3A_456, %get3A_459 : vector<16xf32>
        %get3A_461 = arith.index_cast %add3A_369 : i32 to index
        %get3A_462 = arith.constant 368 : index
        %get3A_463 = tpu.vector_load %arg5[%get3A_461, %get3A_462] {strides = array<i32>} : memref<64x512xf32, #tpu.memory_space<vmem>>, vector<16xf32>,
        %max3A_464 = arith.maximumf %max3A_460, %get3A_463 : vector<16xf32>
        %get3A_465 = arith.index_cast %add3A_369 : i32 to index
        %get3A_466 = arith.constant 384 : index
        %get3A_467 = tpu.vector_load %arg5[%get3A_465, %get3A_466] {strides = array<i32>} : memref<64x512xf32, #tpu.memory_space<vmem>>, vector<16xf32>,
        %max3A_468 = arith.maximumf %max3A_464, %get3A_467 : vector<16xf32>
        %get3A_469 = arith.index_cast %add3A_369 : i32 to index
        %get3A_470 = arith.constant 400 : index
        %get3A_471 = tpu.vector_load %arg5[%get3A_469, %get3A_470] {strides = array<i32>} : memref<64x512xf32, #tpu.memory_space<vmem>>, vector<16xf32>,
        %max3A_472 = arith.maximumf %max3A_468, %get3A_471 : vector<16xf32>
        %get3A_473 = arith.index_cast %add3A_369 : i32 to index
        %get3A_474 = arith.constant 416 : index
        %get3A_475 = tpu.vector_load %arg5[%get3A_473, %get3A_474] {strides = array<i32>} : memref<64x512xf32, #tpu.memory_space<vmem>>, vector<16xf32>,
        %max3A_476 = arith.maximumf %max3A_472, %get3A_475 : vector<16xf32>
        %get3A_477 = arith.index_cast %add3A_369 : i32 to index
        %get3A_478 = arith.constant 432 : index
        %get3A_479 = tpu.vector_load %arg5[%get3A_477, %get3A_478] {strides = array<i32>} : memref<64x512xf32, #tpu.memory_space<vmem>>, vector<16xf32>,
        %max3A_480 = arith.maximumf %max3A_476, %get3A_479 : vector<16xf32>
        %get3A_481 = arith.index_cast %add3A_369 : i32 to index
        %get3A_482 = arith.constant 448 : index
        %get3A_483 = tpu.vector_load %arg5[%get3A_481, %get3A_482] {strides = array<i32>} : memref<64x512xf32, #tpu.memory_space<vmem>>, vector<16xf32>,
        %max3A_484 = arith.maximumf %max3A_480, %get3A_483 : vector<16xf32>
        %get3A_485 = arith.index_cast %add3A_369 : i32 to index
        %get3A_486 = arith.constant 464 : index
        %get3A_487 = tpu.vector_load %arg5[%get3A_485, %get3A_486] {strides = array<i32>} : memref<64x512xf32, #tpu.memory_space<vmem>>, vector<16xf32>,
        %max3A_488 = arith.maximumf %max3A_484, %get3A_487 : vector<16xf32>
        %get3A_489 = arith.index_cast %add3A_369 : i32 to index
        %get3A_490 = arith.constant 480 : index
        %get3A_491 = tpu.vector_load %arg5[%get3A_489, %get3A_490] {strides = array<i32>} : memref<64x512xf32, #tpu.memory_space<vmem>>, vector<16xf32>,
        %max3A_492 = arith.maximumf %max3A_488, %get3A_491 : vector<16xf32>
        %get3A_493 = arith.index_cast %add3A_369 : i32 to index
        %get3A_494 = arith.constant 496 : index
        %get3A_495 = tpu.vector_load %arg5[%get3A_493, %get3A_494] {strides = array<i32>} : memref<64x512xf32, #tpu.memory_space<vmem>>, vector<16xf32>,
        %max3A_496 = arith.maximumf %max3A_492, %get3A_495 : vector<16xf32>
        %reduce_max3A_497 = arith.constant true
        %reduce_max3A_498 = vector.broadcast %reduce_max3A_497 : i1 to vector<16xi1>
        %reduce_max3A_499 = tpu.scan <max>, %max3A_496 masked %reduce_max3A_498 : vector<16xf32>, vector<16xi1> -> vector<16xf32>
        %reduce_max3A_500 = vector.extract %reduce_max3A_499[15] : f32 from vector<16xf32>
        %mul3A_501 = arith.constant 4 : i32
        %mul3A_502 = arith.muli %scan3A_232, %mul3A_501 : i32
        %add3A_503 = arith.constant 2 : i32
        %add3A_504 = arith.addi %mul3A_502, %add3A_503 : i32
        %get3A_505 = arith.index_cast %add3A_504 : i32 to index
        %get3A_506 = arith.constant 0 : index
        %get3A_507 = tpu.vector_load %arg5[%get3A_505, %get3A_506] {strides = array<i32>} : memref<64x512xf32, #tpu.memory_space<vmem>>, vector<16xf32>,
        %get3A_508 = arith.index_cast %add3A_504 : i32 to index
        %get3A_509 = arith.constant 16 : index
        %get3A_510 = tpu.vector_load %arg5[%get3A_508, %get3A_509] {strides = array<i32>} : memref<64x512xf32, #tpu.memory_space<vmem>>, vector<16xf32>,
        %max3A_511 = arith.maximumf %get3A_507, %get3A_510 : vector<16xf32>
        %get3A_512 = arith.index_cast %add3A_504 : i32 to index
        %get3A_513 = arith.constant 32 : index
        %get3A_514 = tpu.vector_load %arg5[%get3A_512, %get3A_513] {strides = array<i32>} : memref<64x512xf32, #tpu.memory_space<vmem>>, vector<16xf32>,
        %max3A_515 = arith.maximumf %max3A_511, %get3A_514 : vector<16xf32>
        %get3A_516 = arith.index_cast %add3A_504 : i32 to index
        %get3A_517 = arith.constant 48 : index
        %get3A_518 = tpu.vector_load %arg5[%get3A_516, %get3A_517] {strides = array<i32>} : memref<64x512xf32, #tpu.memory_space<vmem>>, vector<16xf32>,
        %max3A_519 = arith.maximumf %max3A_515, %get3A_518 : vector<16xf32>
        %get3A_520 = arith.index_cast %add3A_504 : i32 to index
        %get3A_521 = arith.constant 64 : index
        %get3A_522 = tpu.vector_load %arg5[%get3A_520, %get3A_521] {strides = array<i32>} : memref<64x512xf32, #tpu.memory_space<vmem>>, vector<16xf32>,
        %max3A_523 = arith.maximumf %max3A_519, %get3A_522 : vector<16xf32>
        %get3A_524 = arith.index_cast %add3A_504 : i32 to index
        %get3A_525 = arith.constant 80 : index
        %get3A_526 = tpu.vector_load %arg5[%get3A_524, %get3A_525] {strides = array<i32>} : memref<64x512xf32, #tpu.memory_space<vmem>>, vector<16xf32>,
        %max3A_527 = arith.maximumf %max3A_523, %get3A_526 : vector<16xf32>
        %get3A_528 = arith.index_cast %add3A_504 : i32 to index
        %get3A_529 = arith.constant 96 : index
        %get3A_530 = tpu.vector_load %arg5[%get3A_528, %get3A_529] {strides = array<i32>} : memref<64x512xf32, #tpu.memory_space<vmem>>, vector<16xf32>,
        %max3A_531 = arith.maximumf %max3A_527, %get3A_530 : vector<16xf32>
        %get3A_532 = arith.index_cast %add3A_504 : i32 to index
        %get3A_533 = arith.constant 112 : index
        %get3A_534 = tpu.vector_load %arg5[%get3A_532, %get3A_533] {strides = array<i32>} : memref<64x512xf32, #tpu.memory_space<vmem>>, vector<16xf32>,
        %max3A_535 = arith.maximumf %max3A_531, %get3A_534 : vector<16xf32>
        %get3A_536 = arith.index_cast %add3A_504 : i32 to index
        %get3A_537 = arith.constant 128 : index
        %get3A_538 = tpu.vector_load %arg5[%get3A_536, %get3A_537] {strides = array<i32>} : memref<64x512xf32, #tpu.memory_space<vmem>>, vector<16xf32>,
        %max3A_539 = arith.maximumf %max3A_535, %get3A_538 : vector<16xf32>
        %get3A_540 = arith.index_cast %add3A_504 : i32 to index
        %get3A_541 = arith.constant 144 : index
        %get3A_542 = tpu.vector_load %arg5[%get3A_540, %get3A_541] {strides = array<i32>} : memref<64x512xf32, #tpu.memory_space<vmem>>, vector<16xf32>,
        %max3A_543 = arith.maximumf %max3A_539, %get3A_542 : vector<16xf32>
        %get3A_544 = arith.index_cast %add3A_504 : i32 to index
        %get3A_545 = arith.constant 160 : index
        %get3A_546 = tpu.vector_load %arg5[%get3A_544, %get3A_545] {strides = array<i32>} : memref<64x512xf32, #tpu.memory_space<vmem>>, vector<16xf32>,
        %max3A_547 = arith.maximumf %max3A_543, %get3A_546 : vector<16xf32>
        %get3A_548 = arith.index_cast %add3A_504 : i32 to index
        %get3A_549 = arith.constant 176 : index
        %get3A_550 = tpu.vector_load %arg5[%get3A_548, %get3A_549] {strides = array<i32>} : memref<64x512xf32, #tpu.memory_space<vmem>>, vector<16xf32>,
        %max3A_551 = arith.maximumf %max3A_547, %get3A_550 : vector<16xf32>
        %get3A_552 = arith.index_cast %add3A_504 : i32 to index
        %get3A_553 = arith.constant 192 : index
        %get3A_554 = tpu.vector_load %arg5[%get3A_552, %get3A_553] {strides = array<i32>} : memref<64x512xf32, #tpu.memory_space<vmem>>, vector<16xf32>,
        %max3A_555 = arith.maximumf %max3A_551, %get3A_554 : vector<16xf32>
        %get3A_556 = arith.index_cast %add3A_504 : i32 to index
        %get3A_557 = arith.constant 208 : index
        %get3A_558 = tpu.vector_load %arg5[%get3A_556, %get3A_557] {strides = array<i32>} : memref<64x512xf32, #tpu.memory_space<vmem>>, vector<16xf32>,
        %max3A_559 = arith.maximumf %max3A_555, %get3A_558 : vector<16xf32>
        %get3A_560 = arith.index_cast %add3A_504 : i32 to index
        %get3A_561 = arith.constant 224 : index
        %get3A_562 = tpu.vector_load %arg5[%get3A_560, %get3A_561] {strides = array<i32>} : memref<64x512xf32, #tpu.memory_space<vmem>>, vector<16xf32>,
        %max3A_563 = arith.maximumf %max3A_559, %get3A_562 : vector<16xf32>
        %get3A_564 = arith.index_cast %add3A_504 : i32 to index
        %get3A_565 = arith.constant 240 : index
        %get3A_566 = tpu.vector_load %arg5[%get3A_564, %get3A_565] {strides = array<i32>} : memref<64x512xf32, #tpu.memory_space<vmem>>, vector<16xf32>,
        %max3A_567 = arith.maximumf %max3A_563, %get3A_566 : vector<16xf32>
        %get3A_568 = arith.index_cast %add3A_504 : i32 to index
        %get3A_569 = arith.constant 256 : index
        %get3A_570 = tpu.vector_load %arg5[%get3A_568, %get3A_569] {strides = array<i32>} : memref<64x512xf32, #tpu.memory_space<vmem>>, vector<16xf32>,
        %max3A_571 = arith.maximumf %max3A_567, %get3A_570 : vector<16xf32>
        %get3A_572 = arith.index_cast %add3A_504 : i32 to index
        %get3A_573 = arith.constant 272 : index
        %get3A_574 = tpu.vector_load %arg5[%get3A_572, %get3A_573] {strides = array<i32>} : memref<64x512xf32, #tpu.memory_space<vmem>>, vector<16xf32>,
        %max3A_575 = arith.maximumf %max3A_571, %get3A_574 : vector<16xf32>
        %get3A_576 = arith.index_cast %add3A_504 : i32 to index
        %get3A_577 = arith.constant 288 : index
        %get3A_578 = tpu.vector_load %arg5[%get3A_576, %get3A_577] {strides = array<i32>} : memref<64x512xf32, #tpu.memory_space<vmem>>, vector<16xf32>,
        %max3A_579 = arith.maximumf %max3A_575, %get3A_578 : vector<16xf32>
        %get3A_580 = arith.index_cast %add3A_504 : i32 to index
        %get3A_581 = arith.constant 304 : index
        %get3A_582 = tpu.vector_load %arg5[%get3A_580, %get3A_581] {strides = array<i32>} : memref<64x512xf32, #tpu.memory_space<vmem>>, vector<16xf32>,
        %max3A_583 = arith.maximumf %max3A_579, %get3A_582 : vector<16xf32>
        %get3A_584 = arith.index_cast %add3A_504 : i32 to index
        %get3A_585 = arith.constant 320 : index
        %get3A_586 = tpu.vector_load %arg5[%get3A_584, %get3A_585] {strides = array<i32>} : memref<64x512xf32, #tpu.memory_space<vmem>>, vector<16xf32>,
        %max3A_587 = arith.maximumf %max3A_583, %get3A_586 : vector<16xf32>
        %get3A_588 = arith.index_cast %add3A_504 : i32 to index
        %get3A_589 = arith.constant 336 : index
        %get3A_590 = tpu.vector_load %arg5[%get3A_588, %get3A_589] {strides = array<i32>} : memref<64x512xf32, #tpu.memory_space<vmem>>, vector<16xf32>,
        %max3A_591 = arith.maximumf %max3A_587, %get3A_590 : vector<16xf32>
        %get3A_592 = arith.index_cast %add3A_504 : i32 to index
        %get3A_593 = arith.constant 352 : index
        %get3A_594 = tpu.vector_load %arg5[%get3A_592, %get3A_593] {strides = array<i32>} : memref<64x512xf32, #tpu.memory_space<vmem>>, vector<16xf32>,
        %max3A_595 = arith.maximumf %max3A_591, %get3A_594 : vector<16xf32>
        %get3A_596 = arith.index_cast %add3A_504 : i32 to index
        %get3A_597 = arith.constant 368 : index
        %get3A_598 = tpu.vector_load %arg5[%get3A_596, %get3A_597] {strides = array<i32>} : memref<64x512xf32, #tpu.memory_space<vmem>>, vector<16xf32>,
        %max3A_599 = arith.maximumf %max3A_595, %get3A_598 : vector<16xf32>
        %get3A_600 = arith.index_cast %add3A_504 : i32 to index
        %get3A_601 = arith.constant 384 : index
        %get3A_602 = tpu.vector_load %arg5[%get3A_600, %get3A_601] {strides = array<i32>} : memref<64x512xf32, #tpu.memory_space<vmem>>, vector<16xf32>,
        %max3A_603 = arith.maximumf %max3A_599, %get3A_602 : vector<16xf32>
        %get3A_604 = arith.index_cast %add3A_504 : i32 to index
        %get3A_605 = arith.constant 400 : index
        %get3A_606 = tpu.vector_load %arg5[%get3A_604, %get3A_605] {strides = array<i32>} : memref<64x512xf32, #tpu.memory_space<vmem>>, vector<16xf32>,
        %max3A_607 = arith.maximumf %max3A_603, %get3A_606 : vector<16xf32>
        %get3A_608 = arith.index_cast %add3A_504 : i32 to index
        %get3A_609 = arith.constant 416 : index
        %get3A_610 = tpu.vector_load %arg5[%get3A_608, %get3A_609] {strides = array<i32>} : memref<64x512xf32, #tpu.memory_space<vmem>>, vector<16xf32>,
        %max3A_611 = arith.maximumf %max3A_607, %get3A_610 : vector<16xf32>
        %get3A_612 = arith.index_cast %add3A_504 : i32 to index
        %get3A_613 = arith.constant 432 : index
        %get3A_614 = tpu.vector_load %arg5[%get3A_612, %get3A_613] {strides = array<i32>} : memref<64x512xf32, #tpu.memory_space<vmem>>, vector<16xf32>,
        %max3A_615 = arith.maximumf %max3A_611, %get3A_614 : vector<16xf32>
        %get3A_616 = arith.index_cast %add3A_504 : i32 to index
        %get3A_617 = arith.constant 448 : index
        %get3A_618 = tpu.vector_load %arg5[%get3A_616, %get3A_617] {strides = array<i32>} : memref<64x512xf32, #tpu.memory_space<vmem>>, vector<16xf32>,
        %max3A_619 = arith.maximumf %max3A_615, %get3A_618 : vector<16xf32>
        %get3A_620 = arith.index_cast %add3A_504 : i32 to index
        %get3A_621 = arith.constant 464 : index
        %get3A_622 = tpu.vector_load %arg5[%get3A_620, %get3A_621] {strides = array<i32>} : memref<64x512xf32, #tpu.memory_space<vmem>>, vector<16xf32>,
        %max3A_623 = arith.maximumf %max3A_619, %get3A_622 : vector<16xf32>
        %get3A_624 = arith.index_cast %add3A_504 : i32 to index
        %get3A_625 = arith.constant 480 : index
        %get3A_626 = tpu.vector_load %arg5[%get3A_624, %get3A_625] {strides = array<i32>} : memref<64x512xf32, #tpu.memory_space<vmem>>, vector<16xf32>,
        %max3A_627 = arith.maximumf %max3A_623, %get3A_626 : vector<16xf32>
        %get3A_628 = arith.index_cast %add3A_504 : i32 to index
        %get3A_629 = arith.constant 496 : index
        %get3A_630 = tpu.vector_load %arg5[%get3A_628, %get3A_629] {strides = array<i32>} : memref<64x512xf32, #tpu.memory_space<vmem>>, vector<16xf32>,
        %max3A_631 = arith.maximumf %max3A_627, %get3A_630 : vector<16xf32>
        %reduce_max3A_632 = arith.constant true
        %reduce_max3A_633 = vector.broadcast %reduce_max3A_632 : i1 to vector<16xi1>
        %reduce_max3A_634 = tpu.scan <max>, %max3A_631 masked %reduce_max3A_633 : vector<16xf32>, vector<16xi1> -> vector<16xf32>
        %reduce_max3A_635 = vector.extract %reduce_max3A_634[15] : f32 from vector<16xf32>
        %mul3A_636 = arith.constant 4 : i32
        %mul3A_637 = arith.muli %scan3A_232, %mul3A_636 : i32
        %add3A_638 = arith.constant 3 : i32
        %add3A_639 = arith.addi %mul3A_637, %add3A_638 : i32
        %get3A_640 = arith.index_cast %add3A_639 : i32 to index
        %get3A_641 = arith.constant 0 : index
        %get3A_642 = tpu.vector_load %arg5[%get3A_640, %get3A_641] {strides = array<i32>} : memref<64x512xf32, #tpu.memory_space<vmem>>, vector<16xf32>,
        %get3A_643 = arith.index_cast %add3A_639 : i32 to index
        %get3A_644 = arith.constant 16 : index
        %get3A_645 = tpu.vector_load %arg5[%get3A_643, %get3A_644] {strides = array<i32>} : memref<64x512xf32, #tpu.memory_space<vmem>>, vector<16xf32>,
        %max3A_646 = arith.maximumf %get3A_642, %get3A_645 : vector<16xf32>
        %get3A_647 = arith.index_cast %add3A_639 : i32 to index
        %get3A_648 = arith.constant 32 : index
        %get3A_649 = tpu.vector_load %arg5[%get3A_647, %get3A_648] {strides = array<i32>} : memref<64x512xf32, #tpu.memory_space<vmem>>, vector<16xf32>,
        %max3A_650 = arith.maximumf %max3A_646, %get3A_649 : vector<16xf32>
        %get3A_651 = arith.index_cast %add3A_639 : i32 to index
        %get3A_652 = arith.constant 48 : index
        %get3A_653 = tpu.vector_load %arg5[%get3A_651, %get3A_652] {strides = array<i32>} : memref<64x512xf32, #tpu.memory_space<vmem>>, vector<16xf32>,
        %max3A_654 = arith.maximumf %max3A_650, %get3A_653 : vector<16xf32>
        %get3A_655 = arith.index_cast %add3A_639 : i32 to index
        %get3A_656 = arith.constant 64 : index
        %get3A_657 = tpu.vector_load %arg5[%get3A_655, %get3A_656] {strides = array<i32>} : memref<64x512xf32, #tpu.memory_space<vmem>>, vector<16xf32>,
        %max3A_658 = arith.maximumf %max3A_654, %get3A_657 : vector<16xf32>
        %get3A_659 = arith.index_cast %add3A_639 : i32 to index
        %get3A_660 = arith.constant 80 : index
        %get3A_661 = tpu.vector_load %arg5[%get3A_659, %get3A_660] {strides = array<i32>} : memref<64x512xf32, #tpu.memory_space<vmem>>, vector<16xf32>,
        %max3A_662 = arith.maximumf %max3A_658, %get3A_661 : vector<16xf32>
        %get3A_663 = arith.index_cast %add3A_639 : i32 to index
        %get3A_664 = arith.constant 96 : index
        %get3A_665 = tpu.vector_load %arg5[%get3A_663, %get3A_664] {strides = array<i32>} : memref<64x512xf32, #tpu.memory_space<vmem>>, vector<16xf32>,
        %max3A_666 = arith.maximumf %max3A_662, %get3A_665 : vector<16xf32>
        %get3A_667 = arith.index_cast %add3A_639 : i32 to index
        %get3A_668 = arith.constant 112 : index
        %get3A_669 = tpu.vector_load %arg5[%get3A_667, %get3A_668] {strides = array<i32>} : memref<64x512xf32, #tpu.memory_space<vmem>>, vector<16xf32>,
        %max3A_670 = arith.maximumf %max3A_666, %get3A_669 : vector<16xf32>
        %get3A_671 = arith.index_cast %add3A_639 : i32 to index
        %get3A_672 = arith.constant 128 : index
        %get3A_673 = tpu.vector_load %arg5[%get3A_671, %get3A_672] {strides = array<i32>} : memref<64x512xf32, #tpu.memory_space<vmem>>, vector<16xf32>,
        %max3A_674 = arith.maximumf %max3A_670, %get3A_673 : vector<16xf32>
        %get3A_675 = arith.index_cast %add3A_639 : i32 to index
        %get3A_676 = arith.constant 144 : index
        %get3A_677 = tpu.vector_load %arg5[%get3A_675, %get3A_676] {strides = array<i32>} : memref<64x512xf32, #tpu.memory_space<vmem>>, vector<16xf32>,
        %max3A_678 = arith.maximumf %max3A_674, %get3A_677 : vector<16xf32>
        %get3A_679 = arith.index_cast %add3A_639 : i32 to index
        %get3A_680 = arith.constant 160 : index
        %get3A_681 = tpu.vector_load %arg5[%get3A_679, %get3A_680] {strides = array<i32>} : memref<64x512xf32, #tpu.memory_space<vmem>>, vector<16xf32>,
        %max3A_682 = arith.maximumf %max3A_678, %get3A_681 : vector<16xf32>
        %get3A_683 = arith.index_cast %add3A_639 : i32 to index
        %get3A_684 = arith.constant 176 : index
        %get3A_685 = tpu.vector_load %arg5[%get3A_683, %get3A_684] {strides = array<i32>} : memref<64x512xf32, #tpu.memory_space<vmem>>, vector<16xf32>,
        %max3A_686 = arith.maximumf %max3A_682, %get3A_685 : vector<16xf32>
        %get3A_687 = arith.index_cast %add3A_639 : i32 to index
        %get3A_688 = arith.constant 192 : index
        %get3A_689 = tpu.vector_load %arg5[%get3A_687, %get3A_688] {strides = array<i32>} : memref<64x512xf32, #tpu.memory_space<vmem>>, vector<16xf32>,
        %max3A_690 = arith.maximumf %max3A_686, %get3A_689 : vector<16xf32>
        %get3A_691 = arith.index_cast %add3A_639 : i32 to index
        %get3A_692 = arith.constant 208 : index
        %get3A_693 = tpu.vector_load %arg5[%get3A_691, %get3A_692] {strides = array<i32>} : memref<64x512xf32, #tpu.memory_space<vmem>>, vector<16xf32>,
        %max3A_694 = arith.maximumf %max3A_690, %get3A_693 : vector<16xf32>
        %get3A_695 = arith.index_cast %add3A_639 : i32 to index
        %get3A_696 = arith.constant 224 : index
        %get3A_697 = tpu.vector_load %arg5[%get3A_695, %get3A_696] {strides = array<i32>} : memref<64x512xf32, #tpu.memory_space<vmem>>, vector<16xf32>,
        %max3A_698 = arith.maximumf %max3A_694, %get3A_697 : vector<16xf32>
        %get3A_699 = arith.index_cast %add3A_639 : i32 to index
        %get3A_700 = arith.constant 240 : index
        %get3A_701 = tpu.vector_load %arg5[%get3A_699, %get3A_700] {strides = array<i32>} : memref<64x512xf32, #tpu.memory_space<vmem>>, vector<16xf32>,
        %max3A_702 = arith.maximumf %max3A_698, %get3A_701 : vector<16xf32>
        %get3A_703 = arith.index_cast %add3A_639 : i32 to index
        %get3A_704 = arith.constant 256 : index
        %get3A_705 = tpu.vector_load %arg5[%get3A_703, %get3A_704] {strides = array<i32>} : memref<64x512xf32, #tpu.memory_space<vmem>>, vector<16xf32>,
        %max3A_706 = arith.maximumf %max3A_702, %get3A_705 : vector<16xf32>
        %get3A_707 = arith.index_cast %add3A_639 : i32 to index
        %get3A_708 = arith.constant 272 : index
        %get3A_709 = tpu.vector_load %arg5[%get3A_707, %get3A_708] {strides = array<i32>} : memref<64x512xf32, #tpu.memory_space<vmem>>, vector<16xf32>,
        %max3A_710 = arith.maximumf %max3A_706, %get3A_709 : vector<16xf32>
        %get3A_711 = arith.index_cast %add3A_639 : i32 to index
        %get3A_712 = arith.constant 288 : index
        %get3A_713 = tpu.vector_load %arg5[%get3A_711, %get3A_712] {strides = array<i32>} : memref<64x512xf32, #tpu.memory_space<vmem>>, vector<16xf32>,
        %max3A_714 = arith.maximumf %max3A_710, %get3A_713 : vector<16xf32>
        %get3A_715 = arith.index_cast %add3A_639 : i32 to index
        %get3A_716 = arith.constant 304 : index
        %get3A_717 = tpu.vector_load %arg5[%get3A_715, %get3A_716] {strides = array<i32>} : memref<64x512xf32, #tpu.memory_space<vmem>>, vector<16xf32>,
        %max3A_718 = arith.maximumf %max3A_714, %get3A_717 : vector<16xf32>
        %get3A_719 = arith.index_cast %add3A_639 : i32 to index
        %get3A_720 = arith.constant 320 : index
        %get3A_721 = tpu.vector_load %arg5[%get3A_719, %get3A_720] {strides = array<i32>} : memref<64x512xf32, #tpu.memory_space<vmem>>, vector<16xf32>,
        %max3A_722 = arith.maximumf %max3A_718, %get3A_721 : vector<16xf32>
        %get3A_723 = arith.index_cast %add3A_639 : i32 to index
        %get3A_724 = arith.constant 336 : index
        %get3A_725 = tpu.vector_load %arg5[%get3A_723, %get3A_724] {strides = array<i32>} : memref<64x512xf32, #tpu.memory_space<vmem>>, vector<16xf32>,
        %max3A_726 = arith.maximumf %max3A_722, %get3A_725 : vector<16xf32>
        %get3A_727 = arith.index_cast %add3A_639 : i32 to index
        %get3A_728 = arith.constant 352 : index
        %get3A_729 = tpu.vector_load %arg5[%get3A_727, %get3A_728] {strides = array<i32>} : memref<64x512xf32, #tpu.memory_space<vmem>>, vector<16xf32>,
        %max3A_730 = arith.maximumf %max3A_726, %get3A_729 : vector<16xf32>
        %get3A_731 = arith.index_cast %add3A_639 : i32 to index
        %get3A_732 = arith.constant 368 : index
        %get3A_733 = tpu.vector_load %arg5[%get3A_731, %get3A_732] {strides = array<i32>} : memref<64x512xf32, #tpu.memory_space<vmem>>, vector<16xf32>,
        %max3A_734 = arith.maximumf %max3A_730, %get3A_733 : vector<16xf32>
        %get3A_735 = arith.index_cast %add3A_639 : i32 to index
        %get3A_736 = arith.constant 384 : index
        %get3A_737 = tpu.vector_load %arg5[%get3A_735, %get3A_736] {strides = array<i32>} : memref<64x512xf32, #tpu.memory_space<vmem>>, vector<16xf32>,
        %max3A_738 = arith.maximumf %max3A_734, %get3A_737 : vector<16xf32>
        %get3A_739 = arith.index_cast %add3A_639 : i32 to index
        %get3A_740 = arith.constant 400 : index
        %get3A_741 = tpu.vector_load %arg5[%get3A_739, %get3A_740] {strides = array<i32>} : memref<64x512xf32, #tpu.memory_space<vmem>>, vector<16xf32>,
        %max3A_742 = arith.maximumf %max3A_738, %get3A_741 : vector<16xf32>
        %get3A_743 = arith.index_cast %add3A_639 : i32 to index
        %get3A_744 = arith.constant 416 : index
        %get3A_745 = tpu.vector_load %arg5[%get3A_743, %get3A_744] {strides = array<i32>} : memref<64x512xf32, #tpu.memory_space<vmem>>, vector<16xf32>,
        %max3A_746 = arith.maximumf %max3A_742, %get3A_745 : vector<16xf32>
        %get3A_747 = arith.index_cast %add3A_639 : i32 to index
        %get3A_748 = arith.constant 432 : index
        %get3A_749 = tpu.vector_load %arg5[%get3A_747, %get3A_748] {strides = array<i32>} : memref<64x512xf32, #tpu.memory_space<vmem>>, vector<16xf32>,
        %max3A_750 = arith.maximumf %max3A_746, %get3A_749 : vector<16xf32>
        %get3A_751 = arith.index_cast %add3A_639 : i32 to index
        %get3A_752 = arith.constant 448 : index
        %get3A_753 = tpu.vector_load %arg5[%get3A_751, %get3A_752] {strides = array<i32>} : memref<64x512xf32, #tpu.memory_space<vmem>>, vector<16xf32>,
        %max3A_754 = arith.maximumf %max3A_750, %get3A_753 : vector<16xf32>
        %get3A_755 = arith.index_cast %add3A_639 : i32 to index
        %get3A_756 = arith.constant 464 : index
        %get3A_757 = tpu.vector_load %arg5[%get3A_755, %get3A_756] {strides = array<i32>} : memref<64x512xf32, #tpu.memory_space<vmem>>, vector<16xf32>,
        %max3A_758 = arith.maximumf %max3A_754, %get3A_757 : vector<16xf32>
        %get3A_759 = arith.index_cast %add3A_639 : i32 to index
        %get3A_760 = arith.constant 480 : index
        %get3A_761 = tpu.vector_load %arg5[%get3A_759, %get3A_760] {strides = array<i32>} : memref<64x512xf32, #tpu.memory_space<vmem>>, vector<16xf32>,
        %max3A_762 = arith.maximumf %max3A_758, %get3A_761 : vector<16xf32>
        %get3A_763 = arith.index_cast %add3A_639 : i32 to index
        %get3A_764 = arith.constant 496 : index
        %get3A_765 = tpu.vector_load %arg5[%get3A_763, %get3A_764] {strides = array<i32>} : memref<64x512xf32, #tpu.memory_space<vmem>>, vector<16xf32>,
        %max3A_766 = arith.maximumf %max3A_762, %get3A_765 : vector<16xf32>
        %reduce_max3A_767 = arith.constant true
        %reduce_max3A_768 = vector.broadcast %reduce_max3A_767 : i1 to vector<16xi1>
        %reduce_max3A_769 = tpu.scan <max>, %max3A_766 masked %reduce_max3A_768 : vector<16xf32>, vector<16xi1> -> vector<16xf32>
        %reduce_max3A_770 = vector.extract %reduce_max3A_769[15] : f32 from vector<16xf32>
        %add3A_771 = arith.addf %reduce_max3A_365, %reduce_max3A_500 : f32
        %add3A_772 = arith.addf %reduce_max3A_635, %reduce_max3A_770 : f32
        %add3A_773 = arith.addf %add3A_771, %add3A_772 : f32
        %add3A_774 = arith.addf %scan3A_233, %add3A_773 : f32
        scf.yield %add3A_774 : f32
      }
      %scan3A_194 = arith.constant 16 : i32
      %add3A_195 = arith.constant 2 : i32
      %add3A_196 = arith.addi %add3A_131, %add3A_195 : i32
      %lt3A_197 = arith.constant 16 : i32
      %lt3A_198 = arith.cmpi slt, %add3A_196, %lt3A_197 : i32
      %convert_element_type3A_199 = arith.extui %lt3A_198 : i1 to i32
      %cond3A_200 = arith.constant 0 : i32
      %cond3A_201 = arith.cmpi ne, %convert_element_type3A_199, %cond3A_200 : i32
      scf.if %cond3A_201 {
        %add3A_232 = arith.constant 2 : i32
        %add3A_233 = arith.addi %add3A_131, %add3A_232 : i32
        %mul3A_234 = arith.constant 8 : i32
        %mul3A_235 = arith.muli %arg0, %mul3A_234 : i32
        %add3A_236 = arith.constant 32 : i32
        %add3A_237 = arith.addi %add3A_236, %mul3A_235 : i32
        %jit3A_238 = arith.constant 2 : i32
        %div3A_239 = arith.divsi %add3A_233, %jit3A_238 : i32
        %sign3A_240 = arith.constant 0 : i32
        %sign3A_241 = arith.cmpi sgt, %add3A_233, %sign3A_240 : i32
        %sign3A_242 = arith.extui %sign3A_241 : i1 to i32
        %sign3A_243 = arith.constant 0 : i32
        %sign3A_244 = arith.cmpi slt, %add3A_233, %sign3A_243 : i32
        %sign3A_245 = arith.extui %sign3A_244 : i1 to i32
        %sign3A_246 = arith.subi %sign3A_242, %sign3A_245 : i32
        %sign3A_247 = arith.constant 0 : i32
        %sign3A_248 = arith.cmpi sgt, %jit3A_238, %sign3A_247 : i32
        %sign3A_249 = arith.extui %sign3A_248 : i1 to i32
        %sign3A_250 = arith.constant 0 : i32
        %sign3A_251 = arith.cmpi slt, %jit3A_238, %sign3A_250 : i32
        %sign3A_252 = arith.extui %sign3A_251 : i1 to i32
        %sign3A_253 = arith.subi %sign3A_249, %sign3A_252 : i32
        %ne3A_254 = arith.cmpi ne, %sign3A_246, %sign3A_253 : i32
        %rem3A_255 = arith.remsi %add3A_233, %jit3A_238 : i32
        %ne3A_256 = arith.constant 0 : i32
        %ne3A_257 = arith.cmpi ne, %rem3A_255, %ne3A_256 : i32
        %and3A_258 = arith.andi %ne3A_254, %ne3A_257 : i1
        %sub3A_259 = arith.constant 1 : i32
        %sub3A_260 = arith.subi %div3A_239, %sub3A_259 : i32
        %select_n3A_261 = arith.select %and3A_258, %sub3A_260, %div3A_239 : i32
        %add3A_262 = arith.addi %add3A_237, %select_n3A_261 : i32
        %mul3A_263 = arith.constant 128 : i32
        %mul3A_264 = arith.muli %arg1, %mul3A_263 : i32
        %jit3A_265 = arith.constant 2 : i32
        %eq3A_266 = arith.constant 0 : i32
        %eq3A_267 = arith.cmpi eq, %jit3A_265, %eq3A_266 : i32
        %jit3A_268 = arith.constant 1 : i32
        %select_n3A_269 = arith.select %eq3A_267, %jit3A_268, %jit3A_265 : i32
        %rem3A_270 = arith.remsi %add3A_233, %select_n3A_269 : i32
        %ne3A_271 = arith.constant 0 : i32
        %ne3A_272 = arith.cmpi ne, %rem3A_270, %ne3A_271 : i32
        %lt3A_273 = arith.constant 0 : i32
        %lt3A_274 = arith.cmpi slt, %rem3A_270, %lt3A_273 : i32
        %lt3A_275 = arith.constant 0 : i32
        %lt3A_276 = arith.cmpi slt, %select_n3A_269, %lt3A_275 : i32
        %ne3A_277 = arith.xori %lt3A_274, %lt3A_276 : i1
        %and3A_278 = arith.andi %ne3A_277, %ne3A_272 : i1
        %add3A_279 = arith.addi %rem3A_270, %select_n3A_269 : i32
        %select_n3A_280 = arith.select %and3A_278, %add3A_279, %rem3A_270 : i32
        %mul3A_281 = arith.constant 64 : i32
        %mul3A_282 = arith.muli %select_n3A_280, %mul3A_281 : i32
        %add3A_283 = arith.addi %mul3A_264, %mul3A_282 : i32
        %dma_start3A_284 = arith.constant 0 : i32
        %dma_start3A_285 = tpu.memref_slice %arg2[%add3A_262, %add3A_283, %dma_start3A_284] : memref<48x2048x512xf32, #tpu.memory_space<hbm>> -> memref<1x64x512xf32, #tpu.memory_space<hbm>>
        %dma_start3A_286 = tpu.memref_squeeze %dma_start3A_285 : memref<1x64x512xf32, #tpu.memory_space<hbm>> -> memref<64x512xf32, #tpu.memory_space<hbm>>
        %dma_start3A_287 = arith.constant 0 : i32
        %dma_start3A_288 = tpu.memref_slice %arg2[%add3A_262, %add3A_283, %dma_start3A_287] : memref<48x2048x512xf32, #tpu.memory_space<hbm>> -> memref<1x64x512xf32, #tpu.memory_space<hbm>>
        %dma_start3A_289 = tpu.memref_squeeze %dma_start3A_288 : memref<1x64x512xf32, #tpu.memory_space<hbm>> -> memref<64x512xf32, #tpu.memory_space<hbm>>
        tpu.enqueue_dma source(%dma_start3A_289 : memref<64x512xf32, #tpu.memory_space<hbm>>) target(%arg5 : memref<64x512xf32, #tpu.memory_space<vmem>>) target_semaphore(%arg8 : memref<!tpu.dma_semaphore, #tpu.memory_space<semaphore_mem>>)
      } else {
      }
      %jit3A_202 = arith.constant 2 : i32
      %div3A_203 = arith.divsi %add3A_131, %jit3A_202 : i32
      %sign3A_204 = arith.constant 0 : i32
      %sign3A_205 = arith.cmpi sgt, %add3A_131, %sign3A_204 : i32
      %sign3A_206 = arith.extui %sign3A_205 : i1 to i32
      %sign3A_207 = arith.constant 0 : i32
      %sign3A_208 = arith.cmpi slt, %add3A_131, %sign3A_207 : i32
      %sign3A_209 = arith.extui %sign3A_208 : i1 to i32
      %sign3A_210 = arith.subi %sign3A_206, %sign3A_209 : i32
      %sign3A_211 = arith.constant 0 : i32
      %sign3A_212 = arith.cmpi sgt, %jit3A_202, %sign3A_211 : i32
      %sign3A_213 = arith.extui %sign3A_212 : i1 to i32
      %sign3A_214 = arith.constant 0 : i32
      %sign3A_215 = arith.cmpi slt, %jit3A_202, %sign3A_214 : i32
      %sign3A_216 = arith.extui %sign3A_215 : i1 to i32
      %sign3A_217 = arith.subi %sign3A_213, %sign3A_216 : i32
      %ne3A_218 = arith.cmpi ne, %sign3A_210, %sign3A_217 : i32
      %rem3A_219 = arith.remsi %add3A_131, %jit3A_202 : i32
      %ne3A_220 = arith.constant 0 : i32
      %ne3A_221 = arith.cmpi ne, %rem3A_219, %ne3A_220 : i32
      %and3A_222 = arith.andi %ne3A_218, %ne3A_221 : i1
      %sub3A_223 = arith.constant 1 : i32
      %sub3A_224 = arith.subi %div3A_203, %sub3A_223 : i32
      %select_n3A_225 = arith.select %and3A_222, %sub3A_224, %div3A_203 : i32
      %iota3A_226 = tpu.iota {dimensions = array<i32: 0>} : vector<16xi32>
      %eq3A_227 = vector.broadcast %select_n3A_225 : i32 to vector<16xi32>
      %eq3A_228 = arith.cmpi eq, %iota3A_226, %eq3A_227 : vector<16xi32>
      %add3A_229 = vector.broadcast %scan3A_193 : f32 to vector<16xf32>
      %add3A_230 = arith.addf %select_n3A_127, %add3A_229 : vector<16xf32>
      %select_n3A_231 = arith.select %eq3A_228, %add3A_230, %select_n3A_127 : vector<16xi1>, vector<16xf32>
      scf.yield %select_n3A_231 : vector<16xf32>
    }
    %scan3A_34 = arith.constant 8 : i32
    %swap3A = arith.constant 0 : index
    %swap3A_35 = tpu.vector_load %arg6[%swap3A] {strides = array<i32>} : memref<16xf32, #tpu.memory_space<vmem>>, vector<16xf32>,
    tpu.vector_store %arg6[%swap3A], %scan3A_33 {strides = array<i32>} : memref<16xf32, #tpu.memory_space<vmem>>, vector<16xf32>,
    "tpu.region"() ({
      %run_scoped3A = tpu.sem_alloc : memref<!tpu.dma_semaphore, #tpu.memory_space<semaphore_mem>>
      %dma_start3A_36 = arith.constant 0 : i32
      %dma_start3A_37 = tpu.memref_slice %arg3[%arg0, %arg1, %dma_start3A_36] : memref<2x16x16xf32, #tpu.memory_space<hbm>> -> memref<1x1x16xf32, #tpu.memory_space<hbm>>
      %dma_start3A_38 = tpu.memref_squeeze %dma_start3A_37 : memref<1x1x16xf32, #tpu.memory_space<hbm>> -> memref<16xf32, #tpu.memory_space<hbm>>
      %dma_start3A_39 = arith.constant 0 : i32
      %dma_start3A_40 = tpu.memref_slice %arg3[%arg0, %arg1, %dma_start3A_39] : memref<2x16x16xf32, #tpu.memory_space<hbm>> -> memref<1x1x16xf32, #tpu.memory_space<hbm>>
      %dma_start3A_41 = tpu.memref_squeeze %dma_start3A_40 : memref<1x1x16xf32, #tpu.memory_space<hbm>> -> memref<16xf32, #tpu.memory_space<hbm>>
      tpu.enqueue_dma source(%arg6 : memref<16xf32, #tpu.memory_space<vmem>>) target(%dma_start3A_41 : memref<16xf32, #tpu.memory_space<hbm>>) target_semaphore(%run_scoped3A : memref<!tpu.dma_semaphore, #tpu.memory_space<semaphore_mem>>)
      %dma_wait3A = arith.constant 0 : i32
      %dma_wait3A_42 = tpu.memref_slice %arg3[%arg0, %arg1, %dma_wait3A] : memref<2x16x16xf32, #tpu.memory_space<hbm>> -> memref<1x1x16xf32, #tpu.memory_space<hbm>>
      %dma_wait3A_43 = tpu.memref_squeeze %dma_wait3A_42 : memref<1x1x16xf32, #tpu.memory_space<hbm>> -> memref<16xf32, #tpu.memory_space<hbm>>
      %dma_wait3A_44 = arith.constant 0 : i32
      %dma_wait3A_45 = tpu.memref_slice %arg3[%arg0, %arg1, %dma_wait3A_44] : memref<2x16x16xf32, #tpu.memory_space<hbm>> -> memref<1x1x16xf32, #tpu.memory_space<hbm>>
      %dma_wait3A_46 = tpu.memref_squeeze %dma_wait3A_45 : memref<1x1x16xf32, #tpu.memory_space<hbm>> -> memref<16xf32, #tpu.memory_space<hbm>>
      tpu.wait_dma2 semaphore(%run_scoped3A : memref<!tpu.dma_semaphore, #tpu.memory_space<semaphore_mem>>) src(%arg6 : memref<16xf32, #tpu.memory_space<vmem>>) dst(%dma_wait3A_46 : memref<16xf32, #tpu.memory_space<hbm>>)
      tpu.yield
    }) : () -> ()
    return
  }
}

module attributes {stable_mosaic.version = 14 : i64} {
  func.func @_tc_scores_body(%arg0: i32, %arg1: memref<2x2048x512xf32, #tpu.memory_space<vmem>>, %arg2: memref<32xf32, #tpu.memory_space<smem>>) attributes {dimension_semantics = [#tpu.dimension_semantics<arbitrary>], iteration_bounds = array<i64: 16>, scalar_prefetch = 0 : i64, scratch_operands = 0 : i64, tpu.core_type = #tpu.core_type<tc>, window_params = [{transform_indices = @transform_0, window_bounds = array<i64: 2, 2048, 512>}, {transform_indices = @transform_1, window_bounds = array<i64: 32>}]} {
    %get3A = arith.constant 0 : index
    %get3A_0 = arith.constant 0 : index
    %get3A_1 = arith.constant 0 : index
    %get3A_2 = vector.load %arg1[%get3A, %get3A_0, %get3A_1] : memref<2x2048x512xf32, #tpu.memory_space<vmem>>, vector<2x2048x512xf32>
    %reduce_max3A = arith.constant dense<0xFF800000> : vector<2x2048xf32>
    %reduce_max3A_3 = vector.multi_reduction <maximumf>, %get3A_2, %reduce_max3A [2] : vector<2x2048x512xf32> to vector<2x2048xf32>
    %slice3A = vector.extract_strided_slice %reduce_max3A_3 {offsets = [0, 0], sizes = [1, 2048], strides = [1, 1]} : vector<2x2048xf32> to vector<1x2048xf32>
    %squeeze3A = vector.shape_cast %slice3A : vector<1x2048xf32> to vector<2048xf32>
    %reduce_sum3A = vector.shape_cast %squeeze3A : vector<2048xf32> to vector<1x2048xf32>
    %reduce_sum3A_4 = arith.constant dense<0.000000e+00> : vector<1xf32>
    %reduce_sum3A_5 = vector.multi_reduction <add>, %reduce_sum3A, %reduce_sum3A_4 [1] : vector<1x2048xf32> to vector<1xf32>
    %reduce_sum3A_6 = vector.shape_cast %reduce_sum3A_5 : vector<1xf32> to vector<1x1xf32>
    %reduce_sum3A_7 = vector.extract %reduce_sum3A_6[0, 0] : f32 from vector<1x1xf32>
    %mul3A = arith.constant 2 : i32
    %mul3A_8 = arith.muli %arg0, %mul3A : i32
    %add3A = arith.constant 0 : i32
    %add3A_9 = arith.addi %mul3A_8, %add3A : i32
    %swap3A = arith.index_cast %add3A_9 : i32 to index
    %swap3A_10 = memref.load %arg2[%swap3A] : memref<32xf32, #tpu.memory_space<smem>>
    memref.store %reduce_sum3A_7, %arg2[%swap3A] : memref<32xf32, #tpu.memory_space<smem>>
    %slice3A_11 = vector.extract_strided_slice %reduce_max3A_3 {offsets = [1, 0], sizes = [1, 2048], strides = [1, 1]} : vector<2x2048xf32> to vector<1x2048xf32>
    %squeeze3A_12 = vector.shape_cast %slice3A_11 : vector<1x2048xf32> to vector<2048xf32>
    %reduce_sum3A_13 = vector.shape_cast %squeeze3A_12 : vector<2048xf32> to vector<1x2048xf32>
    %reduce_sum3A_14 = arith.constant dense<0.000000e+00> : vector<1xf32>
    %reduce_sum3A_15 = vector.multi_reduction <add>, %reduce_sum3A_13, %reduce_sum3A_14 [1] : vector<1x2048xf32> to vector<1xf32>
    %reduce_sum3A_16 = vector.shape_cast %reduce_sum3A_15 : vector<1xf32> to vector<1x1xf32>
    %reduce_sum3A_17 = vector.extract %reduce_sum3A_16[0, 0] : f32 from vector<1x1xf32>
    %mul3A_18 = arith.constant 2 : i32
    %mul3A_19 = arith.muli %arg0, %mul3A_18 : i32
    %add3A_20 = arith.constant 1 : i32
    %add3A_21 = arith.addi %mul3A_19, %add3A_20 : i32
    %swap3A_22 = arith.index_cast %add3A_21 : i32 to index
    %swap3A_23 = memref.load %arg2[%swap3A_22] : memref<32xf32, #tpu.memory_space<smem>>
    memref.store %reduce_sum3A_17, %arg2[%swap3A_22] : memref<32xf32, #tpu.memory_space<smem>>
    return
  }
  func.func @transform_0(%arg0: i32) -> (i32, i32, i32) {
    %c0_i32 = arith.constant 0 : i32
    %c0_i32_0 = arith.constant 0 : i32
    %c0_i32_1 = arith.constant 0 : i32
    return %arg0, %c0_i32, %c0_i32_0 : i32, i32, i32
  }
  func.func @transform_1(%arg0: i32) -> i32 {
    %c0_i32 = arith.constant 0 : i32
    %c0_i32_0 = arith.constant 0 : i32
    return %c0_i32 : i32
  }
}

module attributes {stable_mosaic.version = 14 : i64} {
  func.func @_merge_body(%arg0: memref<32xf32, #tpu.memory_space<smem>>, %arg1: memref<2x16x16xf32, #tpu.memory_space<smem>>, %arg2: memref<16xi32, #tpu.memory_space<smem>>, %arg3: memref<1xf32, #tpu.memory_space<smem>>, %arg4: memref<16xf32, #tpu.memory_space<smem>>) attributes {dimension_semantics = [], scalar_prefetch = 0 : i64, scratch_operands = 1 : i64, tpu.core_type = #tpu.core_type<tc>} {
    %scan3A = arith.constant 0 : i32
    %scan3A_0 = arith.constant 16 : i32
    %scan3A_1 = arith.addi %scan3A, %scan3A_0 : i32
    %scan3A_2 = arith.constant 1 : i32
    scf.for %scan3A_46 = %scan3A to %scan3A_1 step %scan3A_2  : i32 {
      %jit3A = arith.constant 8 : i32
      %div3A_47 = arith.divsi %scan3A_46, %jit3A : i32
      %sign3A = arith.constant 0 : i32
      %sign3A_48 = arith.cmpi sgt, %scan3A_46, %sign3A : i32
      %sign3A_49 = arith.extui %sign3A_48 : i1 to i32
      %sign3A_50 = arith.constant 0 : i32
      %sign3A_51 = arith.cmpi slt, %scan3A_46, %sign3A_50 : i32
      %sign3A_52 = arith.extui %sign3A_51 : i1 to i32
      %sign3A_53 = arith.subi %sign3A_49, %sign3A_52 : i32
      %sign3A_54 = arith.constant 0 : i32
      %sign3A_55 = arith.cmpi sgt, %jit3A, %sign3A_54 : i32
      %sign3A_56 = arith.extui %sign3A_55 : i1 to i32
      %sign3A_57 = arith.constant 0 : i32
      %sign3A_58 = arith.cmpi slt, %jit3A, %sign3A_57 : i32
      %sign3A_59 = arith.extui %sign3A_58 : i1 to i32
      %sign3A_60 = arith.subi %sign3A_56, %sign3A_59 : i32
      %ne3A = arith.cmpi ne, %sign3A_53, %sign3A_60 : i32
      %rem3A = arith.remsi %scan3A_46, %jit3A : i32
      %ne3A_61 = arith.constant 0 : i32
      %ne3A_62 = arith.cmpi ne, %rem3A, %ne3A_61 : i32
      %and3A = arith.andi %ne3A, %ne3A_62 : i1
      %sub3A = arith.constant 1 : i32
      %sub3A_63 = arith.subi %div3A_47, %sub3A : i32
      %select_n3A = arith.select %and3A, %sub3A_63, %div3A_47 : i32
      %jit3A_64 = arith.constant 8 : i32
      %eq3A = arith.constant 0 : i32
      %eq3A_65 = arith.cmpi eq, %jit3A_64, %eq3A : i32
      %jit3A_66 = arith.constant 1 : i32
      %select_n3A_67 = arith.select %eq3A_65, %jit3A_66, %jit3A_64 : i32
      %rem3A_68 = arith.remsi %scan3A_46, %select_n3A_67 : i32
      %ne3A_69 = arith.constant 0 : i32
      %ne3A_70 = arith.cmpi ne, %rem3A_68, %ne3A_69 : i32
      %lt3A = arith.constant 0 : i32
      %lt3A_71 = arith.cmpi slt, %rem3A_68, %lt3A : i32
      %lt3A_72 = arith.constant 0 : i32
      %lt3A_73 = arith.cmpi slt, %select_n3A_67, %lt3A_72 : i32
      %ne3A_74 = arith.xori %lt3A_71, %lt3A_73 : i1
      %and3A_75 = arith.andi %ne3A_74, %ne3A_70 : i1
      %add3A = arith.addi %rem3A_68, %select_n3A_67 : i32
      %select_n3A_76 = arith.select %and3A_75, %add3A, %rem3A_68 : i32
      %scan3A_77 = arith.constant 0.000000e+00 : f32
      %scan3A_78 = arith.constant 0 : i32
      %scan3A_79 = arith.constant 16 : i32
      %scan3A_80 = arith.addi %scan3A_78, %scan3A_79 : i32
      %scan3A_81 = arith.constant 1 : i32
      %scan3A_82 = scf.for %scan3A_86 = %scan3A_78 to %scan3A_80 step %scan3A_81 iter_args(%scan3A_87 = %scan3A_77) -> (f32)  : i32 {
        %get3A = arith.index_cast %select_n3A : i32 to index
        %get3A_88 = arith.index_cast %scan3A_86 : i32 to index
        %get3A_89 = arith.index_cast %select_n3A_76 : i32 to index
        %get3A_90 = memref.load %arg1[%get3A, %get3A_88, %get3A_89] : memref<2x16x16xf32, #tpu.memory_space<smem>>
        %add3A_91 = arith.addf %scan3A_87, %get3A_90 : f32
        scf.yield %add3A_91 : f32
      }
      %scan3A_83 = arith.constant 16 : i32
      %swap3A_84 = arith.index_cast %scan3A_46 : i32 to index
      %swap3A_85 = memref.load %arg4[%swap3A_84] : memref<16xf32, #tpu.memory_space<smem>>
      memref.store %scan3A_82, %arg4[%swap3A_84] : memref<16xf32, #tpu.memory_space<smem>>
    }
    %scan3A_3 = arith.constant 16 : i32
    %scan3A_4 = arith.constant -1.000000e+00 : f32
    %scan3A_5 = arith.constant 0 : i32
    %scan3A_6 = arith.constant 0 : i32
    %scan3A_7 = arith.constant 48 : i32
    %scan3A_8 = arith.addi %scan3A_6, %scan3A_7 : i32
    %scan3A_9 = arith.constant 1 : i32
    %scan3A_10:2 = scf.for %scan3A_46 = %scan3A_6 to %scan3A_8 step %scan3A_9 iter_args(%scan3A_47 = %scan3A_4, %scan3A_48 = %scan3A_5) -> (f32, i32)  : i32 {
      %min3A = arith.constant 31 : i32
      %min3A_49 = arith.minsi %scan3A_46, %min3A : i32
      %get3A = arith.index_cast %min3A_49 : i32 to index
      %get3A_50 = memref.load %arg0[%get3A] : memref<32xf32, #tpu.memory_space<smem>>
      %sub3A = arith.constant 32 : i32
      %sub3A_51 = arith.subi %scan3A_46, %sub3A : i32
      %max3A = arith.constant 0 : i32
      %max3A_52 = arith.maxsi %sub3A_51, %max3A : i32
      %get3A_53 = arith.index_cast %max3A_52 : i32 to index
      %get3A_54 = memref.load %arg4[%get3A_53] : memref<16xf32, #tpu.memory_space<smem>>
      %lt3A = arith.constant 32 : i32
      %lt3A_55 = arith.cmpi slt, %scan3A_46, %lt3A : i32
      %select_n3A = arith.select %lt3A_55, %get3A_50, %get3A_54 : f32
      %gt3A = arith.cmpf ogt, %select_n3A, %scan3A_47 : f32
      %select_n3A_56 = arith.select %gt3A, %select_n3A, %scan3A_47 : f32
      %select_n3A_57 = arith.select %gt3A, %scan3A_46, %scan3A_48 : i32
      scf.yield %select_n3A_56, %select_n3A_57 : f32, i32
    }
    %scan3A_11 = arith.constant 48 : i32
    %swap3A = arith.constant 0 : index
    %swap3A_12 = memref.load %arg2[%swap3A] : memref<16xi32, #tpu.memory_space<smem>>
    memref.store %scan3A_10#1, %arg2[%swap3A] : memref<16xi32, #tpu.memory_space<smem>>
    %swap3A_13 = arith.constant 1 : index
    %swap3A_14 = memref.load %arg2[%swap3A_13] : memref<16xi32, #tpu.memory_space<smem>>
    memref.store %scan3A_10#1, %arg2[%swap3A_13] : memref<16xi32, #tpu.memory_space<smem>>
    %swap3A_15 = arith.constant 2 : index
    %swap3A_16 = memref.load %arg2[%swap3A_15] : memref<16xi32, #tpu.memory_space<smem>>
    memref.store %scan3A_10#1, %arg2[%swap3A_15] : memref<16xi32, #tpu.memory_space<smem>>
    %swap3A_17 = arith.constant 3 : index
    %swap3A_18 = memref.load %arg2[%swap3A_17] : memref<16xi32, #tpu.memory_space<smem>>
    memref.store %scan3A_10#1, %arg2[%swap3A_17] : memref<16xi32, #tpu.memory_space<smem>>
    %swap3A_19 = arith.constant 4 : index
    %swap3A_20 = memref.load %arg2[%swap3A_19] : memref<16xi32, #tpu.memory_space<smem>>
    memref.store %scan3A_10#1, %arg2[%swap3A_19] : memref<16xi32, #tpu.memory_space<smem>>
    %swap3A_21 = arith.constant 5 : index
    %swap3A_22 = memref.load %arg2[%swap3A_21] : memref<16xi32, #tpu.memory_space<smem>>
    memref.store %scan3A_10#1, %arg2[%swap3A_21] : memref<16xi32, #tpu.memory_space<smem>>
    %swap3A_23 = arith.constant 6 : index
    %swap3A_24 = memref.load %arg2[%swap3A_23] : memref<16xi32, #tpu.memory_space<smem>>
    memref.store %scan3A_10#1, %arg2[%swap3A_23] : memref<16xi32, #tpu.memory_space<smem>>
    %swap3A_25 = arith.constant 7 : index
    %swap3A_26 = memref.load %arg2[%swap3A_25] : memref<16xi32, #tpu.memory_space<smem>>
    memref.store %scan3A_10#1, %arg2[%swap3A_25] : memref<16xi32, #tpu.memory_space<smem>>
    %swap3A_27 = arith.constant 8 : index
    %swap3A_28 = memref.load %arg2[%swap3A_27] : memref<16xi32, #tpu.memory_space<smem>>
    memref.store %scan3A_10#1, %arg2[%swap3A_27] : memref<16xi32, #tpu.memory_space<smem>>
    %swap3A_29 = arith.constant 9 : index
    %swap3A_30 = memref.load %arg2[%swap3A_29] : memref<16xi32, #tpu.memory_space<smem>>
    memref.store %scan3A_10#1, %arg2[%swap3A_29] : memref<16xi32, #tpu.memory_space<smem>>
    %swap3A_31 = arith.constant 10 : index
    %swap3A_32 = memref.load %arg2[%swap3A_31] : memref<16xi32, #tpu.memory_space<smem>>
    memref.store %scan3A_10#1, %arg2[%swap3A_31] : memref<16xi32, #tpu.memory_space<smem>>
    %swap3A_33 = arith.constant 11 : index
    %swap3A_34 = memref.load %arg2[%swap3A_33] : memref<16xi32, #tpu.memory_space<smem>>
    memref.store %scan3A_10#1, %arg2[%swap3A_33] : memref<16xi32, #tpu.memory_space<smem>>
    %swap3A_35 = arith.constant 12 : index
    %swap3A_36 = memref.load %arg2[%swap3A_35] : memref<16xi32, #tpu.memory_space<smem>>
    memref.store %scan3A_10#1, %arg2[%swap3A_35] : memref<16xi32, #tpu.memory_space<smem>>
    %swap3A_37 = arith.constant 13 : index
    %swap3A_38 = memref.load %arg2[%swap3A_37] : memref<16xi32, #tpu.memory_space<smem>>
    memref.store %scan3A_10#1, %arg2[%swap3A_37] : memref<16xi32, #tpu.memory_space<smem>>
    %swap3A_39 = arith.constant 14 : index
    %swap3A_40 = memref.load %arg2[%swap3A_39] : memref<16xi32, #tpu.memory_space<smem>>
    memref.store %scan3A_10#1, %arg2[%swap3A_39] : memref<16xi32, #tpu.memory_space<smem>>
    %swap3A_41 = arith.constant 15 : index
    %swap3A_42 = memref.load %arg2[%swap3A_41] : memref<16xi32, #tpu.memory_space<smem>>
    memref.store %scan3A_10#1, %arg2[%swap3A_41] : memref<16xi32, #tpu.memory_space<smem>>
    %div3A = arith.constant 2.048000e+03 : f32
    %div3A_43 = arith.divf %scan3A_10#0, %div3A : f32
    %swap3A_44 = arith.constant 0 : index
    %swap3A_45 = memref.load %arg3[%swap3A_44] : memref<1xf32, #tpu.memory_space<smem>>
    memref.store %div3A_43, %arg3[%swap3A_44] : memref<1xf32, #tpu.memory_space<smem>>
    return
  }
}

module attributes {stable_mosaic.version = 14 : i64} {
  func.func @_winner_body(%arg0: i32, %arg1: memref<16xi32, #tpu.memory_space<smem>>, %arg2: memref<1x2048x512xf32, #tpu.memory_space<vmem>>, %arg3: memref<1x512xi32, #tpu.memory_space<vmem>>) attributes {dimension_semantics = [#tpu.dimension_semantics<arbitrary>], iteration_bounds = array<i64: 1>, scalar_prefetch = 1 : i64, scratch_operands = 0 : i64, tpu.core_type = #tpu.core_type<tc>, window_params = [{transform_indices = @transform_0, window_bounds = array<i64: 1, 2048, 512>}, {pipeline_mode = #tpu.pipeline_mode<synchronous>, transform_indices = @transform_1, window_bounds = array<i64: 1, 512>}]} {
    %get3A = arith.constant 0 : index
    %get3A_0 = arith.constant 0 : index
    %get3A_1 = arith.constant 0 : index
    %get3A_2 = vector.load %arg2[%get3A, %get3A_0, %get3A_1] : memref<1x2048x512xf32, #tpu.memory_space<vmem>>, vector<1x2048x512xf32>
    %get3A_3 = vector.shape_cast %get3A_2 : vector<1x2048x512xf32> to vector<2048x512xf32>
    %reduce_max3A = arith.constant dense<0xFF800000> : vector<2048xf32>
    %reduce_max3A_4 = vector.multi_reduction <maximumf>, %get3A_3, %reduce_max3A [1] : vector<2048x512xf32> to vector<2048xf32>
    %broadcast_in_dim3A = vector.shape_cast %reduce_max3A_4 : vector<2048xf32> to vector<2048x1xf32>
    %iota3A = tpu.iota {dimensions = array<i32: 1>} : vector<2048x512xi32>
    %eq3A = vector.broadcast %broadcast_in_dim3A : vector<2048x1xf32> to vector<2048x512xf32>
    %eq3A_5 = arith.cmpf oeq, %get3A_3, %eq3A : vector<2048x512xf32>
    %jit3A = arith.constant 512 : i32
    %broadcast_in_dim3A_6 = vector.broadcast %jit3A : i32 to vector<2048x512xi32>
    %select_n3A = arith.select %eq3A_5, %iota3A, %broadcast_in_dim3A_6 : vector<2048x512xi1>, vector<2048x512xi32>
    %reduce_min3A = arith.constant dense<2147483647> : vector<2048xi32>
    %reduce_min3A_7 = vector.multi_reduction <minsi>, %select_n3A, %reduce_min3A [1] : vector<2048x512xi32> to vector<2048xi32>
    %broadcast_in_dim3A_8 = vector.shape_cast %reduce_min3A_7 : vector<2048xi32> to vector<2048x1xi32>
    %eq3A_9 = vector.broadcast %broadcast_in_dim3A_8 : vector<2048x1xi32> to vector<2048x512xi32>
    %eq3A_10 = arith.cmpi eq, %eq3A_9, %iota3A : vector<2048x512xi32>
    %convert_element_type3A = arith.extui %eq3A_10 : vector<2048x512xi1> to vector<2048x512xi32>
    %reduce_sum3A = arith.constant dense<0> : vector<512xi32>
    %reduce_sum3A_11 = vector.multi_reduction <add>, %convert_element_type3A, %reduce_sum3A [0] : vector<2048x512xi32> to vector<512xi32>
    %broadcast_in_dim3A_12 = vector.shape_cast %reduce_sum3A_11 : vector<512xi32> to vector<1x512xi32>
    %swap3A = arith.constant 0 : index
    %swap3A_13 = arith.constant 0 : index
    %swap3A_14 = vector.load %arg3[%swap3A, %swap3A_13] : memref<1x512xi32, #tpu.memory_space<vmem>>, vector<1x512xi32>
    tpu.vector_store %arg3[%swap3A, %swap3A_13], %broadcast_in_dim3A_12 {strides = array<i32>} : memref<1x512xi32, #tpu.memory_space<vmem>>, vector<1x512xi32>,
    return
  }
  func.func @transform_0(%arg0: i32, %arg1: memref<16xi32, #tpu.memory_space<smem>>) -> (i32, i32, i32) {
    %get3A = arith.constant 0 : index
    %get3A_0 = memref.load %arg1[%get3A] : memref<16xi32, #tpu.memory_space<smem>>
    %c0_i32 = arith.constant 0 : i32
    %c0_i32_1 = arith.constant 0 : i32
    %c0_i32_2 = arith.constant 0 : i32
    return %get3A_0, %c0_i32, %c0_i32_1 : i32, i32, i32
  }
  func.func @transform_1(%arg0: i32, %arg1: memref<16xi32, #tpu.memory_space<smem>>) -> (i32, i32) {
    %c0_i32 = arith.constant 0 : i32
    %c0_i32_0 = arith.constant 0 : i32
    %c0_i32_1 = arith.constant 0 : i32
    return %c0_i32, %c0_i32_0 : i32, i32
  }
}

</mosaic_0001>

<sc_bundles>
// kernel: kernel.6.cloned.1.call-start
scs
__scs_entry_jumppad:
0x0: {  	(pc) =	sbr.rel $0x88, $3  }
0x1: {  	(tag) =	ssettag $0x0;
	lr =	simm.s32 $0x1  }
0x2: {  	[smem:$0x3FA0] =	sst lr;
	_ =	strace $0xD0000000  }
0x3: {  	_ = 	snop  }
0x4: {  	_ = 	snop  }
0x5: {  	_ = 	snop  }
0x6: {  	_ = 	snop  }
0x7: {  	_ = 	snop  }
__scs_overlays_trampoline_lowered:
0x8: {  	[smem:$0x3FAF] =	sst s0  }
0x9: {  	[smem:$0x3FB0] =	sst s1  }
0xa: {  	[smem:$0x3FB1] =	sst s2  }
0xb: {  	[smem:$0x3FB2] =	sst s3  }
0xc: {  	[smem:$0x3FB3] =	sst s4  }
0xd: {  	[smem:$0x3FB4] =	sst s5  }
0xe: {  	[smem:$0x3FB5] =	sst s6  }
0xf: {  	[smem:$0x3FB6] =	sst s7  }
0x10: {  	[smem:$0x3FB7] =	sst s8  }
0x11: {  	[smem:$0x3FB8] =	sst s9;
	s0 =	simm.s32 @!p0 $0x0  }
0x12: {  	s1 =	sld [smem:$0x3F9E];
	s0 =	simm.s32 @p0 $0x1  }
0x13: {  	[smem:$0x3FB9] =	sst s0;
	s0 =	simm.s32 @!p1 $0x0  }
0x14: {  	s2 =	sld [smem:$0x3F9D];
	s0 =	simm.s32 @p1 $0x1  }
0x15: {  	[smem:$0x3FBA] =	sst s0;
	s0 =	simm.s32 @!p2 $0x0  }
0x16: {  	s3 =	sld [smem:$0x3FDB];
	s0 =	simm.s32 @p2 $0x1  }
0x17: {  	s4 =	simm.s32 $0x1BF5;
	[smem:$0x3FBC] =	sst s0  }
0x18: {  	s0 =	sld [smem:$0x3F9F];
	_ =	swait.ge [sflag:s4], $0x0  }
0x19: {  	s7 =	sld [smem:$0x3FA0]  }
0x1a: {  	s8 =	sadd.s32 $0xFFFFE003, lr  }
0x1b: {  	s9 =	sadd.s32 $0xFFFFFEF7, lr;
	s5 =	simm.s32 $0xFFFFFFFF;
	p2 =	slt.u32 s8, $0xFFFFF086  }
0x1c: {  	p1 =	slt.u32 s9, $0xF7A;
	s5 =	simm.s32 @!p2 $0x0  }
0x1d: {  	s5 =	simm.s32 @p1 $0x1;
	p0 =	seq.s32 s7, s2  }
0x1e: {  	s7 =	smul.u32 @!p0 $0xF7A, s2;
	p2 =	seq.s32 @!p0 s5, $0x0  }
0x1f: {  	s9 =	smul.u32 $0xF7A, s1;
	s8 =	simm.s32 @!p0 $0x1BF5;
	p2 =	por !p2, p0  }
0x20: {  	[sflag:s8] =	ssyncset.s32 @!p0 $0xFFFFF086;
	s6 =	sadd.s32 @!p0 s3, s7;
	s7 =	simm.s32 @!p0 $0x108  }
0x21: {  	s3 =	sadd.s32 s3, s9;
	s6 =	sadd.s32 @!p0 $0x88, s6;
	s7 =	simm.s32 @p2 $0x1082  }
0x22: {  	[simem:s7], [sflag:s8] =	dma.local @!p0 [hbm:s6], $0xF7A  }
0x23: {  	s9 =	sor.u32 $0xD0000000, s2;
	s6 =	simm.s32 $0x108;
	_ =	swait.ge @!p0 [sflag:s8], $0x0  }
0x24: {  	s3 =	sadd.s32 $0x88, s3;
	s6 =	simm.s32 @!p1 $0x1082;
	[sflag:s4] =	ssyncset.s32 $0xFFFFF086  }
0x25: {  	[simem:s6], [sflag:s4] =	dma.local [hbm:s3], $0xF7A  }
0x26: {  	[smem:$0x3FA0] =	sst s1;
	(tag) =	ssettag s2;
	_ =	strace s9  }
0x27: {  	s1 =	sld [smem:$0x3FB0]  }
0x28: {  	s2 =	sld [smem:$0x3FB1]  }
0x29: {  	s4 =	sld [smem:$0x3FB3]  }
0x2a: {  	p0 =	seq.s32 s5, $0x0;
	s5 =	sld [smem:$0x3FB4]  }
0x2b: {  	s6 =	sld [smem:$0x3FB5]  }
0x2c: {  	s7 =	sld [smem:$0x3FB6]  }
0x2d: {  	s3 =	simm.s32 $0x108;
	s8 =	sld [smem:$0x3FB7]  }
0x2e: {  	s3 =	simm.s32 @!p0 $0x1082;
	s9 =	sld [smem:$0x3FB8]  }
0x2f: {  	lr =	sadd.s32 s0, s3;
	s0 =	sld [smem:$0x3FAF]  }
0x30: {  	s3 =	sld [smem:$0x3FB2]  }
0x31: {  	[smem:$0x3FBB] =	sst s10  }
0x32: {  	s10 =	sld [smem:$0x3FB9];
	_ =	sdelay $0x3  }
0x33: {  	p0 =	seq.s32 s10, $0x1;
	s10 =	sld [smem:$0x3FBB];
	_ =	sdelay $0x3  }
0x34: {  	[smem:$0x3FBB] =	sst s10  }
0x35: {  	s10 =	sld [smem:$0x3FBA];
	_ =	sdelay $0x3  }
0x36: {  	p1 =	seq.s32 s10, $0x1;
	s10 =	sld [smem:$0x3FBB];
	_ =	sdelay $0x3  }
0x37: {  	[smem:$0x3FBB] =	sst s10  }
0x38: {  	s10 =	sld [smem:$0x3FBC]  }
0x39: {  	_ = 	snop;
	(pc) =	sbr.ind lr, $3  }
0x3a: {  	_ = 	snop  }
0x3b: {  	_ = 	snop  }
0x3c: {  	p2 =	seq.s32 s10, $0x1;
	s10 =	sld [smem:$0x3FBB]  }
0x3d: {  	_ =	shalt  }
0x3e: {  	_ =	shalt  }
0x3f: {  	_ =	shalt  }
0x40: {  	_ =	shalt  }
0x41: {  	_ =	shalt  }
0x42: {  	_ =	shalt  }
0x43: {  	_ =	shalt  }
0x44: {  	_ =	shalt  }
0x45: {  	_ =	shalt  }
0x46: {  	_ =	shalt  }
0x47: {  	_ =	shalt  }
0x48: {  	_ =	shalt  }
0x49: {  	_ =	shalt  }
0x4a: {  	_ =	shalt  }
0x4b: {  	_ =	shalt  }
0x4c: {  	_ =	shalt  }
0x4d: {  	_ =	shalt  }
0x4e: {  	_ =	shalt  }
0x4f: {  	_ =	shalt  }
0x50: {  	_ =	shalt  }
0x51: {  	_ =	shalt  }
0x52: {  	_ =	shalt  }
0x53: {  	_ =	shalt  }
0x54: {  	_ =	shalt  }
0x55: {  	_ =	shalt  }
0x56: {  	_ =	shalt  }
0x57: {  	_ =	shalt  }
0x58: {  	_ =	shalt  }
0x59: {  	_ =	shalt  }
0x5a: {  	_ =	shalt  }
0x5b: {  	_ =	shalt  }
0x5c: {  	_ =	shalt  }
0x5d: {  	_ =	shalt  }
0x5e: {  	_ =	shalt  }
0x5f: {  	_ =	shalt  }
0x60: {  	_ =	shalt  }
0x61: {  	_ =	shalt  }
0x62: {  	_ =	shalt  }
0x63: {  	_ =	shalt  }
0x64: {  	_ =	shalt  }
0x65: {  	_ =	shalt  }
0x66: {  	_ =	shalt  }
0x67: {  	_ =	shalt  }
0x68: {  	_ =	shalt  }
0x69: {  	_ =	shalt  }
0x6a: {  	_ =	shalt  }
0x6b: {  	_ =	shalt  }
0x6c: {  	_ =	shalt  }
0x6d: {  	_ =	shalt  }
0x6e: {  	_ =	shalt  }
0x6f: {  	_ =	shalt  }
0x70: {  	_ =	shalt  }
0x71: {  	_ =	shalt  }
0x72: {  	_ =	shalt  }
0x73: {  	_ =	shalt  }
0x74: {  	_ =	shalt  }
0x75: {  	_ =	shalt  }
0x76: {  	_ =	shalt  }
0x77: {  	_ =	shalt  }
0x78: {  	_ =	shalt  }
0x79: {  	_ =	shalt  }
0x7a: {  	_ =	shalt  }
0x7b: {  	_ =	shalt  }
0x7c: {  	_ =	shalt  }
0x7d: {  	_ =	shalt  }
0x7e: {  	_ =	shalt  }
0x7f: {  	_ =	shalt  }
0x80: {  	_ =	shalt  }
0x81: {  	_ =	shalt  }
0x82: {  	_ =	shalt  }
0x83: {  	_ =	shalt  }
0x84: {  	_ =	shalt  }
0x85: {  	_ =	shalt  }
0x86: {  	_ =	shalt  }
0x87: {  	_ =	shalt  }
.Lfunc_end0:
.L_simem_size_0:
called_computation_lowered:
.L_overlay_start_0:
0x88: {  	s2 =	sld [smem:$0x3FD9]  }
0x89: {  	s3 =	sld [smem:$0x3FFE];
	_ =	sdelay $0x1  }
0x8a: {  	s1 =	srdreg.scid  }
0x8b: {  	s0 =	sand.u32 $0x1, s1  }
0x8c: {  	s17 =	sshll.u32 s0, $0xA;
	s2 =	sadd.s32 s3, s2  }
0x8d: {  	s2 =	sadd.s32 s2, s17  }
0x8e: {  	[smem:$0x3FC7] =	sst s2  }
0x8f: {  	_ = 	snop  }
0x90: {  	s2 =	sld [smem:$0x3FC9];
	(tm) =	ssettm $0x1  }
0x91: {  	s18 =	sld [smem:$0x3FFB];
	_ =	sdelay $0x3  }
0x92: {  	_ =	strace s18  }
0x93: {  	s3 =	sld [smem:$0x3FFC];
	_ =	sdelay $0x3  }
0x94: {  	_ =	strace s3  }
0x95: {  	s3 =	sld [smem:$0x3FFD];
	_ =	sdelay $0x3  }
0x96: {  	_ =	strace s3  }
0x97: {  	_ =	strace $0x8FFFFFFF  }
0x98: {  	s19 =	sld [smem:$0x3FDB];
	_ =	sdelay $0x1  }
0x99: {  	s4 =	simm.s32 $_scs_section_size  }
0x9a: {  	s5 =	simm.s32 $_size__tile_overlayer_lowered;
	s6 =	simm.s32 $_tile_overlayer_lowered  }
0x9b: {  	s22 =	simm.s32 $0x1BFF;
	s21 =	sshll.u32 s6, $0x1;
	s3 =	sadd.s32 s4, s19  }
0x9c: {  	s7 =	simm.s32 $0x0;
	s20 =	sshll.u32 s5, $0x1;
	s5 =	sadd.s32 s21, s3  }
0x9d: {  	[timem:s7], [sflag:s22] =	dma.local [hbm:s5], s20  }
0x9e: {  	_ =	swait.ge [sflag:s22], s20  }
0x9f: {  	s4 =	ssub.s32 $0x0, s20;
	[sflag:s22] =	ssyncset.done $0x0  }
0xa0: {  	[sflag:s22] =	ssyncadd.s32 s4;
	_ =	sdelay $0x1  }
0xa1: {  	s23 =	simm.s32 $0x1B8B  }
0xa2: {  	_ =	swait.ge [sflag:s23], $0x1  }
0xa3: {  	[sflag:s23] =	ssyncset.done $0x0  }
0xa4: {  	s25 =	simm.s32 $0x1B8E;
	s24 =	sld [smem:$0x3FFE];
	[sflag:s23] =	ssyncadd.s32 $0xFFFFFFFF  }
0xa5: {  	s26 =	simm.s32 $execute0_lowered;
	[smem:$0x3FD2] =	sst s25  }
0xa6: {  	s5 =	sshll.u32 s26, $0x1;
	_ =	strace $0x80000046;
	[dreg:$0x1] =	wrdreg $0xFFFFFFFF  }
0xa7: {  	s28 =	simm.s32 $_size_execute0_lowered;
	s3 =	sadd.s32 s3, s5;
	[dreg:$0x0] =	wrdreg $0x0  }
0xa8: {  	s5 =	sshll.u32 s28, $0x1;
	[dreg:$0x2] =	wrdreg s3  }
0xa9: {  	[dreg:$0x3] =	wrdreg s5  }
0xaa: {  	[dreg:$0x4] =	wrdreg $0xC0  }
0xab: {  	_ =	task [dreg:s7], $0x5FFFF  }
0xac: {  	[dreg:$0x1] =	wrdreg $0xFFFFFFFF  }
0xad: {  	[dreg:$0x0] =	wrdreg $0x60  }
0xae: {  	[dreg:$0x2] =	wrdreg s2  }
0xaf: {  	[dreg:$0x3] =	wrdreg s24  }
0xb0: {  	[dreg:$0x4] =	wrdreg $0x9  }
0xb1: {  	_ =	task.clear_ibuf [dreg:s7], $0x5FFFF;
	_ =	strace $0x90000046  }
0xb2: {  	s29 =	simm.s32 $0x9;
	_ =	strace $0x80000048  }
0xb3: {  	_ =	swait.ge [sflag:s29], $0x1  }
0xb4: {  	[sflag:s29] =	ssyncadd.s32 $0xFFFFFFFF  }
0xb5: {  	_ =	strace $0x90000048  }
0xb6: {  	_ =	sfence  }
0xb7: {  	s30 =	sld [smem:$0x0];
	_ =	sdelay $0x2  }
0xb8: {  	s31 =	sshll.u32 s1, $0xD;
	s1 =	sshrl.u32 s1, $0x2  }
0xb9: {  	s3 =	sand.u32 $0x4000, s31;
	s1 =	sadd.s32 s1, s30  }
0xba: {  	s0 =	sor.u32 s3, s0;
	s1 =	sshll.u32 s1, $0x11  }
0xbb: {  	s0 =	sor.u32 s1, s0  }
0xbc: {  	s0 =	sadd.s32 $0x8F2B, s0  }
0xbd: {  	[sflag:s0] =	ssyncadd.remote.s32 $0x1  }
0xbe: {  	_ =	sfence.sel $0xFFFF  }
0xbf: {  	[dreg:$0x0] =	wrdreg $0xFFFFFFFF;
	(pc) =	sbr.abs _section_cstart, $3  }
0xc0: {  	[dreg:$0x1] =	wrdreg $0xFFFFFFFF  }
0xc1: {  	_ =	task.clear_ibuf [dreg:s7], $0x2FFFF;
	_ =	strace $0x9FFFFFFF  }
0xc2: {  	(tm) =	ssettm $0x7FFFFFFF  }
0xc3: {  	_ =	shalt  }
tec
execute0_lowered:
.L_overlay_start_1:
0x0: {  	(tag) =	ssettag $0x1  }
0x1: {  	s6 =	rddreg [dreg:$0x0]  }
0x2: {  	s3 =	rddreg [dreg:$0x1]  }
0x3: {  	s0 =	rddreg [dreg:$0x2];
	s2 =	simm.s32 $0x0;
	s1 =	stileid.u32  }
0x4: {  	s4 =	srdreg.scid;
	s12 =	simm.s32 $0x2;
	s13 =	simm.s32 $0x10000  }
0x5: {  	s14 =	simm.s32 $0x3;
	s15 =	simm.s32 $0x0;
	[smem:$0x7FF] =	sst s2  }
0x6: {  	s5 =	sshll.u32 s1, $0x4;
	s7 =	sand.u32 $0x1, s4;
	s9 =	sshll.u32 s1, $0xD  }
0x7: {  	_ =	strace $0x80000047;
	s4 =	ssub.s32 $0x2, s7;
	s8 =	sshll.u32 s7, $0x14  }
0x8: {  	s10 =	sadd.s32 s5, s3;
	s29 =	sshll.u32 s7, $0x3;
	s7 =	sshll.u32 s7, $0x8  }
.Ltmp0:
0x9: {  	s26 =	sshrl.u32 s4, $0x1;
	s28 =	sor.u32 s9, s8;
	(pc) =	sbr.rel .LBB2_1-.Ltmp0, $4  }
0xa: {  	s5 =	sor.u32 $0x21, s29;
	s31 =	sadd.s32 s7, s10;
	s10 =	simm.s32 $0x8000  }
0xb: {  	s11 =	ssub.s32 s4, s26;
	s30 =	sadd.s32 s28, s6;
	s6 =	sadd.s32 s6, s9  }
0xc: {  	s8 =	sadd.s32 $0x800, s31;
	s3 =	sadd.s32 $0x400000, s30;
	s4 =	sadd.s32 $0x401000, s30  }
0xd: {  	s7 =	sadd.s32 $0x1000, s6;
	s9 =	smax.u32 s11, $0x1;
	s11 =	simm.s32 $0x1  }
.LBB2_8:
0xe: {  	s15 =	sadd.s32 $0x1, s15  }
0xf: {  	v0 =	vsel vm0, v1, v3;
	p0 =	sne.s32 s15, s9  }
.Ltmp1:
0x10: {  	[tilespmem:$0x10000] =	vst v0;
	(pc) =	sbr.rel @!p0 .LBB2_9-.Ltmp1, $4  }
0x11: {  	[hbm4b:s8+s2] =	stream.linear.scatter [tilespmem:s13], [sflag:$0x3], $0x80, $0x38;
	[tilespmem:$0x10080] =	vst v63  }
0x12: {  	_ =	swait.ge [sflag:s14], $0x80  }
0x13: {  	[sflag:s14] =	ssyncset.done $0x0  }
0x14: {  	[sflag:s14] =	ssyncadd.s32 $0xFFFFFF80  }
.LBB2_1:
0x15: {  	[tilespmem:s2], [sflag:$0x1] =	stream.linear.gather [hbm4b:s3+s2], $0x8000, $0x38;
	v0 =	vimm.f32 $0.0e+00;
	[tilespmem:$0x10080] =	vst v63  }
0x16: {  	s16 =	simm.s32 $0x0;
	[tilespmem:$0x1FFF0] =	vst v0  }
0x17: {  	[tilespmem:s10], [sflag:$0x2] =	stream.linear.gather [hbm4b:s4+s2], $0x8000, $0x38;
	[tilespmem:$0x10080] =	vst v63  }
.LBB2_2:
0x18: {  	_ =	swait.ge [sflag:s11], $0x8000;
	s18 =	simm.s32 $0x0  }
0x19: {  	[sflag:s11] =	ssyncset.done $0x0;
	s17 =	sand.u32 $0x7000, s18;
	s19 =	sand.u32 $0x200, s18  }
0x1a: {  	[sflag:s11] =	ssyncadd.s32 $0xFFFF8000;
	s17 =	sor.u32 s19, s17  }
0x1b: {  	v0 =	vld [tilespmem:s17+$0x4E0];
	_ =	sdelay $0x4  }
0x1c: {  	[tilespmem:$0x1FE40] =	vst v0;
	v0 =	vld [tilespmem:s17+$0x560];
	_ =	sdelay $0x4  }
0x1d: {  	[tilespmem:$0x1FE50] =	vst v0;
	v0 =	vld [tilespmem:s17+$0x5E0];
	_ =	sdelay $0x4  }
0x1e: {  	[tilespmem:$0x1FE60] =	vst v0;
	v0 =	vld [tilespmem:s17+$0x550];
	_ =	sdelay $0x4  }
0x1f: {  	[tilespmem:$0x1FE70] =	vst v0;
	v0 =	vld [tilespmem:s17+$0x5D0];
	_ =	sdelay $0x4  }
0x20: {  	[tilespmem:$0x1FE80] =	vst v0;
	v0 =	vld [tilespmem:s17+$0x540];
	_ =	sdelay $0x3  }
0x21: {  	v23 =	vld [tilespmem:s17+$0x470]  }
0x22: {  	[tilespmem:$0x1FE90] =	vst v0;
	v0 =	vld [tilespmem:s17+$0x5B0]  }
0x23: {  	v28 =	vld [tilespmem:s17+$0x4F0]  }
0x24: {  	v26 =	vld [tilespmem:s17+$0x570]  }
0x25: {  	v27 =	vld [tilespmem:s17+$0x5F0]  }
0x26: {  	v25 =	vld [tilespmem:s17+$0x460]  }
0x27: {  	[tilespmem:$0x1FEA0] =	vst v0;
	v0 =	vld [tilespmem:s17+$0x40]  }
0x28: {  	v20 =	vld [tilespmem:s17+$0x450]  }
0x29: {  	v22 =	vld [tilespmem:s17+$0x4D0]  }
0x2a: {  	v24 =	vld [tilespmem:s17+$0x440]  }
0x2b: {  	v29 =	vld [tilespmem:s17+$0x4C0]  }
0x2c: {  	[tilespmem:$0x1FF90] =	vst v0;
	v0 =	vld [tilespmem:s17+$0xC0]  }
0x2d: {  	v21 =	vld [tilespmem:s17+$0x5C0]  }
0x2e: {  	v31 =	vld [tilespmem:s17+$0x430]  }
0x2f: {  	v33 =	vld [tilespmem:s17+$0x4B0]  }
0x30: {  	v32 =	vld [tilespmem:s17+$0x530]  }
0x31: {  	[tilespmem:$0x1FFC0] =	vst v0;
	v0 =	vld [tilespmem:s17+$0x140]  }
0x32: {  	v40 =	vld [tilespmem:s17+$0x420]  }
0x33: {  	v38 =	vld [tilespmem:s17+$0x4A0]  }
0x34: {  	v36 =	vld [tilespmem:s17+$0x520]  }
0x35: {  	v37 =	vld [tilespmem:s17+$0x5A0]  }
0x36: {  	[tilespmem:$0x1FFD0] =	vst v0;
	v0 =	vld [tilespmem:s17+$0x1C0]  }
0x37: {  	v46 =	vld [tilespmem:s17+$0x410]  }
0x38: {  	v47 =	vld [tilespmem:s17+$0x490]  }
0x39: {  	v43 =	vld [tilespmem:s17+$0x510]  }
0x3a: {  	v44 =	vld [tilespmem:s17+$0x590]  }
0x3b: {  	[tilespmem:$0x1FFE0] =	vst v0;
	v0 =	vld [tilespmem:s17+$0x30]  }
0x3c: {  	v52 =	vld [tilespmem:s17+$0x400]  }
0x3d: {  	v53 =	vld [tilespmem:s17+$0x480]  }
0x3e: {  	v54 =	vld [tilespmem:s17+$0x500]  }
0x3f: {  	v50 =	vld [tilespmem:s17+$0x580]  }
0x40: {  	[tilespmem:$0x1FF60] =	vst v0;
	v0 =	vld [tilespmem:s17+$0xB0]  }
0x41: {  	v62 =	vld [tilespmem:s17+$0x70]  }
0x42: {  	v57 =	vld [tilespmem:s17+$0xF0]  }
0x43: {  	v58 =	vld [tilespmem:s17+$0x170]  }
0x44: {  	v59 =	vld [tilespmem:s17+$0x1F0]  }
0x45: {  	[tilespmem:$0x1FF70] =	vst v0;
	v0 =	vld [tilespmem:s17+$0x130]  }
0x46: {  	v3 =	vld [tilespmem:s17+$0x60]  }
0x47: {  	v4 =	vld [tilespmem:s17+$0xE0]  }
0x48: {  	v1 =	vld [tilespmem:s17+$0x160]  }
0x49: {  	v2 =	vld [tilespmem:s17+$0x1E0]  }
0x4a: {  	[tilespmem:$0x1FFA0] =	vst v0;
	v0 =	vld [tilespmem:s17+$0x1B0]  }
0x4b: {  	v8 =	vld [tilespmem:s17+$0x50]  }
0x4c: {  	v9 =	vld [tilespmem:s17+$0xD0]  }
0x4d: {  	v10 =	vld [tilespmem:s17+$0x150]  }
0x4e: {  	v7 =	vld [tilespmem:s17+$0x1D0]  }
0x4f: {  	p0 =	por $0x0, $0x0;
	s19 =	simm.s32 $0x1;
	[tilespmem:$0x1FFB0] =	vst v0;
	v0 =	vld [tilespmem:s17+$0x1A0]  }
0x50: {  	v63 =	vld [tilespmem:s17+$0x20];
	s19 =	simm.s32 @!p0 $0x0  }
0x51: {  	v17 =	vld [tilespmem:s17+$0xA0];
	s19 =	sshll.u32 s19, $0x9  }
0x52: {  	v16 =	vld [tilespmem:s17+$0x80];
	s21 =	sadd.s32 $0x0, s19  }
0x53: {  	v15 =	vld [tilespmem:s17+$0x90];
	s19 =	sor.u32 $0xC70, s21  }
0x54: {  	[tilespmem:$0x1FF80] =	vst v0;
	v0 =	vld [tilespmem:s19+$0x0]  }
0x55: {  	v14 =	vld [tilespmem:s17+$0x100]  }
0x56: {  	v13 =	vld [tilespmem:s17+$0x110]  }
0x57: {  	v56 =	vld [tilespmem:s17+$0x0]  }
0x58: {  	v6 =	vld [tilespmem:s17+$0x10];
	s29 =	sor.u32 $0xC60, s21  }
0x59: {  	[tilespmem:$0x1FEB0] =	vst v0;
	v0 =	vld [tilespmem:s29+$0x0]  }
0x5a: {  	v18 =	vld [tilespmem:s17+$0x120];
	v15 =	vmax.f32 v16, v15  }
0x5b: {  	v13 =	vmax.f32 v14, v13;
	v14 =	vmax.f32 v15, v17;
	v15 =	vld [tilespmem:$0x1FF60]  }
0x5c: {  	v16 =	vld [tilespmem:$0x1FF90]  }
0x5d: {  	v12 =	vld [tilespmem:s17+$0x180];
	s30 =	sor.u32 $0xC50, s21  }
0x5e: {  	v6 =	vmax.f32 v56, v6;
	[tilespmem:$0x1FEC0] =	vst v0;
	v0 =	vld [tilespmem:s30+$0x0]  }
0x5f: {  	v61 =	vld [tilespmem:s17+$0x190];
	v6 =	vmax.f32 v6, v63  }
0x60: {  	v15 =	vmax.f32 v6, v15;
	v6 =	vld [tilespmem:$0x1FF70]  }
0x61: {  	s24 =	sor.u32 $0xC00, s21;
	v13 =	vmax.f32 v13, v18;
	v18 =	vmax.f32 v15, v16;
	v16 =	vld [tilespmem:$0x1FFC0]  }
0x62: {  	s31 =	sor.u32 $0xC40, s21;
	v34 =	vld [tilespmem:s24+$0x0]  }
0x63: {  	s25 =	sor.u32 $0x870, s21;
	[tilespmem:$0x1FED0] =	vst v0;
	v0 =	vld [tilespmem:s31+$0x0]  }
0x64: {  	v39 =	vld [tilespmem:s25+$0x0]  }
0x65: {  	v14 =	vmax.f32 v14, v6;
	v15 =	vld [tilespmem:$0x1FFA0]  }
0x66: {  	s26 =	sor.u32 $0x860, s21;
	v16 =	vmax.f32 v14, v16;
	v14 =	vld [tilespmem:$0x1FFD0]  }
0x67: {  	s20 =	sor.u32 $0xC30, s21;
	v45 =	vld [tilespmem:s26+$0x0]  }
0x68: {  	s28 =	sor.u32 $0x850, s21;
	[tilespmem:$0x1FEE0] =	vst v0;
	v0 =	vld [tilespmem:s20+$0x0]  }
0x69: {  	v49 =	vld [tilespmem:s28+$0x0]  }
0x6a: {  	v13 =	vmax.f32 v13, v15;
	v15 =	vld [tilespmem:$0x1FFB0]  }
0x6b: {  	v17 =	vmax.f32 v13, v14;
	v13 =	vld [tilespmem:$0x1FFE0]  }
0x6c: {  	s22 =	sor.u32 $0xC20, s21;
	v6 =	vld [tilespmem:$0x1FF80]  }
0x6d: {  	s29 =	sor.u32 $0x840, s21;
	[tilespmem:$0x1FEF0] =	vst v0;
	v0 =	vld [tilespmem:s22+$0x0];
	s22 =	sadd.s32 $0x80, s21  }
0x6e: {  	v55 =	vld [tilespmem:s29+$0x0];
	s24 =	sor.u32 $0xC70, s22  }
0x6f: {  	s30 =	sor.u32 $0x830, s21;
	v19 =	vld [tilespmem:s24+$0x0]  }
0x70: {  	v60 =	vld [tilespmem:s30+$0x0];
	s20 =	sor.u32 $0x810, s21  }
0x71: {  	v5 =	vld [tilespmem:s20+$0x0];
	s29 =	sor.u32 $0xC50, s22  }
0x72: {  	s20 =	sadd.s32 $0x100, s21;
	s30 =	sor.u32 $0xC40, s22;
	v30 =	vld [tilespmem:s29+$0x0]  }
0x73: {  	s25 =	sor.u32 $0xC70, s20;
	v35 =	vld [tilespmem:s30+$0x0]  }
0x74: {  	s24 =	sor.u32 $0xC20, s22;
	[tilespmem:$0x1FF20] =	vst v19;
	v19 =	vld [tilespmem:s25+$0x0]  }
0x75: {  	v12 =	vmax.f32 v12, v61;
	s29 =	sor.u32 $0xC00, s20;
	v48 =	vld [tilespmem:s24+$0x0]  }
0x76: {  	v12 =	vmax.f32 v12, v6;
	s30 =	sor.u32 $0x870, s22;
	v63 =	vld [tilespmem:s29+$0x0]  }
0x77: {  	v15 =	vmax.f32 v12, v15;
	v6 =	vld [tilespmem:s30+$0x0];
	s24 =	sor.u32 $0x860, s20  }
0x78: {  	v14 =	vmax.f32 v15, v13;
	s26 =	sor.u32 $0xC60, s22;
	v13 =	vld [tilespmem:s24+$0x0]  }
0x79: {  	s23 =	sor.u32 $0xC10, s21;
	[tilespmem:$0x1FF30] =	vst v19;
	v19 =	vld [tilespmem:s26+$0x0]  }
0x7a: {  	[tilespmem:$0x1FF00] =	vst v0;
	v0 =	vld [tilespmem:s23+$0x0];
	s23 =	sor.u32 $0x800, s21  }
0x7b: {  	v11 =	vld [tilespmem:s23+$0x0];
	s23 =	sor.u32 $0xC30, s20  }
0x7c: {  	v41 =	vld [tilespmem:s23+$0x0];
	s25 =	sor.u32 $0xC10, s22  }
0x7d: {  	s28 =	sor.u32 $0xC60, s20;
	v51 =	vld [tilespmem:s25+$0x0]  }
0x7e: {  	s31 =	sor.u32 $0x820, s21;
	[tilespmem:$0x1FF40] =	vst v19;
	v19 =	vld [tilespmem:s28+$0x0]  }
0x7f: {  	[tilespmem:$0x1FF10] =	vst v0;
	v0 =	vld [tilespmem:s31+$0x0];
	s31 =	sor.u32 $0xC30, s22  }
0x80: {  	v42 =	vld [tilespmem:s31+$0x0];
	s31 =	sor.u32 $0x860, s22  }
0x81: {  	s26 =	sor.u32 $0xC10, s20;
	v12 =	vld [tilespmem:s31+$0x0]  }
0x82: {  	v56 =	vld [tilespmem:s26+$0x0];
	s28 =	sor.u32 $0xC00, s22  }
0x83: {  	s17 =	simm.f32 $0.0e+00;
	s19 =	simm.s32 $0x200;
	s23 =	sor.u32 $0x850, s22;
	v61 =	vld [tilespmem:s28+$0x0];
	[tilespmem:$0x1FF50] =	vst v19  }
.LBB2_3:
0x84: {  	v7 =	vmax.f32 v14, v7  }
0x85: {  	v19 =	vld [tilespmem:$0x1FEA0];
	v2 =	vmax.f32 v7, v2  }
0x86: {  	v2 =	vmax.f32 v2, v59  }
0x87: {  	v2 =	vmax.f32 v2, v50  }
0x88: {  	v10 =	vmax.f32 v17, v10;
	v2 =	vmax.f32 v2, v44  }
0x89: {  	v1 =	vmax.f32 v10, v1;
	v2 =	vmax.f32 v2, v37  }
0x8a: {  	v1 =	vmax.f32 v1, v58;
	v2 =	vmax.f32 v2, v19;
	v19 =	vld [tilespmem:$0x1FE90]  }
0x8b: {  	v1 =	vmax.f32 v1, v54  }
0x8c: {  	v1 =	vmax.f32 v1, v43  }
0x8d: {  	v1 =	vmax.f32 v1, v36  }
0x8e: {  	v1 =	vmax.f32 v1, v32  }
0x8f: {  	v1 =	vmax.f32 v1, v19;
	v19 =	vld [tilespmem:$0x1FE70];
	_ =	sdelay $0x4  }
0x90: {  	v1 =	vmax.f32 v1, v19;
	v19 =	vld [tilespmem:$0x1FE80]  }
0x91: {  	v9 =	vmax.f32 v16, v9  }
0x92: {  	v8 =	vmax.f32 v18, v8;
	v15 =	vld [tilespmem:s23+$0x0];
	s28 =	sor.u32 $0x850, s20;
	v4 =	vmax.f32 v9, v4  }
0x93: {  	s24 =	sor.u32 $0x840, s22;
	v3 =	vmax.f32 v8, v3;
	v8 =	vld [tilespmem:s28+$0x0];
	v4 =	vmax.f32 v4, v57  }
0x94: {  	v9 =	vld [tilespmem:s24+$0x0];
	v4 =	vmax.f32 v4, v53;
	v2 =	vmax.f32 v2, v21  }
0x95: {  	s29 =	sor.u32 $0x830, s22;
	v4 =	vmax.f32 v4, v47;
	v2 =	vmax.f32 v2, v19;
	v19 =	vld [tilespmem:$0x1FE40]  }
0x96: {  	s30 =	sor.u32 $0x830, s20;
	v7 =	vld [tilespmem:s29+$0x0];
	v4 =	vmax.f32 v4, v38  }
0x97: {  	s31 =	sor.u32 $0x820, s22;
	v10 =	vld [tilespmem:s30+$0x0];
	v4 =	vmax.f32 v4, v33  }
0x98: {  	s25 =	sor.u32 $0x820, s20;
	v14 =	vld [tilespmem:s31+$0x0];
	v3 =	vmax.f32 v3, v62;
	v4 =	vmax.f32 v4, v29  }
0x99: {  	v16 =	vld [tilespmem:s25+$0x0];
	v3 =	vmax.f32 v3, v52;
	v4 =	vmax.f32 v4, v22  }
0x9a: {  	s26 =	sor.u32 $0x810, s22;
	v3 =	vmax.f32 v3, v46;
	v4 =	vmax.f32 v4, v19;
	v19 =	vld [tilespmem:$0x1FE50]  }
0x9b: {  	s28 =	sor.u32 $0x800, s22;
	v17 =	vld [tilespmem:s26+$0x0];
	v3 =	vmax.f32 v3, v40  }
0x9c: {  	s21 =	sadd.s32 $0x180, s21;
	s29 =	sor.u32 $0x800, s20;
	v18 =	vld [tilespmem:s28+$0x0];
	v3 =	vmax.f32 v3, v31  }
0x9d: {  	s30 =	sor.u32 $0x800, s21;
	v3 =	vmax.f32 v3, v24;
	v24 =	vld [tilespmem:s29+$0x0]  }
0x9e: {  	v21 =	vld [tilespmem:s30+$0x0]  }
0x9f: {  	s31 =	sor.u32 $0x810, s20;
	v3 =	vmax.f32 v3, v20;
	v1 =	vmax.f32 v1, v19;
	v19 =	vld [tilespmem:$0x1FE60]  }
0xa0: {  	s23 =	sor.u32 $0x810, s21;
	v22 =	vld [tilespmem:s31+$0x0];
	v3 =	vmax.f32 v3, v25  }
0xa1: {  	s25 =	sor.u32 $0x830, s21;
	v25 =	vld [tilespmem:s23+$0x0];
	v3 =	vmax.f32 v3, v23  }
0xa2: {  	s24 =	sor.u32 $0x820, s21;
	v3 =	vmax.f32 v3, v11;
	v11 =	vld [tilespmem:s25+$0x0];
	v4 =	vmax.f32 v4, v28  }
0xa3: {  	s28 =	sor.u32 $0x840, s21;
	v28 =	vld [tilespmem:s24+$0x0];
	v4 =	vmax.f32 v4, v18  }
0xa4: {  	s26 =	sor.u32 $0x840, s20;
	v3 =	vmax.f32 v3, v5;
	v5 =	vld [tilespmem:s28+$0x0];
	v4 =	vmax.f32 v4, v17;
	v2 =	vmax.f32 v2, v19  }
0xa5: {  	s29 =	sor.u32 $0x850, s21;
	v0 =	vmax.f32 v3, v0;
	v18 =	vld [tilespmem:s26+$0x0];
	v3 =	vmax.f32 v4, v14;
	v2 =	vmax.f32 v2, v27  }
0xa6: {  	s30 =	sor.u32 $0x860, s21;
	v4 =	vld [tilespmem:s29+$0x0];
	v3 =	vmax.f32 v3, v7;
	v1 =	vmax.f32 v1, v26;
	v2 =	vmax.f32 v2, v21  }
0xa7: {  	s24 =	sor.u32 $0x870, s21;
	v14 =	vld [tilespmem:s30+$0x0];
	v3 =	vmax.f32 v3, v9;
	v1 =	vmax.f32 v1, v24;
	v2 =	vmax.f32 v2, v25  }
0xa8: {  	s31 =	sor.u32 $0x870, s20;
	v9 =	vld [tilespmem:s24+$0x0];
	v3 =	vmax.f32 v3, v15;
	v1 =	vmax.f32 v1, v22;
	v2 =	vmax.f32 v2, v28  }
0xa9: {  	s29 =	sor.u32 $0xC20, s21;
	v7 =	vld [tilespmem:s31+$0x0];
	v3 =	vmax.f32 v3, v12;
	v1 =	vmax.f32 v1, v16;
	v2 =	vmax.f32 v2, v11  }
0xaa: {  	s25 =	sor.u32 $0xC00, s21;
	v3 =	vmax.f32 v3, v6;
	v6 =	vld [tilespmem:s29+$0x0];
	v1 =	vmax.f32 v1, v10;
	v2 =	vmax.f32 v2, v5  }
0xab: {  	s28 =	sor.u32 $0xC20, s20;
	v1 =	vmax.f32 v1, v18;
	v5 =	vld [tilespmem:s25+$0x0];
	v2 =	vmax.f32 v2, v4  }
0xac: {  	v0 =	vmax.f32 v0, v60;
	v1 =	vmax.f32 v1, v8;
	v8 =	vld [tilespmem:s28+$0x0];
	v2 =	vmax.f32 v2, v14  }
0xad: {  	v0 =	vmax.f32 v0, v55;
	s26 =	sor.u32 $0xC10, s21;
	v1 =	vmax.f32 v1, v13;
	v2 =	vmax.f32 v2, v9;
	v9 =	vld [tilespmem:$0x1FF10]  }
0xae: {  	v0 =	vmax.f32 v0, v49;
	s30 =	sor.u32 $0xC30, s21;
	v1 =	vmax.f32 v1, v7;
	v4 =	vld [tilespmem:s26+$0x0]  }
0xaf: {  	v0 =	vmax.f32 v0, v45;
	v7 =	vld [tilespmem:s30+$0x0];
	v1 =	vmax.f32 v1, v63  }
0xb0: {  	v0 =	vmax.f32 v0, v39;
	v1 =	vmax.f32 v1, v56;
	v2 =	vmax.f32 v2, v5;
	v5 =	vld [tilespmem:$0x1FF00]  }
0xb1: {  	v0 =	vmax.f32 v0, v34;
	s31 =	sor.u32 $0xC40, s20;
	v1 =	vmax.f32 v1, v8;
	v8 =	vld [tilespmem:$0x1FEF0]  }
0xb2: {  	s24 =	sor.u32 $0xC40, s21;
	v0 =	vmax.f32 v0, v9;
	v9 =	vld [tilespmem:s31+$0x0]  }
0xb3: {  	v2 =	vmax.f32 v2, v4;
	v4 =	vld [tilespmem:s24+$0x0]  }
0xb4: {  	s18 =	sadd.s32 $0x800, s18  }
0xb5: {  	s29 =	sand.u32 $0x7000, s18;
	s30 =	sand.u32 $0x200, s19;
	v0 =	vmax.f32 v0, v5  }
0xb6: {  	v1 =	vmax.f32 v1, v41;
	v2 =	vmax.f32 v2, v6;
	s31 =	sor.u32 s30, s29;
	v0 =	vmax.f32 v0, v8;
	v8 =	vld [tilespmem:$0x1FEE0]  }
0xb7: {  	v2 =	vmax.f32 v2, v7;
	v1 =	vmax.f32 v1, v9;
	v9 =	vld [tilespmem:s31+$0x470]  }
0xb8: {  	v2 =	vmax.f32 v2, v4;
	v4 =	vld [tilespmem:s31+$0x4F0];
	_ =	sdelay $0x2  }
0xb9: {  	v0 =	vmax.f32 v0, v8;
	v8 =	vld [tilespmem:$0x1FED0]  }
0xba: {  	[tilespmem:$0x1FDE0] =	vst v9;
	v9 =	vld [tilespmem:$0x1FEC0]  }
0xbb: {  	[tilespmem:$0x1FDD0] =	vst v4;
	v4 =	vld [tilespmem:$0x1FEB0];
	_ =	sdelay $0x2  }
0xbc: {  	v0 =	vmax.f32 v0, v8  }
0xbd: {  	v3 =	vmax.f32 v3, v61;
	v0 =	vmax.f32 v0, v9  }
0xbe: {  	v3 =	vmax.f32 v3, v51;
	v0 =	vmax.f32 v0, v4;
	v4 =	vld [tilespmem:$0x1FF40]  }
0xbf: {  	v3 =	vmax.f32 v3, v48;
	s26 =	sor.u32 $0xC50, s21  }
0xc0: {  	s28 =	sor.u32 $0xC60, s21;
	v3 =	vmax.f32 v3, v42;
	v6 =	vld [tilespmem:s26+$0x0]  }
0xc1: {  	v3 =	vmax.f32 v3, v35;
	v7 =	vld [tilespmem:s28+$0x0]  }
0xc2: {  	v3 =	vmax.f32 v3, v30;
	v29 =	vld [tilespmem:s31+$0x4C0]  }
0xc3: {  	v3 =	vmax.f32 v3, v4;
	v4 =	vld [tilespmem:s31+$0x570]  }
0xc4: {  	v31 =	vld [tilespmem:s31+$0x430]  }
0xc5: {  	v33 =	vld [tilespmem:s31+$0x4B0]  }
0xc6: {  	v32 =	vld [tilespmem:s31+$0x530]  }
0xc7: {  	v40 =	vld [tilespmem:s31+$0x420]  }
0xc8: {  	[tilespmem:$0x1FDC0] =	vst v4;
	v4 =	vld [tilespmem:$0x1FF20]  }
0xc9: {  	(xrf0) =	vmax.scan.msk.f32 $0xffff, v0;
	v0 =	vld [tilespmem:s31+$0x5F0]  }
0xca: {  	v38 =	vld [tilespmem:s31+$0x4A0]  }
0xcb: {  	s25 =	sor.u32 $0xC50, s20;
	v36 =	vld [tilespmem:s31+$0x520]  }
0xcc: {  	v5 =	vld [tilespmem:s25+$0x0]  }
0xcd: {  	v3 =	vmax.f32 v3, v4;
	v4 =	vld [tilespmem:$0x1FF50]  }
0xce: {  	[tilespmem:$0x1FDB0] =	vst v0;
	v0 =	vld [tilespmem:$0x1FF30]  }
0xcf: {  	v37 =	vld [tilespmem:s31+$0x5A0]  }
0xd0: {  	v46 =	vld [tilespmem:s31+$0x410]  }
0xd1: {  	v47 =	vld [tilespmem:s31+$0x490];
	v1 =	vmax.f32 v1, v5  }
0xd2: {  	v43 =	vld [tilespmem:s31+$0x510];
	v1 =	vmax.f32 v1, v4  }
0xd3: {  	v44 =	vld [tilespmem:s31+$0x590];
	(xrf0) =	vmax.scan.msk.f32 $0xffff, v3;
	v0 =	vmax.f32 v1, v0  }
0xd4: {  	(xrf0) =	vmax.scan.msk.f32 $0xffff, v0;
	v0 =	vld [tilespmem:s31+$0x4E0]  }
0xd5: {  	v52 =	vld [tilespmem:s31+$0x400]  }
0xd6: {  	v53 =	vld [tilespmem:s31+$0x480]  }
0xd7: {  	v54 =	vld [tilespmem:s31+$0x500]  }
0xd8: {  	v50 =	vld [tilespmem:s31+$0x580]  }
0xd9: {  	[tilespmem:$0x1FE40] =	vst v0;
	v0 =	vld [tilespmem:s31+$0x560]  }
0xda: {  	v62 =	vld [tilespmem:s31+$0x70]  }
0xdb: {  	v57 =	vld [tilespmem:s31+$0xF0]  }
0xdc: {  	v58 =	vld [tilespmem:s31+$0x170]  }
0xdd: {  	v59 =	vld [tilespmem:s31+$0x1F0]  }
0xde: {  	s21 =	sor.u32 $0xC70, s21;
	[tilespmem:$0x1FE50] =	vst v0;
	v0 =	vld [tilespmem:s31+$0x5E0]  }
0xdf: {  	v8 =	vld [tilespmem:s21+$0x0]  }
0xe0: {  	v10 =	vld [tilespmem:s31+$0x150]  }
0xe1: {  	v12 =	vld [tilespmem:s31+$0x40]  }
0xe2: {  	v13 =	vld [tilespmem:s31+$0xC0];
	v2 =	vmax.f32 v2, v6  }
0xe3: {  	v1 =	vmax.f32 v2, v7;
	[tilespmem:$0x1FE60] =	vst v0;
	v0 =	vld [tilespmem:s31+$0x450]  }
0xe4: {  	v14 =	vld [tilespmem:s31+$0x140];
	v1 =	vmax.f32 v1, v8  }
0xe5: {  	v15 =	vld [tilespmem:s31+$0x1C0];
	(xrf0) =	vmax.scan.msk.f32 $0xffff, v1  }
0xe6: {  	v18 =	vld [tilespmem:s31+$0xB0]  }
0xe7: {  	v16 =	vld [tilespmem:s31+$0x130]  }
0xe8: {  	v17 =	vld [tilespmem:s31+$0x1B0];
	[tilespmem:$0x1FE20] =	vst v0;
	v0, _, _ =	vpop (xrf0)  }
0xe9: {  	v63 =	vld [tilespmem:s31+$0x20];
	(v2sf) =	vpush v0, $0xF;
	v0, _, _ =	vpop (xrf0)  }
0xea: {  	v19 =	vld [tilespmem:s31+$0xA0];
	(v2sf) =	vpush v0, $0xF;
	v0, _, _ =	vpop (xrf0)  }
0xeb: {  	v20 =	vld [tilespmem:s31+$0x120];
	(v2sf) =	vpush v0, $0xF;
	v0, _, _ =	vpop (xrf0)  }
0xec: {  	v21 =	vld [tilespmem:s31+$0x1A0];
	(v2sf) =	vpush v0, $0xF  }
0xed: {  	v56 =	vld [tilespmem:s31+$0x0]  }
0xee: {  	v61 =	vld [tilespmem:s31+$0x10]  }
0xef: {  	v22 =	vld [tilespmem:s31+$0x80]  }
0xf0: {  	v23 =	vld [tilespmem:s31+$0x90]  }
0xf1: {  	v24 =	vld [tilespmem:s31+$0x100]  }
0xf2: {  	v25 =	vld [tilespmem:s31+$0x110]  }
0xf3: {  	v26 =	vld [tilespmem:s31+$0x180]  }
0xf4: {  	v1 =	vld [tilespmem:s31+$0x4D0]  }
0xf5: {  	v27 =	vld [tilespmem:s31+$0x190]  }
0xf6: {  	v0 =	vld [tilespmem:s31+$0x540]  }
0xf7: {  	v6 =	vld [tilespmem:s31+$0x30];
	v22 =	vmax.f32 v22, v23;
	v23 =	vmax.f32 v24, v25  }
0xf8: {  	v20 =	vmax.f32 v23, v20;
	v23 =	vld [tilespmem:$0x1FDE0];
	s24 =	spop (v2sf)  }
0xf9: {  	[tilespmem:$0x1FE10] =	vst v1;
	v1 =	vld [tilespmem:s31+$0x550];
	s25 =	spop (v2sf)  }
0xfa: {  	v9 =	vld [tilespmem:s31+$0xD0];
	s26 =	spop (v2sf)  }
0xfb: {  	[tilespmem:$0x1FE90] =	vst v0;
	v0 =	vld [tilespmem:s31+$0x5C0];
	s21 =	sadd.f32 s25, s24;
	s28 =	spop (v2sf)  }
0xfc: {  	v24 =	vmax.f32 v26, v27;
	v27 =	vld [tilespmem:$0x1FDB0];
	s22 =	sadd.f32 s28, s26  }
0xfd: {  	v26 =	vld [tilespmem:$0x1FDC0]  }
0xfe: {  	[tilespmem:$0x1FE70] =	vst v1;
	v1 =	vld [tilespmem:s31+$0x5D0];
	s21 =	sadd.f32 s22, s21  }
0xff: {  	v3 =	vld [tilespmem:s31+$0x60]  }
0x100: {  	p0 =	por !p0, !p0;
	[tilespmem:$0x1FE30] =	vst v0;
	v0 =	vld [tilespmem:s31+$0x5B0];
	s17 =	sadd.f32 s21, s17;
	s21 =	simm.s32 $0x1  }
0x101: {  	v4 =	vld [tilespmem:s31+$0xE0];
	s21 =	simm.s32 @!p0 $0x0  }
0x102: {  	v2 =	vld [tilespmem:s31+$0x460];
	s21 =	sshll.u32 s21, $0x9  }
0x103: {  	[tilespmem:$0x1FE80] =	vst v1;
	v1 =	vld [tilespmem:s31+$0x440];
	s21 =	sadd.s32 s21, s18  }
0x104: {  	v7 =	vld [tilespmem:s31+$0x1D0];
	s29 =	sor.u32 $0xC70, s21  }
0x105: {  	[tilespmem:$0x1FEA0] =	vst v0;
	v0 =	vld [tilespmem:s29+$0x0]  }
0x106: {  	v8 =	vld [tilespmem:s31+$0x50]  }
0x107: {  	[tilespmem:$0x1FDF0] =	vst v2;
	v2 =	vld [tilespmem:s31+$0x1E0]  }
0x108: {  	v21 =	vmax.f32 v24, v21;
	v20 =	vmax.f32 v20, v16;
	[tilespmem:$0x1FE00] =	vst v1;
	v1 =	vld [tilespmem:s31+$0x160]  }
0x109: {  	v21 =	vmax.f32 v21, v17;
	v17 =	vmax.f32 v20, v14;
	v20 =	vld [tilespmem:$0x1FE20];
	s30 =	sor.u32 $0xC60, s21  }
0x10a: {  	s22 =	sadd.s32 $0x80, s21;
	s29 =	sor.u32 $0x870, s21;
	[tilespmem:$0x1FEB0] =	vst v0;
	v0 =	vld [tilespmem:s30+$0x0]  }
0x10b: {  	v39 =	vld [tilespmem:s29+$0x0];
	s29 =	sor.u32 $0xC70, s22  }
0x10c: {  	v28 =	vld [tilespmem:s29+$0x0]  }
0x10d: {  	v24 =	vld [tilespmem:$0x1FE00]  }
0x10e: {  	v14 =	vmax.f32 v21, v15;
	v21 =	vld [tilespmem:$0x1FE30];
	s31 =	sor.u32 $0xC50, s21  }
0x10f: {  	s20 =	sadd.s32 $0x100, s21;
	s30 =	sor.u32 $0x860, s21;
	[tilespmem:$0x1FEC0] =	vst v0;
	v0 =	vld [tilespmem:s31+$0x0]  }
0x110: {  	v45 =	vld [tilespmem:s30+$0x0];
	s30 =	sor.u32 $0xC70, s20  }
0x111: {  	s28 =	sor.u32 $0xC00, s21;
	[tilespmem:$0x1FF20] =	vst v28;
	v28 =	vld [tilespmem:s30+$0x0]  }
0x112: {  	v34 =	vld [tilespmem:s28+$0x0];
	s28 =	sor.u32 $0x800, s21  }
0x113: {  	s23 =	sor.u32 $0xC40, s21;
	v11 =	vld [tilespmem:s28+$0x0]  }
0x114: {  	s31 =	sor.u32 $0x850, s21;
	[tilespmem:$0x1FED0] =	vst v0;
	v0 =	vld [tilespmem:s23+$0x0]  }
0x115: {  	v49 =	vld [tilespmem:s31+$0x0];
	s31 =	sor.u32 $0xC60, s22  }
0x116: {  	s28 =	sor.u32 $0xC30, s22;
	[tilespmem:$0x1FF30] =	vst v28;
	v28 =	vld [tilespmem:s31+$0x0]  }
0x117: {  	v42 =	vld [tilespmem:s28+$0x0];
	s29 =	sor.u32 $0xC30, s20  }
0x118: {  	s24 =	sor.u32 $0xC30, s21;
	v41 =	vld [tilespmem:s29+$0x0]  }
0x119: {  	[tilespmem:$0x1FEE0] =	vst v0;
	v0 =	vld [tilespmem:s24+$0x0];
	s24 =	sor.u32 $0x830, s21  }
0x11a: {  	v60 =	vld [tilespmem:s24+$0x0];
	s24 =	sor.u32 $0xC60, s20  }
0x11b: {  	s30 =	sor.u32 $0xC20, s22;
	[tilespmem:$0x1FF40] =	vst v28;
	v28 =	vld [tilespmem:s24+$0x0]  }
0x11c: {  	v19 =	vmax.f32 v22, v19;
	v48 =	vld [tilespmem:s30+$0x0];
	s31 =	sor.u32 $0xC10, s22  }
0x11d: {  	v19 =	vmax.f32 v19, v18;
	v51 =	vld [tilespmem:s31+$0x0];
	s31 =	sor.u32 $0x860, s20  }
0x11e: {  	v16 =	vmax.f32 v19, v13;
	v13 =	vld [tilespmem:s31+$0x0];
	s23 =	sor.u32 $0x840, s21  }
0x11f: {  	s25 =	sor.u32 $0xC20, s21;
	v55 =	vld [tilespmem:s23+$0x0];
	[tilespmem:$0x1FEF0] =	vst v0  }
0x120: {  	v0 =	vld [tilespmem:s25+$0x0];
	[tilespmem:$0x1FF50] =	vst v28;
	v28 =	vmax.f32 v56, v61  }
0x121: {  	s28 =	sor.u32 $0xC00, s20;
	v25 =	vmax.f32 v28, v63;
	v28 =	vld [tilespmem:$0x1FDD0]  }
0x122: {  	v63 =	vld [tilespmem:s28+$0x0]  }
0x123: {  	s29 =	sor.u32 $0x870, s22;
	v22 =	vmax.f32 v25, v6;
	v25 =	vld [tilespmem:$0x1FDF0]  }
0x124: {  	s26 =	sor.u32 $0xC10, s21;
	v6 =	vld [tilespmem:s29+$0x0]  }
0x125: {  	[tilespmem:$0x1FF00] =	vst v0;
	v0 =	vld [tilespmem:s26+$0x0]  }
0x126: {  	s30 =	sor.u32 $0x860, s22;
	v18 =	vmax.f32 v22, v12;
	v22 =	vld [tilespmem:$0x1FE10]  }
0x127: {  	s26 =	sor.u32 $0x810, s21;
	v12 =	vld [tilespmem:s30+$0x0]  }
0x128: {  	p1 =	sne.s32 s19, $0x1E00;
	v5 =	vld [tilespmem:s26+$0x0];
	s26 =	sor.u32 $0xC40, s22  }
.Ltmp2:
0x129: {  	v35 =	vld [tilespmem:s26+$0x0];
	s26 =	sor.u32 $0xC00, s22;
	(pc) =	sbr.rel @p1 .LBB2_3-.Ltmp2, $4  }
0x12a: {  	s25 =	sor.u32 $0x820, s21;
	v61 =	vld [tilespmem:s26+$0x0]  }
0x12b: {  	[tilespmem:$0x1FF10] =	vst v0;
	v0 =	vld [tilespmem:s25+$0x0];
	s25 =	sor.u32 $0xC50, s22  }
0x12c: {  	v30 =	vld [tilespmem:s25+$0x0];
	s25 =	sor.u32 $0xC10, s20  }
0x12d: {  	s19 =	sadd.s32 $0x200, s19;
	s23 =	sor.u32 $0x850, s22;
	v56 =	vld [tilespmem:s25+$0x0]  }
0x12e: {  	v8 =	vmax.f32 v18, v8  }
0x12f: {  	v9 =	vmax.f32 v16, v9;
	v3 =	vmax.f32 v8, v3  }
0x130: {  	v4 =	vmax.f32 v9, v4;
	v3 =	vmax.f32 v3, v62  }
0x131: {  	v4 =	vmax.f32 v4, v57;
	v3 =	vmax.f32 v3, v52  }
0x132: {  	s18 =	sor.u32 $0x850, s20;
	v15 =	vld [tilespmem:s23+$0x0];
	v4 =	vmax.f32 v4, v53;
	v3 =	vmax.f32 v3, v46  }
0x133: {  	v7 =	vmax.f32 v14, v7;
	s19 =	sor.u32 $0x840, s22;
	v8 =	vld [tilespmem:s18+$0x0];
	v4 =	vmax.f32 v4, v47;
	v3 =	vmax.f32 v3, v40  }
0x134: {  	v2 =	vmax.f32 v7, v2;
	v7 =	vld [tilespmem:s19+$0x0];
	v4 =	vmax.f32 v4, v38;
	v3 =	vmax.f32 v3, v31  }
0x135: {  	s29 =	sor.u32 $0x830, s22;
	v4 =	vmax.f32 v4, v33;
	v3 =	vmax.f32 v3, v24;
	v24 =	vld [tilespmem:$0x1FEA0]  }
0x136: {  	v9 =	vld [tilespmem:s29+$0x0];
	v2 =	vmax.f32 v2, v59;
	v4 =	vmax.f32 v4, v29  }
0x137: {  	v10 =	vmax.f32 v17, v10;
	s30 =	sor.u32 $0x830, s20;
	v2 =	vmax.f32 v2, v50;
	v4 =	vmax.f32 v4, v22;
	v22 =	vld [tilespmem:$0x1FE80]  }
0x138: {  	s31 =	sor.u32 $0x820, s22;
	v1 =	vmax.f32 v10, v1;
	v10 =	vld [tilespmem:s30+$0x0];
	v2 =	vmax.f32 v2, v44  }
0x139: {  	s23 =	sor.u32 $0x820, s20;
	v14 =	vld [tilespmem:s31+$0x0];
	v2 =	vmax.f32 v2, v37  }
0x13a: {  	s24 =	sor.u32 $0x810, s22;
	v16 =	vld [tilespmem:s23+$0x0];
	v2 =	vmax.f32 v2, v24  }
0x13b: {  	v17 =	vld [tilespmem:s24+$0x0];
	v2 =	vmax.f32 v2, v21  }
0x13c: {  	s25 =	sor.u32 $0x800, s22;
	v2 =	vmax.f32 v2, v22;
	v22 =	vld [tilespmem:$0x1FE40]  }
0x13d: {  	s26 =	sor.u32 $0x800, s20;
	v18 =	vld [tilespmem:s25+$0x0]  }
0x13e: {  	v19 =	vld [tilespmem:s26+$0x0]  }
0x13f: {  	v1 =	vmax.f32 v1, v58;
	v3 =	vmax.f32 v3, v20;
	v20 =	vld [tilespmem:$0x1FE90]  }
0x140: {  	v1 =	vmax.f32 v1, v54;
	v21 =	vld [tilespmem:$0x1FE70]  }
0x141: {  	s18 =	sadd.s32 $0x180, s21;
	v1 =	vmax.f32 v1, v43;
	v3 =	vmax.f32 v3, v25;
	v4 =	vmax.f32 v4, v22;
	v22 =	vld [tilespmem:$0x1FE50]  }
0x142: {  	s21 =	sor.u32 $0x830, s18;
	v1 =	vmax.f32 v1, v36;
	v3 =	vmax.f32 v3, v23;
	v23 =	vld [tilespmem:$0x1FE60]  }
0x143: {  	s28 =	sor.u32 $0x800, s18;
	v1 =	vmax.f32 v1, v32;
	v3 =	vmax.f32 v3, v11;
	v11 =	vld [tilespmem:s21+$0x0]  }
0x144: {  	s29 =	sor.u32 $0x810, s20;
	v1 =	vmax.f32 v1, v20;
	v20 =	vld [tilespmem:s28+$0x0]  }
0x145: {  	s30 =	sor.u32 $0x810, s18;
	v1 =	vmax.f32 v1, v21;
	v21 =	vld [tilespmem:s29+$0x0]  }
0x146: {  	s31 =	sor.u32 $0x820, s18;
	v1 =	vmax.f32 v1, v22;
	v22 =	vld [tilespmem:s30+$0x0]  }
0x147: {  	s23 =	sor.u32 $0x840, s18;
	v3 =	vmax.f32 v3, v5;
	v2 =	vmax.f32 v2, v23;
	v23 =	vld [tilespmem:s31+$0x0];
	v4 =	vmax.f32 v4, v28  }
0x148: {  	s22 =	sor.u32 $0x840, s20;
	v5 =	vld [tilespmem:s23+$0x0];
	v0 =	vmax.f32 v3, v0;
	v4 =	vmax.f32 v4, v18  }
0x149: {  	s24 =	sor.u32 $0x850, s18;
	v2 =	vmax.f32 v2, v27;
	v18 =	vld [tilespmem:s22+$0x0];
	v4 =	vmax.f32 v4, v17;
	v1 =	vmax.f32 v1, v26  }
0x14a: {  	s25 =	sor.u32 $0x860, s18;
	v2 =	vmax.f32 v2, v20;
	v3 =	vmax.f32 v4, v14;
	v4 =	vld [tilespmem:s24+$0x0];
	v1 =	vmax.f32 v1, v19  }
0x14b: {  	s26 =	sor.u32 $0x870, s20;
	v14 =	vld [tilespmem:s25+$0x0];
	v1 =	vmax.f32 v1, v21;
	v2 =	vmax.f32 v2, v22  }
0x14c: {  	s28 =	sor.u32 $0x870, s18;
	v3 =	vmax.f32 v3, v9;
	v9 =	vld [tilespmem:s26+$0x0];
	v1 =	vmax.f32 v1, v16;
	v2 =	vmax.f32 v2, v23  }
0x14d: {  	s29 =	sor.u32 $0xC00, s18;
	v3 =	vmax.f32 v3, v7;
	v7 =	vld [tilespmem:s28+$0x0];
	v1 =	vmax.f32 v1, v10;
	v2 =	vmax.f32 v2, v11  }
0x14e: {  	s31 =	sor.u32 $0xC20, s20;
	v1 =	vmax.f32 v1, v18;
	v2 =	vmax.f32 v2, v5;
	v5 =	vld [tilespmem:s29+$0x0]  }
0x14f: {  	v1 =	vmax.f32 v1, v8;
	v8 =	vld [tilespmem:s31+$0x0]  }
0x150: {  	v1 =	vmax.f32 v1, v13;
	v2 =	vmax.f32 v2, v4  }
0x151: {  	v0 =	vmax.f32 v0, v60;
	v1 =	vmax.f32 v1, v9;
	v2 =	vmax.f32 v2, v14  }
0x152: {  	v0 =	vmax.f32 v0, v55;
	v9 =	vld [tilespmem:$0x1FF10];
	v1 =	vmax.f32 v1, v63;
	v2 =	vmax.f32 v2, v7  }
0x153: {  	v0 =	vmax.f32 v0, v49;
	v1 =	vmax.f32 v1, v56;
	v2 =	vmax.f32 v2, v5;
	v5 =	vld [tilespmem:$0x1FF00]  }
0x154: {  	v0 =	vmax.f32 v0, v45;
	v1 =	vmax.f32 v1, v8;
	v8 =	vld [tilespmem:$0x1FEF0]  }
0x155: {  	v0 =	vmax.f32 v0, v39;
	s30 =	sor.u32 $0xC10, s18;
	v3 =	vmax.f32 v3, v15  }
0x156: {  	s21 =	sor.u32 $0xC20, s18;
	v0 =	vmax.f32 v0, v34;
	v3 =	vmax.f32 v3, v12;
	v4 =	vld [tilespmem:s30+$0x0]  }
0x157: {  	s22 =	sor.u32 $0xC30, s18;
	v3 =	vmax.f32 v3, v6;
	v6 =	vld [tilespmem:s21+$0x0];
	v0 =	vmax.f32 v0, v9  }
0x158: {  	v7 =	vld [tilespmem:s22+$0x0];
	v0 =	vmax.f32 v0, v5  }
0x159: {  	s23 =	sor.u32 $0xC40, s20;
	v0 =	vmax.f32 v0, v8;
	v8 =	vld [tilespmem:$0x1FEE0]  }
0x15a: {  	s24 =	sor.u32 $0xC40, s18;
	v9 =	vld [tilespmem:s23+$0x0]  }
0x15b: {  	v2 =	vmax.f32 v2, v4;
	v4 =	vld [tilespmem:s24+$0x0];
	_ =	sdelay $0x2  }
0x15c: {  	v1 =	vmax.f32 v1, v41;
	v2 =	vmax.f32 v2, v6;
	v0 =	vmax.f32 v0, v8;
	v8 =	vld [tilespmem:$0x1FED0]  }
0x15d: {  	v2 =	vmax.f32 v2, v7;
	v1 =	vmax.f32 v1, v9;
	v9 =	vld [tilespmem:$0x1FEC0]  }
0x15e: {  	v2 =	vmax.f32 v2, v4;
	v4 =	vld [tilespmem:$0x1FEB0];
	_ =	sdelay $0x2  }
0x15f: {  	v0 =	vmax.f32 v0, v8  }
0x160: {  	v3 =	vmax.f32 v3, v61;
	v0 =	vmax.f32 v0, v9  }
0x161: {  	v3 =	vmax.f32 v3, v51;
	v0 =	vmax.f32 v0, v4;
	v4 =	vld [tilespmem:$0x1FF40]  }
0x162: {  	v3 =	vmax.f32 v3, v48  }
0x163: {  	v3 =	vmax.f32 v3, v42  }
0x164: {  	v3 =	vmax.f32 v3, v35  }
0x165: {  	v3 =	vmax.f32 v3, v30  }
0x166: {  	v3 =	vmax.f32 v3, v4;
	v4 =	vld [tilespmem:$0x1FF20]  }
0x167: {  	s26 =	sor.u32 $0xC50, s18  }
0x168: {  	s28 =	sor.u32 $0xC60, s18;
	v6 =	vld [tilespmem:s26+$0x0]  }
0x169: {  	s25 =	sor.u32 $0xC50, s20;
	v7 =	vld [tilespmem:s28+$0x0]  }
0x16a: {  	v5 =	vld [tilespmem:s25+$0x0]  }
0x16b: {  	v3 =	vmax.f32 v3, v4;
	v4 =	vld [tilespmem:$0x1FF50]  }
0x16c: {  	s18 =	sor.u32 $0xC70, s18;
	(xrf0) =	vmax.scan.msk.f32 $0xffff, v0;
	v0 =	vld [tilespmem:$0x1FF30]  }
0x16d: {  	v8 =	vld [tilespmem:s18+$0x0];
	_ =	sdelay $0x1  }
0x16e: {  	v1 =	vmax.f32 v1, v5  }
0x16f: {  	v2 =	vmax.f32 v2, v6;
	v1 =	vmax.f32 v1, v4  }
0x170: {  	(xrf0) =	vmax.scan.msk.f32 $0xffff, v3;
	v0 =	vmax.f32 v1, v0;
	v1 =	vmax.f32 v2, v7  }
0x171: {  	v1 =	vmax.f32 v1, v8;
	(xrf0) =	vmax.scan.msk.f32 $0xffff, v0  }
0x172: {  	(xrf0) =	vmax.scan.msk.f32 $0xffff, v1;
	_ =	sdelay $0x2  }
0x173: {  	v0, _, _ =	vpop (xrf0)  }
0x174: {  	(v2sf) =	vpush v0, $0xF;
	v0, _, _ =	vpop (xrf0)  }
0x175: {  	(v2sf) =	vpush v0, $0xF;
	v0, _, _ =	vpop (xrf0)  }
0x176: {  	(v2sf) =	vpush v0, $0xF;
	v0, _, _ =	vpop (xrf0)  }
0x177: {  	(v2sf) =	vpush v0, $0xF;
	_ =	sdelay $0x6  }
0x178: {  	p0 =	seq.s32 s16, $0x7  }
0x179: {  	s19 =	sadd.s32 @!p0 s16, s5  }
0x17a: {  	s19 =	sshll.u32 @!p0 s19, $0x11  }
0x17b: {  	s19 =	sadd.s32 @!p0 s19, s6;
	s21 =	simm.s32 @!p0 $0x0  }
0x17c: {  	[tilespmem:s21], [sflag:$0x1] =	stream.linear.gather @!p0 [hbm4b:s19+s21], $0x8000, $0x38;
	[tilespmem:$0x10080] =	vst v63  }
0x17d: {  	s18 =	spop (v2sf)  }
0x17e: {  	s24 =	spop (v2sf)  }
0x17f: {  	s20 =	spop (v2sf)  }
0x180: {  	s25 =	spop (v2sf)  }
0x181: {  	s19 =	simm.s32 $0x0;
	_ =	swait.ge [sflag:s12], $0x8000  }
0x182: {  	s29 =	sand.u32 $0x7000, s19;
	s30 =	sand.u32 $0x200, s19;
	[sflag:s12] =	ssyncset.done $0x0  }
0x183: {  	s21 =	sor.u32 s30, s29;
	[sflag:s12] =	ssyncadd.s32 $0xFFFF8000  }
0x184: {  	v0 =	vld [tilespmem:s21+$0x84E0];
	_ =	sdelay $0x4  }
0x185: {  	[tilespmem:$0x1FC00] =	vst v0;
	v0 =	vld [tilespmem:s21+$0x8560];
	_ =	sdelay $0x4  }
0x186: {  	[tilespmem:$0x1FC10] =	vst v0;
	v0 =	vld [tilespmem:s21+$0x85E0];
	_ =	sdelay $0x4  }
0x187: {  	[tilespmem:$0x1FC20] =	vst v0;
	v0 =	vld [tilespmem:s21+$0x8550];
	_ =	sdelay $0x4  }
0x188: {  	[tilespmem:$0x1FC30] =	vst v0;
	v0 =	vld [tilespmem:s21+$0x85D0];
	_ =	sdelay $0x4  }
0x189: {  	[tilespmem:$0x1FC40] =	vst v0;
	v0 =	vld [tilespmem:s21+$0x8540];
	_ =	sdelay $0x3  }
0x18a: {  	v23 =	vld [tilespmem:s21+$0x8470]  }
0x18b: {  	[tilespmem:$0x1FC50] =	vst v0;
	v0 =	vld [tilespmem:s21+$0x8430]  }
0x18c: {  	v28 =	vld [tilespmem:s21+$0x84F0]  }
0x18d: {  	v26 =	vld [tilespmem:s21+$0x8570]  }
0x18e: {  	v27 =	vld [tilespmem:s21+$0x85F0]  }
0x18f: {  	v25 =	vld [tilespmem:s21+$0x8460]  }
0x190: {  	[tilespmem:$0x1FC60] =	vst v0;
	v0 =	vld [tilespmem:s21+$0x85B0]  }
0x191: {  	v20 =	vld [tilespmem:s21+$0x8450]  }
0x192: {  	v22 =	vld [tilespmem:s21+$0x84D0]  }
0x193: {  	v24 =	vld [tilespmem:s21+$0x8440]  }
0x194: {  	v29 =	vld [tilespmem:s21+$0x84C0]  }
0x195: {  	[tilespmem:$0x1FC70] =	vst v0;
	v0 =	vld [tilespmem:s21+$0x8040]  }
0x196: {  	v21 =	vld [tilespmem:s21+$0x85C0]  }
0x197: {  	v32 =	vld [tilespmem:s21+$0x84B0]  }
0x198: {  	v33 =	vld [tilespmem:s21+$0x8530]  }
0x199: {  	v40 =	vld [tilespmem:s21+$0x8420]  }
0x19a: {  	[tilespmem:$0x1FD50] =	vst v0;
	v0 =	vld [tilespmem:s21+$0x80C0]  }
0x19b: {  	v38 =	vld [tilespmem:s21+$0x84A0]  }
0x19c: {  	v36 =	vld [tilespmem:s21+$0x8520]  }
0x19d: {  	v37 =	vld [tilespmem:s21+$0x85A0]  }
0x19e: {  	v46 =	vld [tilespmem:s21+$0x8410]  }
0x19f: {  	[tilespmem:$0x1FD80] =	vst v0;
	v0 =	vld [tilespmem:s21+$0x8140]  }
0x1a0: {  	v47 =	vld [tilespmem:s21+$0x8490]  }
0x1a1: {  	v43 =	vld [tilespmem:s21+$0x8510]  }
0x1a2: {  	v44 =	vld [tilespmem:s21+$0x8590]  }
0x1a3: {  	v52 =	vld [tilespmem:s21+$0x8400]  }
0x1a4: {  	[tilespmem:$0x1FD90] =	vst v0;
	v0 =	vld [tilespmem:s21+$0x81C0]  }
0x1a5: {  	v53 =	vld [tilespmem:s21+$0x8480]  }
0x1a6: {  	v54 =	vld [tilespmem:s21+$0x8500]  }
0x1a7: {  	v50 =	vld [tilespmem:s21+$0x8580]  }
0x1a8: {  	v61 =	vld [tilespmem:s21+$0x8070]  }
0x1a9: {  	[tilespmem:$0x1FDA0] =	vst v0;
	v0 =	vld [tilespmem:s21+$0x8030]  }
0x1aa: {  	v57 =	vld [tilespmem:s21+$0x80F0]  }
0x1ab: {  	v58 =	vld [tilespmem:s21+$0x8170]  }
0x1ac: {  	v59 =	vld [tilespmem:s21+$0x81F0]  }
0x1ad: {  	v3 =	vld [tilespmem:s21+$0x8060]  }
0x1ae: {  	[tilespmem:$0x1FD20] =	vst v0;
	v0 =	vld [tilespmem:s21+$0x80B0]  }
0x1af: {  	v4 =	vld [tilespmem:s21+$0x80E0]  }
0x1b0: {  	v1 =	vld [tilespmem:s21+$0x8160]  }
0x1b1: {  	v2 =	vld [tilespmem:s21+$0x81E0]  }
0x1b2: {  	v63 =	vld [tilespmem:s21+$0x8020]  }
0x1b3: {  	[tilespmem:$0x1FD30] =	vst v0;
	v0 =	vld [tilespmem:s21+$0x8130]  }
0x1b4: {  	v17 =	vld [tilespmem:s21+$0x80A0]  }
0x1b5: {  	v16 =	vld [tilespmem:s21+$0x8080]  }
0x1b6: {  	v15 =	vld [tilespmem:s21+$0x8090]  }
0x1b7: {  	v14 =	vld [tilespmem:s21+$0x8100]  }
0x1b8: {  	[tilespmem:$0x1FD60] =	vst v0;
	v0 =	vld [tilespmem:s21+$0x81B0]  }
0x1b9: {  	v13 =	vld [tilespmem:s21+$0x8110]  }
0x1ba: {  	v18 =	vld [tilespmem:s21+$0x8120]  }
0x1bb: {  	v56 =	vld [tilespmem:s21+$0x8000]  }
0x1bc: {  	v6 =	vld [tilespmem:s21+$0x8010]  }
0x1bd: {  	p1 =	por $0x0, $0x0;
	s22 =	simm.s32 $0x1;
	v15 =	vmax.f32 v16, v15;
	[tilespmem:$0x1FD70] =	vst v0;
	v0 =	vld [tilespmem:s21+$0x81A0]  }
0x1be: {  	s22 =	simm.s32 @!p1 $0x0;
	v13 =	vmax.f32 v14, v13;
	v14 =	vmax.f32 v15, v17;
	v15 =	vld [tilespmem:$0x1FD20]  }
0x1bf: {  	s22 =	sshll.u32 s22, $0x9;
	v16 =	vld [tilespmem:$0x1FD50]  }
0x1c0: {  	s22 =	sadd.s32 $0x0, s22;
	v8 =	vld [tilespmem:s21+$0x8050]  }
0x1c1: {  	s31 =	sor.u32 $0xC70, s22;
	v9 =	vld [tilespmem:s21+$0x80D0];
	v6 =	vmax.f32 v56, v6  }
0x1c2: {  	v6 =	vmax.f32 v6, v63;
	[tilespmem:$0x1FD40] =	vst v0;
	v0 =	vld [tilespmem:s31+$0x8000]  }
0x1c3: {  	v15 =	vmax.f32 v6, v15;
	v6 =	vld [tilespmem:$0x1FD30]  }
0x1c4: {  	v13 =	vmax.f32 v13, v18;
	v18 =	vmax.f32 v15, v16;
	v16 =	vld [tilespmem:$0x1FD80]  }
0x1c5: {  	v10 =	vld [tilespmem:s21+$0x8150]  }
0x1c6: {  	s26 =	sor.u32 $0xC60, s22;
	v7 =	vld [tilespmem:s21+$0x81D0]  }
0x1c7: {  	[tilespmem:$0x1FC80] =	vst v0;
	v0 =	vld [tilespmem:s26+$0x8000]  }
0x1c8: {  	v14 =	vmax.f32 v14, v6;
	v15 =	vld [tilespmem:$0x1FD60]  }
0x1c9: {  	v16 =	vmax.f32 v14, v16;
	v14 =	vld [tilespmem:$0x1FD90]  }
0x1ca: {  	v12 =	vld [tilespmem:s21+$0x8180]  }
0x1cb: {  	s28 =	sor.u32 $0xC50, s22;
	v62 =	vld [tilespmem:s21+$0x8190]  }
0x1cc: {  	[tilespmem:$0x1FC90] =	vst v0;
	v0 =	vld [tilespmem:s28+$0x8000]  }
0x1cd: {  	v13 =	vmax.f32 v13, v15;
	v15 =	vld [tilespmem:$0x1FD70]  }
0x1ce: {  	v17 =	vmax.f32 v13, v14;
	v13 =	vld [tilespmem:$0x1FDA0]  }
0x1cf: {  	v6 =	vld [tilespmem:$0x1FD40];
	s28 =	sor.u32 $0xC00, s22  }
0x1d0: {  	s29 =	sor.u32 $0xC40, s22;
	v34 =	vld [tilespmem:s28+$0x8000]  }
0x1d1: {  	s28 =	sor.u32 $0x830, s22;
	[tilespmem:$0x1FCA0] =	vst v0;
	v0 =	vld [tilespmem:s29+$0x8000]  }
0x1d2: {  	s21 =	sadd.s32 $0x100, s22;
	v60 =	vld [tilespmem:s28+$0x8000];
	s28 =	sor.u32 $0x800, s22  }
0x1d3: {  	v11 =	vld [tilespmem:s28+$0x8000];
	s28 =	sor.u32 $0xC00, s21  }
0x1d4: {  	v63 =	vld [tilespmem:s28+$0x8000];
	s29 =	sor.u32 $0x870, s22  }
0x1d5: {  	s30 =	sor.u32 $0xC30, s22;
	v39 =	vld [tilespmem:s29+$0x8000]  }
0x1d6: {  	s23 =	sadd.s32 $0x80, s22;
	[tilespmem:$0x1FCB0] =	vst v0;
	v0 =	vld [tilespmem:s30+$0x8000];
	s30 =	sor.u32 $0x860, s22  }
0x1d7: {  	v45 =	vld [tilespmem:s30+$0x8000];
	s30 =	sor.u32 $0xC70, s23  }
0x1d8: {  	v19 =	vld [tilespmem:s30+$0x8000];
	s30 =	sor.u32 $0xC60, s21  }
0x1d9: {  	v30 =	vld [tilespmem:s30+$0x8000];
	s30 =	sor.u32 $0xC30, s23  }
0x1da: {  	s31 =	sor.u32 $0xC20, s22;
	v42 =	vld [tilespmem:s30+$0x8000]  }
0x1db: {  	s30 =	sor.u32 $0xC10, s23;
	[tilespmem:$0x1FCC0] =	vst v0;
	v0 =	vld [tilespmem:s31+$0x8000]  }
0x1dc: {  	s31 =	sor.u32 $0x850, s22;
	v51 =	vld [tilespmem:s30+$0x8000]  }
0x1dd: {  	v12 =	vmax.f32 v12, v62;
	v49 =	vld [tilespmem:s31+$0x8000];
	s31 =	sor.u32 $0xC70, s21  }
0x1de: {  	v12 =	vmax.f32 v12, v6;
	s30 =	sor.u32 $0x860, s23;
	[tilespmem:$0x1FCF0] =	vst v19;
	v19 =	vld [tilespmem:s31+$0x8000]  }
0x1df: {  	s26 =	sor.u32 $0xC10, s22;
	v15 =	vmax.f32 v12, v15;
	v12 =	vld [tilespmem:s30+$0x8000]  }
0x1e0: {  	[tilespmem:$0x1FCD0] =	vst v0;
	v0 =	vld [tilespmem:s26+$0x8000];
	s26 =	sor.u32 $0x840, s22  }
0x1e1: {  	v55 =	vld [tilespmem:s26+$0x8000];
	s26 =	sor.u32 $0x810, s22  }
0x1e2: {  	s31 =	sor.u32 $0xC50, s23;
	v5 =	vld [tilespmem:s26+$0x8000]  }
0x1e3: {  	[tilespmem:$0x1FD00] =	vst v19;
	v19 =	vld [tilespmem:s31+$0x8000];
	s31 =	sor.u32 $0xC30, s21  }
0x1e4: {  	s26 =	sor.u32 $0xC00, s23;
	v41 =	vld [tilespmem:s31+$0x8000]  }
0x1e5: {  	s31 =	sor.u32 $0xC10, s21;
	v62 =	vld [tilespmem:s26+$0x8000]  }
0x1e6: {  	s29 =	sor.u32 $0x820, s22;
	v56 =	vld [tilespmem:s31+$0x8000]  }
0x1e7: {  	s18 =	sadd.f32 s24, s18;
	s31 =	sor.u32 $0x860, s21;
	[tilespmem:$0x1FCE0] =	vst v0;
	v0 =	vld [tilespmem:s29+$0x8000]  }
0x1e8: {  	s20 =	sadd.f32 s25, s20;
	v14 =	vmax.f32 v15, v13;
	s29 =	sor.u32 $0xC60, s23;
	v13 =	vld [tilespmem:s31+$0x8000]  }
0x1e9: {  	v31 =	vld [tilespmem:s29+$0x8000];
	s29 =	sor.u32 $0xC40, s23  }
0x1ea: {  	s18 =	sadd.f32 s20, s18;
	v35 =	vld [tilespmem:s29+$0x8000];
	s29 =	sor.u32 $0xC20, s23  }
0x1eb: {  	s24 =	sor.u32 $0x850, s23;
	v48 =	vld [tilespmem:s29+$0x8000];
	s29 =	sor.u32 $0x870, s23  }
0x1ec: {  	s20 =	simm.s32 $0x200;
	s17 =	sadd.f32 s18, s17;
	s18 =	simm.f32 $0.0e+00;
	[tilespmem:$0x1FD10] =	vst v19;
	v6 =	vld [tilespmem:s29+$0x8000]  }
.LBB2_5:
0x1ed: {  	v7 =	vmax.f32 v14, v7  }
0x1ee: {  	v19 =	vld [tilespmem:$0x1FC70];
	v2 =	vmax.f32 v7, v2  }
0x1ef: {  	v2 =	vmax.f32 v2, v59  }
0x1f0: {  	v2 =	vmax.f32 v2, v50  }
0x1f1: {  	v10 =	vmax.f32 v17, v10;
	v2 =	vmax.f32 v2, v44  }
0x1f2: {  	v1 =	vmax.f32 v10, v1;
	v2 =	vmax.f32 v2, v37  }
0x1f3: {  	v1 =	vmax.f32 v1, v58;
	v2 =	vmax.f32 v2, v19;
	v19 =	vld [tilespmem:$0x1FC50]  }
0x1f4: {  	v1 =	vmax.f32 v1, v54  }
0x1f5: {  	v1 =	vmax.f32 v1, v43  }
0x1f6: {  	v1 =	vmax.f32 v1, v36  }
0x1f7: {  	v1 =	vmax.f32 v1, v33  }
0x1f8: {  	v1 =	vmax.f32 v1, v19;
	v19 =	vld [tilespmem:$0x1FC30];
	_ =	sdelay $0x4  }
0x1f9: {  	v1 =	vmax.f32 v1, v19;
	v19 =	vld [tilespmem:$0x1FC40]  }
0x1fa: {  	v9 =	vmax.f32 v16, v9;
	v15 =	vld [tilespmem:s24+$0x8000]  }
0x1fb: {  	v8 =	vmax.f32 v18, v8;
	s30 =	sor.u32 $0x850, s21;
	v18 =	vld [tilespmem:$0x1FC60];
	v4 =	vmax.f32 v9, v4  }
0x1fc: {  	s25 =	sor.u32 $0x840, s23;
	v3 =	vmax.f32 v8, v3;
	v8 =	vld [tilespmem:s30+$0x8000];
	v4 =	vmax.f32 v4, v57  }
0x1fd: {  	v9 =	vld [tilespmem:s25+$0x8000];
	v4 =	vmax.f32 v4, v53;
	v2 =	vmax.f32 v2, v21  }
0x1fe: {  	s31 =	sor.u32 $0x830, s23;
	v4 =	vmax.f32 v4, v47;
	v2 =	vmax.f32 v2, v19;
	v19 =	vld [tilespmem:$0x1FC00]  }
0x1ff: {  	s26 =	sor.u32 $0x820, s23;
	v7 =	vld [tilespmem:s31+$0x8000];
	v4 =	vmax.f32 v4, v38  }
0x200: {  	s28 =	sor.u32 $0x820, s21;
	v14 =	vld [tilespmem:s26+$0x8000];
	v4 =	vmax.f32 v4, v32  }
0x201: {  	s29 =	sor.u32 $0x810, s23;
	v16 =	vld [tilespmem:s28+$0x8000];
	v3 =	vmax.f32 v3, v61;
	v4 =	vmax.f32 v4, v29  }
0x202: {  	v17 =	vld [tilespmem:s29+$0x8000];
	v3 =	vmax.f32 v3, v52;
	v4 =	vmax.f32 v4, v22  }
0x203: {  	s25 =	sor.u32 $0x830, s21;
	v3 =	vmax.f32 v3, v46;
	v4 =	vmax.f32 v4, v19;
	v19 =	vld [tilespmem:$0x1FC10]  }
0x204: {  	s30 =	sor.u32 $0x800, s23;
	v10 =	vld [tilespmem:s25+$0x8000];
	v3 =	vmax.f32 v3, v40  }
0x205: {  	s22 =	sadd.s32 $0x180, s22;
	s31 =	sor.u32 $0x800, s21;
	v3 =	vmax.f32 v3, v18;
	v18 =	vld [tilespmem:s30+$0x8000]  }
0x206: {  	s24 =	sor.u32 $0x800, s22;
	v3 =	vmax.f32 v3, v24;
	v24 =	vld [tilespmem:s31+$0x8000]  }
0x207: {  	v21 =	vld [tilespmem:s24+$0x8000]  }
0x208: {  	s25 =	sor.u32 $0x810, s21;
	v3 =	vmax.f32 v3, v20;
	v1 =	vmax.f32 v1, v19;
	v19 =	vld [tilespmem:$0x1FC20]  }
0x209: {  	s26 =	sor.u32 $0x810, s22;
	v22 =	vld [tilespmem:s25+$0x8000];
	v3 =	vmax.f32 v3, v25  }
0x20a: {  	s29 =	sor.u32 $0x830, s22;
	v25 =	vld [tilespmem:s26+$0x8000];
	v3 =	vmax.f32 v3, v23  }
0x20b: {  	s28 =	sor.u32 $0x820, s22;
	v3 =	vmax.f32 v3, v11;
	v11 =	vld [tilespmem:s29+$0x8000];
	v4 =	vmax.f32 v4, v28  }
0x20c: {  	s31 =	sor.u32 $0x840, s22;
	v28 =	vld [tilespmem:s28+$0x8000];
	v4 =	vmax.f32 v4, v18  }
0x20d: {  	s30 =	sor.u32 $0x840, s21;
	v3 =	vmax.f32 v3, v5;
	v5 =	vld [tilespmem:s31+$0x8000];
	v4 =	vmax.f32 v4, v17;
	v2 =	vmax.f32 v2, v19  }
0x20e: {  	s24 =	sor.u32 $0x850, s22;
	v0 =	vmax.f32 v3, v0;
	v18 =	vld [tilespmem:s30+$0x8000];
	v3 =	vmax.f32 v4, v14;
	v2 =	vmax.f32 v2, v27  }
0x20f: {  	s25 =	sor.u32 $0x860, s22;
	v4 =	vld [tilespmem:s24+$0x8000];
	v3 =	vmax.f32 v3, v7;
	v1 =	vmax.f32 v1, v26;
	v2 =	vmax.f32 v2, v21  }
0x210: {  	s28 =	sor.u32 $0x870, s22;
	v14 =	vld [tilespmem:s25+$0x8000];
	v3 =	vmax.f32 v3, v9;
	v1 =	vmax.f32 v1, v24;
	v2 =	vmax.f32 v2, v25  }
0x211: {  	s26 =	sor.u32 $0x870, s21;
	v9 =	vld [tilespmem:s28+$0x8000];
	v3 =	vmax.f32 v3, v15;
	v1 =	vmax.f32 v1, v22;
	v2 =	vmax.f32 v2, v28  }
0x212: {  	s25 =	sor.u32 $0xC20, s22;
	v7 =	vld [tilespmem:s26+$0x8000];
	v3 =	vmax.f32 v3, v12;
	v1 =	vmax.f32 v1, v16;
	v2 =	vmax.f32 v2, v11  }
0x213: {  	s29 =	sor.u32 $0xC00, s22;
	v3 =	vmax.f32 v3, v6;
	v6 =	vld [tilespmem:s25+$0x8000];
	v1 =	vmax.f32 v1, v10;
	v2 =	vmax.f32 v2, v5  }
0x214: {  	s31 =	sor.u32 $0xC20, s21;
	v1 =	vmax.f32 v1, v18;
	v5 =	vld [tilespmem:s29+$0x8000];
	v2 =	vmax.f32 v2, v4  }
0x215: {  	v0 =	vmax.f32 v0, v60;
	v1 =	vmax.f32 v1, v8;
	v8 =	vld [tilespmem:s31+$0x8000];
	v2 =	vmax.f32 v2, v14  }
0x216: {  	v0 =	vmax.f32 v0, v55;
	s30 =	sor.u32 $0xC10, s22;
	v1 =	vmax.f32 v1, v13;
	v2 =	vmax.f32 v2, v9;
	v9 =	vld [tilespmem:$0x1FCE0]  }
0x217: {  	v0 =	vmax.f32 v0, v49;
	s26 =	sor.u32 $0xC30, s22;
	v1 =	vmax.f32 v1, v7;
	v4 =	vld [tilespmem:s30+$0x8000]  }
0x218: {  	v0 =	vmax.f32 v0, v45;
	v7 =	vld [tilespmem:s26+$0x8000];
	v1 =	vmax.f32 v1, v63  }
0x219: {  	v0 =	vmax.f32 v0, v39;
	v1 =	vmax.f32 v1, v56;
	v2 =	vmax.f32 v2, v5;
	v5 =	vld [tilespmem:$0x1FCD0]  }
0x21a: {  	v0 =	vmax.f32 v0, v34;
	s28 =	sor.u32 $0xC40, s21;
	v1 =	vmax.f32 v1, v8;
	v8 =	vld [tilespmem:$0x1FCC0]  }
0x21b: {  	s29 =	sor.u32 $0xC40, s22;
	v0 =	vmax.f32 v0, v9;
	v9 =	vld [tilespmem:s28+$0x8000]  }
0x21c: {  	v2 =	vmax.f32 v2, v4;
	v4 =	vld [tilespmem:s29+$0x8000]  }
0x21d: {  	s19 =	sadd.s32 $0x800, s19  }
0x21e: {  	s24 =	sand.u32 $0x7000, s19;
	s25 =	sand.u32 $0x200, s20;
	v0 =	vmax.f32 v0, v5  }
0x21f: {  	s26 =	sor.u32 s25, s24;
	v1 =	vmax.f32 v1, v41;
	v2 =	vmax.f32 v2, v6;
	v0 =	vmax.f32 v0, v8;
	v8 =	vld [tilespmem:$0x1FCB0]  }
0x220: {  	v2 =	vmax.f32 v2, v7;
	v1 =	vmax.f32 v1, v9;
	v9 =	vld [tilespmem:s26+$0x8470]  }
0x221: {  	v2 =	vmax.f32 v2, v4;
	v4 =	vld [tilespmem:s26+$0x84F0];
	_ =	sdelay $0x2  }
0x222: {  	v0 =	vmax.f32 v0, v8;
	v8 =	vld [tilespmem:$0x1FCA0]  }
0x223: {  	[tilespmem:$0x1FBA0] =	vst v9;
	v9 =	vld [tilespmem:$0x1FC90]  }
0x224: {  	[tilespmem:$0x1FB90] =	vst v4;
	v4 =	vld [tilespmem:$0x1FC80];
	_ =	sdelay $0x2  }
0x225: {  	v0 =	vmax.f32 v0, v8  }
0x226: {  	v0 =	vmax.f32 v0, v9  }
0x227: {  	v0 =	vmax.f32 v0, v4;
	v4 =	vld [tilespmem:s26+$0x8570]  }
0x228: {  	(xrf0) =	vmax.scan.msk.f32 $0xffff, v0;
	v0 =	vld [tilespmem:s26+$0x85F0]  }
0x229: {  	v29 =	vld [tilespmem:s26+$0x84C0]  }
0x22a: {  	v3 =	vmax.f32 v3, v62;
	s30 =	sor.u32 $0xC50, s21;
	v9 =	vld [tilespmem:$0x1FD10]  }
0x22b: {  	v3 =	vmax.f32 v3, v51;
	v5 =	vld [tilespmem:s30+$0x8000]  }
0x22c: {  	v3 =	vmax.f32 v3, v48;
	[tilespmem:$0x1FB80] =	vst v4;
	v4 =	vld [tilespmem:$0x1FCF0]  }
0x22d: {  	v3 =	vmax.f32 v3, v42;
	[tilespmem:$0x1FB70] =	vst v0;
	v0 =	vld [tilespmem:$0x1FD00]  }
0x22e: {  	v3 =	vmax.f32 v3, v35;
	v32 =	vld [tilespmem:s26+$0x84B0]  }
0x22f: {  	v33 =	vld [tilespmem:s26+$0x8530];
	v3 =	vmax.f32 v3, v9  }
0x230: {  	v40 =	vld [tilespmem:s26+$0x8420];
	v1 =	vmax.f32 v1, v5;
	v3 =	vmax.f32 v3, v31  }
0x231: {  	v38 =	vld [tilespmem:s26+$0x84A0];
	v1 =	vmax.f32 v1, v30;
	v3 =	vmax.f32 v3, v4  }
0x232: {  	v36 =	vld [tilespmem:s26+$0x8520];
	v0 =	vmax.f32 v1, v0;
	(xrf0) =	vmax.scan.msk.f32 $0xffff, v3  }
0x233: {  	(xrf0) =	vmax.scan.msk.f32 $0xffff, v0;
	v0 =	vld [tilespmem:s26+$0x84E0]  }
0x234: {  	v37 =	vld [tilespmem:s26+$0x85A0]  }
0x235: {  	v46 =	vld [tilespmem:s26+$0x8410]  }
0x236: {  	v47 =	vld [tilespmem:s26+$0x8490]  }
0x237: {  	v43 =	vld [tilespmem:s26+$0x8510]  }
0x238: {  	[tilespmem:$0x1FC00] =	vst v0;
	v0 =	vld [tilespmem:s26+$0x8560]  }
0x239: {  	v44 =	vld [tilespmem:s26+$0x8590]  }
0x23a: {  	s31 =	sor.u32 $0xC50, s22;
	v52 =	vld [tilespmem:s26+$0x8400]  }
0x23b: {  	s23 =	sor.u32 $0xC60, s22;
	v6 =	vld [tilespmem:s31+$0x8000]  }
0x23c: {  	v7 =	vld [tilespmem:s23+$0x8000]  }
0x23d: {  	s22 =	sor.u32 $0xC70, s22;
	[tilespmem:$0x1FC10] =	vst v0;
	v0 =	vld [tilespmem:s26+$0x85E0]  }
0x23e: {  	v8 =	vld [tilespmem:s22+$0x8000]  }
0x23f: {  	v53 =	vld [tilespmem:s26+$0x8480]  }
0x240: {  	v54 =	vld [tilespmem:s26+$0x8500]  }
0x241: {  	v50 =	vld [tilespmem:s26+$0x8580];
	v2 =	vmax.f32 v2, v6  }
0x242: {  	v1 =	vmax.f32 v2, v7;
	[tilespmem:$0x1FC20] =	vst v0;
	v0 =	vld [tilespmem:s26+$0x8450]  }
0x243: {  	v61 =	vld [tilespmem:s26+$0x8070];
	v1 =	vmax.f32 v1, v8  }
0x244: {  	v57 =	vld [tilespmem:s26+$0x80F0];
	(xrf0) =	vmax.scan.msk.f32 $0xffff, v1  }
0x245: {  	v58 =	vld [tilespmem:s26+$0x8170]  }
0x246: {  	v59 =	vld [tilespmem:s26+$0x81F0]  }
0x247: {  	v10 =	vld [tilespmem:s26+$0x8150];
	[tilespmem:$0x1FBE0] =	vst v0;
	v0, _, _ =	vpop (xrf0)  }
0x248: {  	v12 =	vld [tilespmem:s26+$0x8040];
	(v2sf) =	vpush v0, $0xF;
	v0, _, _ =	vpop (xrf0)  }
0x249: {  	v13 =	vld [tilespmem:s26+$0x80C0];
	(v2sf) =	vpush v0, $0xF;
	v0, _, _ =	vpop (xrf0)  }
0x24a: {  	v15 =	vld [tilespmem:s26+$0x81C0];
	(v2sf) =	vpush v0, $0xF;
	v0, _, _ =	vpop (xrf0)  }
0x24b: {  	v18 =	vld [tilespmem:s26+$0x80B0];
	(v2sf) =	vpush v0, $0xF  }
0x24c: {  	v16 =	vld [tilespmem:s26+$0x8130]  }
0x24d: {  	v17 =	vld [tilespmem:s26+$0x81B0]  }
0x24e: {  	v63 =	vld [tilespmem:s26+$0x8020]  }
0x24f: {  	v19 =	vld [tilespmem:s26+$0x80A0]  }
0x250: {  	v0 =	vld [tilespmem:s26+$0x8540]  }
0x251: {  	v20 =	vld [tilespmem:s26+$0x8120]  }
0x252: {  	v21 =	vld [tilespmem:s26+$0x81A0]  }
0x253: {  	v62 =	vld [tilespmem:s26+$0x8010]  }
0x254: {  	v22 =	vld [tilespmem:s26+$0x8080]  }
0x255: {  	[tilespmem:$0x1FC50] =	vst v0;
	v0 =	vld [tilespmem:s26+$0x85C0]  }
0x256: {  	v23 =	vld [tilespmem:s26+$0x8090]  }
0x257: {  	v24 =	vld [tilespmem:s26+$0x8100];
	s28 =	spop (v2sf)  }
0x258: {  	v25 =	vld [tilespmem:s26+$0x8110];
	s29 =	spop (v2sf)  }
0x259: {  	v1 =	vld [tilespmem:s26+$0x84D0];
	s30 =	spop (v2sf)  }
0x25a: {  	[tilespmem:$0x1FBF0] =	vst v0;
	v0 =	vld [tilespmem:s26+$0x8430];
	s22 =	sadd.f32 s29, s28;
	s31 =	spop (v2sf)  }
0x25b: {  	v26 =	vld [tilespmem:s26+$0x8180];
	s23 =	sadd.f32 s31, s30  }
0x25c: {  	v27 =	vld [tilespmem:s26+$0x8190]  }
0x25d: {  	v56 =	vld [tilespmem:s26+$0x8000];
	s22 =	sadd.f32 s23, s22  }
0x25e: {  	[tilespmem:$0x1FBD0] =	vst v1;
	v1 =	vld [tilespmem:s26+$0x8550]  }
0x25f: {  	p1 =	por !p1, !p1;
	[tilespmem:$0x1FC60] =	vst v0;
	v0 =	vld [tilespmem:s26+$0x85B0];
	s18 =	sadd.f32 s22, s18;
	s22 =	simm.s32 $0x1  }
0x260: {  	v14 =	vld [tilespmem:s26+$0x8140];
	s22 =	simm.s32 @!p1 $0x0  }
0x261: {  	v6 =	vld [tilespmem:s26+$0x8030];
	s22 =	sshll.u32 s22, $0x9  }
0x262: {  	v9 =	vld [tilespmem:s26+$0x80D0];
	s22 =	sadd.s32 s22, s19  }
0x263: {  	[tilespmem:$0x1FC30] =	vst v1;
	v1 =	vld [tilespmem:s26+$0x85D0];
	s24 =	sor.u32 $0xC70, s22  }
0x264: {  	[tilespmem:$0x1FC70] =	vst v0;
	v0 =	vld [tilespmem:s24+$0x8000]  }
0x265: {  	v4 =	vld [tilespmem:s26+$0x80E0]  }
0x266: {  	v2 =	vld [tilespmem:s26+$0x8460]  }
0x267: {  	v3 =	vld [tilespmem:s26+$0x8060]  }
0x268: {  	[tilespmem:$0x1FC40] =	vst v1;
	v1 =	vld [tilespmem:s26+$0x8440];
	s25 =	sor.u32 $0xC60, s22  }
0x269: {  	[tilespmem:$0x1FC80] =	vst v0;
	v0 =	vld [tilespmem:s25+$0x8000]  }
0x26a: {  	v7 =	vld [tilespmem:s26+$0x81D0]  }
0x26b: {  	v8 =	vld [tilespmem:s26+$0x8050]  }
0x26c: {  	[tilespmem:$0x1FBB0] =	vst v2;
	v2 =	vld [tilespmem:s26+$0x81E0]  }
0x26d: {  	[tilespmem:$0x1FBC0] =	vst v1;
	v1 =	vld [tilespmem:s26+$0x8160];
	s26 =	sor.u32 $0xC50, s22  }
0x26e: {  	v22 =	vmax.f32 v22, v23;
	v23 =	vmax.f32 v24, v25;
	[tilespmem:$0x1FC90] =	vst v0;
	v0 =	vld [tilespmem:s26+$0x8000]  }
0x26f: {  	v20 =	vmax.f32 v23, v20;
	v23 =	vld [tilespmem:$0x1FBA0]  }
0x270: {  	v24 =	vmax.f32 v26, v27;
	v26 =	vld [tilespmem:$0x1FB80]  }
0x271: {  	v21 =	vmax.f32 v24, v21;
	v20 =	vmax.f32 v20, v16;
	v27 =	vld [tilespmem:$0x1FB70]  }
0x272: {  	v21 =	vmax.f32 v21, v17;
	v17 =	vmax.f32 v20, v14;
	v20 =	vld [tilespmem:$0x1FBE0];
	s28 =	sor.u32 $0xC40, s22  }
0x273: {  	[tilespmem:$0x1FCA0] =	vst v0;
	v0 =	vld [tilespmem:s28+$0x8000]  }
0x274: {  	v24 =	vld [tilespmem:$0x1FBC0]  }
0x275: {  	v14 =	vmax.f32 v21, v15;
	v21 =	vld [tilespmem:$0x1FBF0];
	s24 =	sor.u32 $0xC00, s22  }
0x276: {  	v34 =	vld [tilespmem:s24+$0x8000];
	s24 =	sor.u32 $0x810, s22  }
0x277: {  	s29 =	sor.u32 $0xC30, s22;
	v5 =	vld [tilespmem:s24+$0x8000]  }
0x278: {  	s25 =	sor.u32 $0x870, s22;
	[tilespmem:$0x1FCB0] =	vst v0;
	v0 =	vld [tilespmem:s29+$0x8000]  }
0x279: {  	s23 =	sadd.s32 $0x80, s22;
	v39 =	vld [tilespmem:s25+$0x8000];
	s26 =	sor.u32 $0x860, s22  }
0x27a: {  	v45 =	vld [tilespmem:s26+$0x8000];
	s26 =	sor.u32 $0xC70, s23  }
0x27b: {  	s25 =	sor.u32 $0x800, s22;
	v28 =	vld [tilespmem:s26+$0x8000]  }
0x27c: {  	s30 =	sor.u32 $0xC20, s22;
	v11 =	vld [tilespmem:s25+$0x8000]  }
0x27d: {  	s26 =	sor.u32 $0xC40, s23;
	[tilespmem:$0x1FCC0] =	vst v0;
	v0 =	vld [tilespmem:s30+$0x8000]  }
0x27e: {  	s21 =	sadd.s32 $0x100, s22;
	v35 =	vld [tilespmem:s26+$0x8000];
	s28 =	sor.u32 $0x850, s22  }
0x27f: {  	v49 =	vld [tilespmem:s28+$0x8000];
	s28 =	sor.u32 $0xC70, s21  }
0x280: {  	[tilespmem:$0x1FCF0] =	vst v28;
	v28 =	vld [tilespmem:s28+$0x8000];
	s28 =	sor.u32 $0xC30, s23  }
0x281: {  	s31 =	sor.u32 $0xC10, s22;
	v42 =	vld [tilespmem:s28+$0x8000]  }
0x282: {  	s29 =	sor.u32 $0x840, s22;
	[tilespmem:$0x1FCD0] =	vst v0;
	v0 =	vld [tilespmem:s31+$0x8000]  }
0x283: {  	v55 =	vld [tilespmem:s29+$0x8000];
	s29 =	sor.u32 $0xC60, s23  }
0x284: {  	v31 =	vld [tilespmem:s29+$0x8000];
	s29 =	sor.u32 $0xC30, s21  }
0x285: {  	v41 =	vld [tilespmem:s29+$0x8000];
	s30 =	sor.u32 $0x830, s22  }
0x286: {  	v60 =	vld [tilespmem:s30+$0x8000];
	s31 =	sor.u32 $0x820, s22  }
0x287: {  	[tilespmem:$0x1FCE0] =	vst v0;
	v0 =	vld [tilespmem:s31+$0x8000];
	s31 =	sor.u32 $0xC50, s23  }
0x288: {  	[tilespmem:$0x1FD00] =	vst v28;
	s30 =	sor.u32 $0xC60, s21;
	v28 =	vld [tilespmem:s31+$0x8000]  }
0x289: {  	v30 =	vld [tilespmem:s30+$0x8000];
	s30 =	sor.u32 $0xC20, s23  }
0x28a: {  	v19 =	vmax.f32 v22, v19;
	v48 =	vld [tilespmem:s30+$0x8000];
	s31 =	sor.u32 $0xC10, s23  }
0x28b: {  	v19 =	vmax.f32 v19, v18;
	v51 =	vld [tilespmem:s31+$0x8000];
	s31 =	sor.u32 $0x860, s21  }
0x28c: {  	v16 =	vmax.f32 v19, v13;
	s25 =	sor.u32 $0xC10, s21;
	v13 =	vld [tilespmem:s31+$0x8000]  }
0x28d: {  	s26 =	sor.u32 $0xC00, s23;
	[tilespmem:$0x1FD10] =	vst v28;
	v28 =	vmax.f32 v56, v62;
	v56 =	vld [tilespmem:s25+$0x8000]  }
0x28e: {  	v62 =	vld [tilespmem:s26+$0x8000]  }
0x28f: {  	p2 =	sne.s32 s20, $0x1E00;
	s28 =	sor.u32 $0xC00, s21;
	v25 =	vmax.f32 v28, v63;
	v28 =	vld [tilespmem:$0x1FB90]  }
.Ltmp3:
0x290: {  	v63 =	vld [tilespmem:s28+$0x8000];
	(pc) =	sbr.rel @p2 .LBB2_5-.Ltmp3, $4  }
0x291: {  	s29 =	sor.u32 $0x870, s23;
	v22 =	vmax.f32 v25, v6;
	v25 =	vld [tilespmem:$0x1FBB0]  }
0x292: {  	v6 =	vld [tilespmem:s29+$0x8000]  }
0x293: {  	s30 =	sor.u32 $0x860, s23;
	v18 =	vmax.f32 v22, v12;
	v22 =	vld [tilespmem:$0x1FBD0]  }
0x294: {  	s20 =	sadd.s32 $0x200, s20;
	s24 =	sor.u32 $0x850, s23;
	v12 =	vld [tilespmem:s30+$0x8000]  }
0x295: {  	v15 =	vld [tilespmem:s24+$0x8000]  }
0x296: {  	v8 =	vmax.f32 v18, v8;
	s19 =	sor.u32 $0x850, s21;
	v19 =	vld [tilespmem:$0x1FC70]  }
0x297: {  	v7 =	vmax.f32 v14, v7;
	s20 =	sor.u32 $0x840, s23;
	v3 =	vmax.f32 v8, v3;
	v8 =	vld [tilespmem:s19+$0x8000]  }
0x298: {  	v9 =	vmax.f32 v16, v9;
	s24 =	sor.u32 $0x830, s23;
	v2 =	vmax.f32 v7, v2;
	v7 =	vld [tilespmem:s20+$0x8000]  }
0x299: {  	v10 =	vmax.f32 v17, v10;
	s25 =	sor.u32 $0x830, s21;
	v4 =	vmax.f32 v9, v4;
	v9 =	vld [tilespmem:s24+$0x8000]  }
0x29a: {  	s31 =	sor.u32 $0x800, s21;
	v1 =	vmax.f32 v10, v1;
	v10 =	vld [tilespmem:s25+$0x8000]  }
0x29b: {  	v4 =	vmax.f32 v4, v57;
	v57 =	vld [tilespmem:s31+$0x8000]  }
0x29c: {  	v1 =	vmax.f32 v1, v58;
	v58 =	vld [tilespmem:$0x1FC50]  }
0x29d: {  	s28 =	sor.u32 $0x820, s21;
	v3 =	vmax.f32 v3, v61;
	v2 =	vmax.f32 v2, v59;
	v61 =	vld [tilespmem:$0x1FC30]  }
0x29e: {  	s29 =	sor.u32 $0x810, s23;
	v2 =	vmax.f32 v2, v50;
	v50 =	vld [tilespmem:s28+$0x8000]  }
0x29f: {  	v3 =	vmax.f32 v3, v52;
	v52 =	vld [tilespmem:s29+$0x8000]  }
0x2a0: {  	s30 =	sor.u32 $0x800, s23;
	s19 =	sadd.s32 $0x180, s22;
	v4 =	vmax.f32 v4, v53;
	v53 =	vld [tilespmem:$0x1FC60]  }
0x2a1: {  	s26 =	sor.u32 $0x820, s23;
	s23 =	sor.u32 $0x800, s19;
	v1 =	vmax.f32 v1, v54;
	v54 =	vld [tilespmem:s30+$0x8000]  }
0x2a2: {  	v59 =	vld [tilespmem:s23+$0x8000]  }
0x2a3: {  	s29 =	sor.u32 $0x840, s21;
	v4 =	vmax.f32 v4, v47;
	v47 =	vld [tilespmem:s26+$0x8000]  }
0x2a4: {  	s22 =	sor.u32 $0x860, s19;
	v1 =	vmax.f32 v1, v43;
	v43 =	vld [tilespmem:s29+$0x8000]  }
0x2a5: {  	s23 =	sor.u32 $0x870, s21;
	v3 =	vmax.f32 v3, v46;
	v2 =	vmax.f32 v2, v44;
	v44 =	vld [tilespmem:s22+$0x8000]  }
0x2a6: {  	v46 =	vld [tilespmem:s23+$0x8000];
	v3 =	vmax.f32 v3, v40;
	v4 =	vmax.f32 v4, v38  }
0x2a7: {  	v4 =	vmax.f32 v4, v32;
	v32 =	vld [tilespmem:$0x1FC00];
	v3 =	vmax.f32 v3, v53  }
0x2a8: {  	v3 =	vmax.f32 v3, v24;
	v24 =	vld [tilespmem:$0x1FC40]  }
0x2a9: {  	s25 =	sor.u32 $0x810, s19;
	v1 =	vmax.f32 v1, v36;
	v2 =	vmax.f32 v2, v37;
	v37 =	vld [tilespmem:$0x1FC20]  }
0x2aa: {  	s26 =	sor.u32 $0x820, s19;
	v36 =	vld [tilespmem:s25+$0x8000];
	v1 =	vmax.f32 v1, v33;
	v2 =	vmax.f32 v2, v19;
	v4 =	vmax.f32 v4, v29  }
0x2ab: {  	s28 =	sor.u32 $0x830, s19;
	v38 =	vld [tilespmem:s26+$0x8000];
	v1 =	vmax.f32 v1, v58;
	v4 =	vmax.f32 v4, v22;
	v3 =	vmax.f32 v3, v20  }
0x2ac: {  	v40 =	vld [tilespmem:s28+$0x8000];
	v2 =	vmax.f32 v2, v21;
	v3 =	vmax.f32 v3, v25;
	v4 =	vmax.f32 v4, v32  }
0x2ad: {  	s24 =	sor.u32 $0x810, s21;
	v33 =	vld [tilespmem:$0x1FC10];
	v3 =	vmax.f32 v3, v23;
	v4 =	vmax.f32 v4, v28;
	v2 =	vmax.f32 v2, v24  }
0x2ae: {  	s30 =	sor.u32 $0x840, s19;
	v29 =	vld [tilespmem:s24+$0x8000];
	v3 =	vmax.f32 v3, v11;
	v4 =	vmax.f32 v4, v54;
	v2 =	vmax.f32 v2, v37  }
0x2af: {  	s31 =	sor.u32 $0x850, s19;
	v3 =	vmax.f32 v3, v5;
	v4 =	vmax.f32 v4, v52;
	v5 =	vld [tilespmem:s30+$0x8000];
	v2 =	vmax.f32 v2, v27  }
0x2b0: {  	v0 =	vmax.f32 v3, v0;
	v3 =	vmax.f32 v4, v47;
	v4 =	vld [tilespmem:s31+$0x8000];
	v2 =	vmax.f32 v2, v59  }
0x2b1: {  	v1 =	vmax.f32 v1, v61;
	v61 =	vld [tilespmem:$0x1FCA0];
	v2 =	vmax.f32 v2, v36  }
0x2b2: {  	s24 =	sor.u32 $0x870, s19;
	v1 =	vmax.f32 v1, v33;
	v54 =	vld [tilespmem:$0x1FCE0];
	v2 =	vmax.f32 v2, v38  }
0x2b3: {  	s25 =	sor.u32 $0xC00, s19;
	v1 =	vmax.f32 v1, v26;
	v47 =	vld [tilespmem:s24+$0x8000];
	v2 =	vmax.f32 v2, v40  }
0x2b4: {  	s26 =	sor.u32 $0xC10, s19;
	v1 =	vmax.f32 v1, v57;
	v2 =	vmax.f32 v2, v5;
	v5 =	vld [tilespmem:s25+$0x8000]  }
0x2b5: {  	v1 =	vmax.f32 v1, v29;
	v2 =	vmax.f32 v2, v4;
	v4 =	vld [tilespmem:s26+$0x8000]  }
0x2b6: {  	s29 =	sor.u32 $0xC20, s19;
	v57 =	vld [tilespmem:$0x1FCC0];
	v1 =	vmax.f32 v1, v50;
	v0 =	vmax.f32 v0, v60  }
0x2b7: {  	v52 =	vld [tilespmem:s29+$0x8000];
	s30 =	sor.u32 $0xC30, s19;
	v3 =	vmax.f32 v3, v9;
	v1 =	vmax.f32 v1, v10;
	v2 =	vmax.f32 v2, v44  }
0x2b8: {  	v53 =	vld [tilespmem:s30+$0x8000];
	v0 =	vmax.f32 v0, v55;
	v3 =	vmax.f32 v3, v7;
	v2 =	vmax.f32 v2, v47  }
0x2b9: {  	s23 =	sor.u32 $0xC40, s19;
	v1 =	vmax.f32 v1, v43;
	v55 =	vld [tilespmem:$0x1FCD0];
	v0 =	vmax.f32 v0, v49;
	v2 =	vmax.f32 v2, v5  }
0x2ba: {  	s28 =	sor.u32 $0xC20, s21;
	v3 =	vmax.f32 v3, v15;
	v1 =	vmax.f32 v1, v8;
	v2 =	vmax.f32 v2, v4;
	v4 =	vld [tilespmem:s23+$0x8000]  }
0x2bb: {  	v50 =	vld [tilespmem:s28+$0x8000];
	v0 =	vmax.f32 v0, v45;
	v3 =	vmax.f32 v3, v12;
	v1 =	vmax.f32 v1, v13  }
0x2bc: {  	v59 =	vld [tilespmem:$0x1FCB0];
	v0 =	vmax.f32 v0, v39;
	v3 =	vmax.f32 v3, v6;
	v1 =	vmax.f32 v1, v46  }
0x2bd: {  	v0 =	vmax.f32 v0, v34;
	v3 =	vmax.f32 v3, v62;
	v62 =	vld [tilespmem:$0x1FC90];
	v2 =	vmax.f32 v2, v52  }
0x2be: {  	v1 =	vmax.f32 v1, v63;
	v63 =	vld [tilespmem:$0x1FD10];
	v0 =	vmax.f32 v0, v54;
	v2 =	vmax.f32 v2, v53  }
0x2bf: {  	s24 =	sor.u32 $0xC50, s21;
	v0 =	vmax.f32 v0, v55;
	v2 =	vmax.f32 v2, v4;
	v4 =	vld [tilespmem:$0x1FC80]  }
0x2c0: {  	s31 =	sor.u32 $0xC40, s21;
	v1 =	vmax.f32 v1, v56;
	v56 =	vld [tilespmem:s24+$0x8000];
	v0 =	vmax.f32 v0, v57  }
0x2c1: {  	s25 =	sor.u32 $0xC50, s19;
	v0 =	vmax.f32 v0, v59;
	v5 =	vld [tilespmem:s31+$0x8000]  }
0x2c2: {  	v58 =	vld [tilespmem:s25+$0x8000];
	s26 =	sor.u32 $0xC60, s19;
	v0 =	vmax.f32 v0, v61  }
0x2c3: {  	v3 =	vmax.f32 v3, v51;
	v60 =	vld [tilespmem:s26+$0x8000];
	v0 =	vmax.f32 v0, v62  }
0x2c4: {  	v3 =	vmax.f32 v3, v48;
	v1 =	vmax.f32 v1, v50;
	v0 =	vmax.f32 v0, v4;
	v4 =	vld [tilespmem:$0x1FCF0]  }
0x2c5: {  	s19 =	sor.u32 $0xC70, s19;
	v3 =	vmax.f32 v3, v42;
	v1 =	vmax.f32 v1, v41;
	(xrf0) =	vmax.scan.msk.f32 $0xffff, v0;
	v0 =	vld [tilespmem:$0x1FD00]  }
0x2c6: {  	v3 =	vmax.f32 v3, v35;
	v1 =	vmax.f32 v1, v5;
	v5 =	vld [tilespmem:s19+$0x8000]  }
0x2c7: {  	v3 =	vmax.f32 v3, v63  }
0x2c8: {  	v3 =	vmax.f32 v3, v31;
	v1 =	vmax.f32 v1, v56  }
0x2c9: {  	v1 =	vmax.f32 v1, v30;
	v2 =	vmax.f32 v2, v58;
	v3 =	vmax.f32 v3, v4  }
0x2ca: {  	v0 =	vmax.f32 v1, v0;
	v1 =	vmax.f32 v2, v60;
	(xrf0) =	vmax.scan.msk.f32 $0xffff, v3  }
0x2cb: {  	v1 =	vmax.f32 v1, v5;
	(xrf0) =	vmax.scan.msk.f32 $0xffff, v0  }
0x2cc: {  	(xrf0) =	vmax.scan.msk.f32 $0xffff, v1;
	_ =	sdelay $0x2  }
0x2cd: {  	v0, _, _ =	vpop (xrf0)  }
0x2ce: {  	(v2sf) =	vpush v0, $0xF;
	v0, _, _ =	vpop (xrf0)  }
0x2cf: {  	(v2sf) =	vpush v0, $0xF;
	v0, _, _ =	vpop (xrf0)  }
0x2d0: {  	(v2sf) =	vpush v0, $0xF;
	v0, _, _ =	vpop (xrf0)  }
0x2d1: {  	(v2sf) =	vpush v0, $0xF;
	_ =	sdelay $0xb  }
0x2d2: {  	s28 =	spop (v2sf)  }
0x2d3: {  	s29 =	spop (v2sf)  }
0x2d4: {  	s30 =	spop (v2sf)  }
0x2d5: {  	v3 =	vld [tilespmem:$0x1FFF0];
	s19 =	sadd.f32 s29, s28;
	s31 =	spop (v2sf)  }
0x2d6: {  	s20 =	sadd.f32 s31, s30;
	_ =	sdelay $0x1  }
0x2d7: {  	s19 =	sadd.f32 s20, s19;
	_ =	sdelay $0x1  }
.Ltmp4:
0x2d8: {  	v0 =	vadd.f32 s17, v3;
	s18 =	sadd.f32 s19, s18;
	(pc) =	sbr.rel @p0 .LBB2_8-.Ltmp4, $4  }
0x2d9: {  	_ = 	snop  }
0x2da: {  	v2 =	vmov s16;
	v1 =	vadd.f32 s18, v0;
	v0 =	vlaneseq.u32  }
0x2db: {  	vm0 =	veq.s32 v2, v0  }
0x2dc: {  	v0 =	vsel vm0, v1, v3  }
.Ltmp5:
0x2dd: {  	(pc) =	sbr.rel .LBB2_2-.Ltmp5, $4  }
0x2de: {  	s17 =	sadd.s32 s16, s5  }
0x2df: {  	s17 =	sshll.u32 s17, $0x11  }
0x2e0: {  	s16 =	sadd.s32 $0x1, s16;
	[tilespmem:$0x1FFF0] =	vst v0;
	s17 =	sadd.s32 s17, s7  }
0x2e1: {  	[tilespmem:s10], [sflag:$0x2] =	stream.linear.gather [hbm4b:s17+s2], $0x8000, $0x38;
	[tilespmem:$0x10080] =	vst v63  }
.LBB2_9:
0x2e2: {  	_ =	sfence.sel $0x180000  }
0x2e3: {  	[bflag:$0x0] =	sbarrier.arrive $0xFFFF  }
0x2e4: {  	p0 =	sne.s32 s1, $0x0;
	_ =	strace $0x90000047  }
0x2e5: {  	s0 =	sadd.s32 @!p0 $0x100000, s0;
	[bflag:$0x2] =	sbarrier.arrive $0xFFFF  }
0x2e6: {  	[sflag:s0] =	ssyncadd.tile.s32 @!p0 $0x1;
	_ =	shalt  }
.Lfunc_end2:
_tile_overlayer_lowered:
.L_overlay_start_2:
0x2e7: {  	(tag) =	ssettag $0x2  }
0x2e8: {  	s0 =	rddreg [dreg:$0x0];
	s2 =	stileid.u32  }
0x2e9: {  	s1 =	rddreg [dreg:$0x1];
	p0 =	sne.s32 s2, $0x0  }
0x2ea: {  	s3 =	rddreg [dreg:$0x2];
	[bflag:$0x3] =	sbarrier.arrive $0xFFFF;
	s2 =	simm.s32 @!p0 $0x1C03  }
0x2eb: {  	[timem:s3], [sflag:s2] =	dma.local @!p0 [hbm:s0], s1  }
0x2ec: {  	s0 =	simm.s32 @!p0 $0x3  }
0x2ed: {  	_ =	swait.ge @!p0 [sflag:s0], s1  }
0x2ee: {  	s1 =	ssub.s32 @!p0 $0x0, s1;
	[sflag:s0] =	ssyncset.done @!p0 $0x0  }
0x2ef: {  	[sflag:s0] =	ssyncadd.s32 @!p0 s1  }
0x2f0: {  	[bflag:$0x3] =	sbarrier.arrive $0xFFFF  }
0x2f1: {  	_ =	shalt  }

</sc_bundles>
